<compile_context>
chip_gen: v7x
topology: tpu7x:2x2x1
jax: 0.10.2.dev20260603
libtpu: 0.0.44.dev20260713+nightly
codegen_flags: <defaults>
</compile_context>

<pallas_src>
import jax
import jax.numpy as jnp
from jax import lax
from jax.experimental import pallas as pl
from jax.experimental.pallas import tpu as pltpu
from jax.experimental.pallas import tpu_sc as plsc

BATCH = 1024
MAXLEN = 200
EMBED = 64
HALF = 100
H_PAD = 104

NUM_CORES = 2
NUM_SUBCORES = 16
NUM_WORKERS = NUM_CORES * NUM_SUBCORES
SEQS_PER_WORKER = BATCH // NUM_WORKERS
LANES = 16
NBUF = 2
NROUNDS = SEQS_PER_WORKER // NBUF


def _embed_kernel(x_hbm, tok_hbm, pos_hbm, out_hbm, idx_v, pos_v,
                  gbufs, wbufs, gsems, osems):
    wid = lax.axis_index("s") * NUM_CORES + lax.axis_index("c")
    base = wid * SEQS_PER_WORKER

    pltpu.sync_copy(x_hbm.at[pl.ds(base, SEQS_PER_WORKER)], idx_v)
    pltpu.sync_copy(pos_hbm, pos_v)

    def start_gather(s, b):
        pltpu.make_async_copy(
            tok_hbm.at[idx_v.at[s, 0]], gbufs[b].at[pl.ds(0, HALF)], gsems[b]
        ).start()
        pltpu.make_async_copy(
            tok_hbm.at[idx_v.at[s, 1]], gbufs[b].at[pl.ds(HALF, HALF)], gsems[b]
        ).start()

    def wait_gather(s, b):
        pltpu.make_async_copy(
            tok_hbm.at[idx_v.at[s, 0]], gbufs[b].at[pl.ds(0, HALF)], gsems[b]
        ).wait()
        pltpu.make_async_copy(
            tok_hbm.at[idx_v.at[s, 1]], gbufs[b].at[pl.ds(HALF, HALF)], gsems[b]
        ).wait()

    def add_pos(b):
        @pl.loop(0, HALF)
        def _(h):
            r = 2 * h
            for j in range(EMBED // LANES):
                c = pl.ds(j * LANES, LANES)
                cl = pl.ds(j * LANES + EMBED, LANES)
                wbufs[b][h, c] = gbufs[b][r, c] + pos_v[r, c]
                wbufs[b][h, cl] = gbufs[b][r + 1, c] + pos_v[r + 1, c]

    def start_write(s, b):
        pltpu.make_async_copy(
            wbufs[b], out_hbm.at[base + s, pl.ds(0, HALF)], osems[b]
        ).start()

    def wait_write(s, b):
        pltpu.make_async_copy(
            wbufs[b], out_hbm.at[base + s, pl.ds(0, HALF)], osems[b]
        ).wait()

    for b in range(NBUF):
        start_gather(b, b)

    for b in range(NBUF):
        wait_gather(b, b)
        add_pos(b)
        start_gather(NBUF + b, b)
        start_write(b, b)

    @pl.loop(1, NROUNDS - 1)
    def _(g):
        for b in range(NBUF):
            s = g * NBUF + b
            wait_gather(s, b)
            wait_write(s - NBUF, b)
            add_pos(b)
            start_gather(s + NBUF, b)
            start_write(s, b)

    for b in range(NBUF):
        s = (NROUNDS - 1) * NBUF + b
        wait_gather(s, b)
        wait_write(s - NBUF, b)
        add_pos(b)
        start_write(s, b)
    for b in range(NBUF):
        s = (NROUNDS - 1) * NBUF + b
        wait_write(s, b)


def _wrapped(x3, token_table, pos_table):
    mesh = plsc.VectorSubcoreMesh(core_axis_name="c", subcore_axis_name="s")
    vmem_rows = lambda: pltpu.VMEM((MAXLEN, EMBED), jnp.float32)

    def body(x_hbm, tok_hbm, pos_hbm, out_hbm, idx_v, pos_v,
             g0, g1, w0, w1, gs0, gs1, os0, os1):
        _embed_kernel(x_hbm, tok_hbm, pos_hbm, out_hbm, idx_v, pos_v,
                      (g0, g1), (w0, w1), (gs0, gs1), (os0, os1))

    k = pl.kernel(
        body,
        out_type=jax.ShapeDtypeStruct((BATCH, H_PAD, 2 * EMBED), jnp.float32),
        mesh=mesh,
        scratch_types=[
            pltpu.VMEM((SEQS_PER_WORKER, 2, HALF), jnp.int32),
            vmem_rows(), vmem_rows(), vmem_rows(),
            pltpu.VMEM((HALF, 2 * EMBED), jnp.float32),
            pltpu.VMEM((HALF, 2 * EMBED), jnp.float32),
            pltpu.SemaphoreType.DMA,
            pltpu.SemaphoreType.DMA,
            pltpu.SemaphoreType.DMA,
            pltpu.SemaphoreType.DMA,
        ],
        compiler_params=pltpu.CompilerParams(use_tc_tiling_on_sc=False),
    )
    return k(x3, token_table, pos_table)


B_BLK = 128
H_BLK = H_PAD


def _xpose_body(j_ref, out_ref):
    for hh in range(HALF):
        out_ref[pl.ds(hh * 2 * EMBED, 2 * EMBED), :] = j_ref[:, hh, :].T


def _tc_xpose(jflat):
    return pl.pallas_call(
        _xpose_body,
        out_shape=jax.ShapeDtypeStruct((HALF * 2 * EMBED, BATCH), jnp.float32),
        grid=(BATCH // B_BLK,),
        in_specs=[
            pl.BlockSpec((B_BLK, H_BLK, 2 * EMBED), lambda i: (i, 0, 0)),
        ],
        out_specs=pl.BlockSpec((H_BLK * 2 * EMBED, B_BLK), lambda i: (0, i)),
    )(jflat)


@jax.jit
def kernel(x, token_table, pos_table):
    x3 = x.reshape(BATCH, 2, HALF).astype(jnp.int32)
    j = _wrapped(x3, token_table, pos_table)
    out_t = _tc_xpose(j)
    return jnp.transpose(out_t.reshape(MAXLEN, EMBED, BATCH), (2, 0, 1))

# --- scband reference (transcript-rebuilt; emitter-appended) ---
"""Pipeline reference for scband-token-and-position-embedding-9062380994614 (READ-ONLY COPY).

The authoritative reference and input builder live on the scoring server;
editing this copy changes nothing except your own understanding.
"""

import jax, jax.numpy as jnp
import numpy as np

MAXLEN = 200
VOCAB_SIZE = 100000
EMBED_DIM = 64
BATCH = 1024

def setup_inputs(seed: int = 0) -> dict:
    key = jax.random.key(seed)
    k1, k2, k3 = jax.random.split(key, 3)
    x = jax.random.randint(k1, (BATCH, MAXLEN), 0, VOCAB_SIZE, dtype=jnp.int64 if jax.config.read('jax_enable_x64') else jnp.int32)
    token_table = jax.random.normal(k2, (VOCAB_SIZE, EMBED_DIM), dtype=jnp.float32) * 0.05
    pos_table = jax.random.normal(k3, (MAXLEN, EMBED_DIM), dtype=jnp.float32) * 0.05
    return {"x": x, "token_table": token_table, "pos_table": pos_table}

def reference(x, token_table, pos_table):
    maxlen = x.shape[-1]
    positions = jnp.arange(0, maxlen)
    pos_emb = jnp.take(pos_table, positions, axis=0)  # [maxlen, embed_dim]
    tok_emb = jnp.take(token_table, x, axis=0)        # [B, maxlen, embed_dim]
    return tok_emb + pos_emb[None, :, :]

if __name__ == "__main__":
    import jax
    _d = setup_inputs()
    print(jax.jit(kernel)(*tuple(_d.values())))

</pallas_src>

<mosaic_0001>
#map = affine_map<(d0, d1) -> (0, 0, 0)>
#map1 = affine_map<(d0, d1) -> (0, 0)>
module attributes {stable_mosaic.version = 14 : i64} {
  func.func @body(%arg0: i32, %arg1: i32, %arg2: memref<1024x2x100xi32, #tpu.memory_space<hbm>>, %arg3: memref<100000x64xf32, #tpu.memory_space<hbm>>, %arg4: memref<200x64xf32, #tpu.memory_space<hbm>>, %arg5: memref<1024x104x128xf32, #tpu.memory_space<hbm>>, %arg6: memref<32x2x100xi32, #tpu.memory_space<vmem>>, %arg7: memref<200x64xf32, #tpu.memory_space<vmem>>, %arg8: memref<200x64xf32, #tpu.memory_space<vmem>>, %arg9: memref<200x64xf32, #tpu.memory_space<vmem>>, %arg10: memref<100x128xf32, #tpu.memory_space<vmem>>, %arg11: memref<100x128xf32, #tpu.memory_space<vmem>>, %arg12: memref<!tpu.dma_semaphore, #tpu.memory_space<semaphore_mem>>, %arg13: memref<!tpu.dma_semaphore, #tpu.memory_space<semaphore_mem>>, %arg14: memref<!tpu.dma_semaphore, #tpu.memory_space<semaphore_mem>>, %arg15: memref<!tpu.dma_semaphore, #tpu.memory_space<semaphore_mem>>) attributes {dimension_semantics = [#tpu.dimension_semantics<core_parallel>, #tpu.dimension_semantics<subcore_parallel>], iteration_bounds = array<i64: 2, 16>, scalar_prefetch = 0 : i64, scratch_operands = 10 : i64, tpu.core_type = #tpu.core_type<sc_vector_subcore>, window_params = [{transform_indices = #map}, {transform_indices = #map1}, {transform_indices = #map1}, {transform_indices = #map}]} {
    %mul3A = arith.constant 2 : i32
    %mul3A_0 = arith.muli %arg1, %mul3A : i32
    %add3A = arith.addi %mul3A_0, %arg0 : i32
    %mul3A_1 = arith.constant 32 : i32
    %mul3A_2 = arith.muli %add3A, %mul3A_1 : i32
    "tpu.region"() ({
      %run_scoped3A = tpu.sem_alloc : memref<!tpu.dma_semaphore, #tpu.memory_space<semaphore_mem>>
      %dma_start3A_281 = arith.constant 0 : i32
      %dma_start3A_282 = arith.constant 0 : i32
      %dma_start3A_283 = tpu.memref_slice %arg2[%mul3A_2, %dma_start3A_281, %dma_start3A_282] : memref<1024x2x100xi32, #tpu.memory_space<hbm>> -> memref<32x2x100xi32, #tpu.memory_space<hbm>>
      %dma_start3A_284 = arith.constant 0 : i32
      %dma_start3A_285 = arith.constant 0 : i32
      %dma_start3A_286 = tpu.memref_slice %arg2[%mul3A_2, %dma_start3A_284, %dma_start3A_285] : memref<1024x2x100xi32, #tpu.memory_space<hbm>> -> memref<32x2x100xi32, #tpu.memory_space<hbm>>
      tpu.enqueue_dma source(%dma_start3A_286 : memref<32x2x100xi32, #tpu.memory_space<hbm>>) target(%arg6 : memref<32x2x100xi32, #tpu.memory_space<vmem>>) target_semaphore(%run_scoped3A : memref<!tpu.dma_semaphore, #tpu.memory_space<semaphore_mem>>)
      %dma_wait3A_287 = arith.constant 0 : i32
      %dma_wait3A_288 = arith.constant 0 : i32
      %dma_wait3A_289 = tpu.memref_slice %arg2[%mul3A_2, %dma_wait3A_287, %dma_wait3A_288] : memref<1024x2x100xi32, #tpu.memory_space<hbm>> -> memref<32x2x100xi32, #tpu.memory_space<hbm>>
      %dma_wait3A_290 = arith.constant 0 : i32
      %dma_wait3A_291 = arith.constant 0 : i32
      %dma_wait3A_292 = tpu.memref_slice %arg2[%mul3A_2, %dma_wait3A_290, %dma_wait3A_291] : memref<1024x2x100xi32, #tpu.memory_space<hbm>> -> memref<32x2x100xi32, #tpu.memory_space<hbm>>
      tpu.wait_dma2 semaphore(%run_scoped3A : memref<!tpu.dma_semaphore, #tpu.memory_space<semaphore_mem>>) src(%dma_wait3A_292 : memref<32x2x100xi32, #tpu.memory_space<hbm>>) dst(%arg6 : memref<32x2x100xi32, #tpu.memory_space<vmem>>)
      tpu.yield
    }) : () -> ()
    "tpu.region"() ({
      %run_scoped3A = tpu.sem_alloc : memref<!tpu.dma_semaphore, #tpu.memory_space<semaphore_mem>>
      tpu.enqueue_dma source(%arg4 : memref<200x64xf32, #tpu.memory_space<hbm>>) target(%arg7 : memref<200x64xf32, #tpu.memory_space<vmem>>) target_semaphore(%run_scoped3A : memref<!tpu.dma_semaphore, #tpu.memory_space<semaphore_mem>>)
      tpu.wait_dma2 semaphore(%run_scoped3A : memref<!tpu.dma_semaphore, #tpu.memory_space<semaphore_mem>>) src(%arg4 : memref<200x64xf32, #tpu.memory_space<hbm>>) dst(%arg7 : memref<200x64xf32, #tpu.memory_space<vmem>>)
      tpu.yield
    }) : () -> ()
    %dma_start3A = arith.constant 0 : i32
    %dma_start3A_3 = arith.constant 0 : i32
    %dma_start3A_4 = arith.constant 0 : i32
    %dma_start3A_5 = arith.constant 0 : i32
    %dma_start3A_6 = tpu.memref_slice %arg8[%dma_start3A_4, %dma_start3A_5] : memref<200x64xf32, #tpu.memory_space<vmem>> -> memref<100x64xf32, #tpu.memory_space<vmem>>
    %dma_start3A_7 = arith.constant 0 : i32
    %dma_start3A_8 = tpu.memref_slice %arg6[%dma_start3A, %dma_start3A_3, %dma_start3A_7] : memref<32x2x100xi32, #tpu.memory_space<vmem>> -> memref<1x1x100xi32, #tpu.memory_space<vmem>>
    %dma_start3A_9 = tpu.memref_squeeze %dma_start3A_8 : memref<1x1x100xi32, #tpu.memory_space<vmem>> -> memref<100xi32, #tpu.memory_space<vmem>>
    %dma_start3A_10 = arith.constant 0 : i32
    %dma_start3A_11 = arith.constant 0 : i32
    %dma_start3A_12 = tpu.memref_slice %arg3[%dma_start3A_10, %dma_start3A_11] : memref<100000x64xf32, #tpu.memory_space<hbm>> -> memref<100000x64xf32, #tpu.memory_space<hbm>>
    tpu.enqueue_indirect_dma source(%dma_start3A_12 : memref<100000x64xf32, #tpu.memory_space<hbm>>) target(%dma_start3A_6 : memref<100x64xf32, #tpu.memory_space<vmem>>) offsets(%dma_start3A_9 : memref<100xi32, #tpu.memory_space<vmem>>) semaphore(%arg12 : memref<!tpu.dma_semaphore, #tpu.memory_space<semaphore_mem>>)
    %dma_start3A_13 = arith.constant 0 : i32
    %dma_start3A_14 = arith.constant 1 : i32
    %dma_start3A_15 = arith.constant 100 : i32
    %dma_start3A_16 = arith.constant 0 : i32
    %dma_start3A_17 = tpu.memref_slice %arg8[%dma_start3A_15, %dma_start3A_16] : memref<200x64xf32, #tpu.memory_space<vmem>> -> memref<100x64xf32, #tpu.memory_space<vmem>>
    %dma_start3A_18 = arith.constant 0 : i32
    %dma_start3A_19 = tpu.memref_slice %arg6[%dma_start3A_13, %dma_start3A_14, %dma_start3A_18] : memref<32x2x100xi32, #tpu.memory_space<vmem>> -> memref<1x1x100xi32, #tpu.memory_space<vmem>>
    %dma_start3A_20 = tpu.memref_squeeze %dma_start3A_19 : memref<1x1x100xi32, #tpu.memory_space<vmem>> -> memref<100xi32, #tpu.memory_space<vmem>>
    %dma_start3A_21 = arith.constant 0 : i32
    %dma_start3A_22 = arith.constant 0 : i32
    %dma_start3A_23 = tpu.memref_slice %arg3[%dma_start3A_21, %dma_start3A_22] : memref<100000x64xf32, #tpu.memory_space<hbm>> -> memref<100000x64xf32, #tpu.memory_space<hbm>>
    tpu.enqueue_indirect_dma source(%dma_start3A_23 : memref<100000x64xf32, #tpu.memory_space<hbm>>) target(%dma_start3A_17 : memref<100x64xf32, #tpu.memory_space<vmem>>) offsets(%dma_start3A_20 : memref<100xi32, #tpu.memory_space<vmem>>) semaphore(%arg12 : memref<!tpu.dma_semaphore, #tpu.memory_space<semaphore_mem>>)
    %dma_start3A_24 = arith.constant 1 : i32
    %dma_start3A_25 = arith.constant 0 : i32
    %dma_start3A_26 = arith.constant 0 : i32
    %dma_start3A_27 = arith.constant 0 : i32
    %dma_start3A_28 = tpu.memref_slice %arg9[%dma_start3A_26, %dma_start3A_27] : memref<200x64xf32, #tpu.memory_space<vmem>> -> memref<100x64xf32, #tpu.memory_space<vmem>>
    %dma_start3A_29 = arith.constant 0 : i32
    %dma_start3A_30 = tpu.memref_slice %arg6[%dma_start3A_24, %dma_start3A_25, %dma_start3A_29] : memref<32x2x100xi32, #tpu.memory_space<vmem>> -> memref<1x1x100xi32, #tpu.memory_space<vmem>>
    %dma_start3A_31 = tpu.memref_squeeze %dma_start3A_30 : memref<1x1x100xi32, #tpu.memory_space<vmem>> -> memref<100xi32, #tpu.memory_space<vmem>>
    %dma_start3A_32 = arith.constant 0 : i32
    %dma_start3A_33 = arith.constant 0 : i32
    %dma_start3A_34 = tpu.memref_slice %arg3[%dma_start3A_32, %dma_start3A_33] : memref<100000x64xf32, #tpu.memory_space<hbm>> -> memref<100000x64xf32, #tpu.memory_space<hbm>>
    tpu.enqueue_indirect_dma source(%dma_start3A_34 : memref<100000x64xf32, #tpu.memory_space<hbm>>) target(%dma_start3A_28 : memref<100x64xf32, #tpu.memory_space<vmem>>) offsets(%dma_start3A_31 : memref<100xi32, #tpu.memory_space<vmem>>) semaphore(%arg13 : memref<!tpu.dma_semaphore, #tpu.memory_space<semaphore_mem>>)
    %dma_start3A_35 = arith.constant 1 : i32
    %dma_start3A_36 = arith.constant 1 : i32
    %dma_start3A_37 = arith.constant 100 : i32
    %dma_start3A_38 = arith.constant 0 : i32
    %dma_start3A_39 = tpu.memref_slice %arg9[%dma_start3A_37, %dma_start3A_38] : memref<200x64xf32, #tpu.memory_space<vmem>> -> memref<100x64xf32, #tpu.memory_space<vmem>>
    %dma_start3A_40 = arith.constant 0 : i32
    %dma_start3A_41 = tpu.memref_slice %arg6[%dma_start3A_35, %dma_start3A_36, %dma_start3A_40] : memref<32x2x100xi32, #tpu.memory_space<vmem>> -> memref<1x1x100xi32, #tpu.memory_space<vmem>>
    %dma_start3A_42 = tpu.memref_squeeze %dma_start3A_41 : memref<1x1x100xi32, #tpu.memory_space<vmem>> -> memref<100xi32, #tpu.memory_space<vmem>>
    %dma_start3A_43 = arith.constant 0 : i32
    %dma_start3A_44 = arith.constant 0 : i32
    %dma_start3A_45 = tpu.memref_slice %arg3[%dma_start3A_43, %dma_start3A_44] : memref<100000x64xf32, #tpu.memory_space<hbm>> -> memref<100000x64xf32, #tpu.memory_space<hbm>>
    tpu.enqueue_indirect_dma source(%dma_start3A_45 : memref<100000x64xf32, #tpu.memory_space<hbm>>) target(%dma_start3A_39 : memref<100x64xf32, #tpu.memory_space<vmem>>) offsets(%dma_start3A_42 : memref<100xi32, #tpu.memory_space<vmem>>) semaphore(%arg13 : memref<!tpu.dma_semaphore, #tpu.memory_space<semaphore_mem>>)
    %dma_wait3A = arith.constant 0 : i32
    %dma_wait3A_46 = arith.constant 0 : i32
    %dma_wait3A_47 = arith.constant 0 : i32
    %dma_wait3A_48 = arith.constant 0 : i32
    %dma_wait3A_49 = tpu.memref_slice %arg8[%dma_wait3A_47, %dma_wait3A_48] : memref<200x64xf32, #tpu.memory_space<vmem>> -> memref<100x64xf32, #tpu.memory_space<vmem>>
    %dma_wait3A_50 = arith.constant 0 : i32
    %dma_wait3A_51 = tpu.memref_slice %arg6[%dma_wait3A, %dma_wait3A_46, %dma_wait3A_50] : memref<32x2x100xi32, #tpu.memory_space<vmem>> -> memref<1x1x100xi32, #tpu.memory_space<vmem>>
    %dma_wait3A_52 = tpu.memref_squeeze %dma_wait3A_51 : memref<1x1x100xi32, #tpu.memory_space<vmem>> -> memref<100xi32, #tpu.memory_space<vmem>>
    %dma_wait3A_53 = arith.constant 0 : i32
    %dma_wait3A_54 = arith.constant 0 : i32
    %dma_wait3A_55 = tpu.memref_slice %arg3[%dma_wait3A_53, %dma_wait3A_54] : memref<100000x64xf32, #tpu.memory_space<hbm>> -> memref<100000x64xf32, #tpu.memory_space<hbm>>
    tpu.wait_indirect_dma semaphore(%arg12 : memref<!tpu.dma_semaphore, #tpu.memory_space<semaphore_mem>>) src(%dma_wait3A_55 : memref<100000x64xf32, #tpu.memory_space<hbm>>) dst(%dma_wait3A_49 : memref<100x64xf32, #tpu.memory_space<vmem>>)
    %dma_wait3A_56 = arith.constant 0 : i32
    %dma_wait3A_57 = arith.constant 1 : i32
    %dma_wait3A_58 = arith.constant 100 : i32
    %dma_wait3A_59 = arith.constant 0 : i32
    %dma_wait3A_60 = tpu.memref_slice %arg8[%dma_wait3A_58, %dma_wait3A_59] : memref<200x64xf32, #tpu.memory_space<vmem>> -> memref<100x64xf32, #tpu.memory_space<vmem>>
    %dma_wait3A_61 = arith.constant 0 : i32
    %dma_wait3A_62 = tpu.memref_slice %arg6[%dma_wait3A_56, %dma_wait3A_57, %dma_wait3A_61] : memref<32x2x100xi32, #tpu.memory_space<vmem>> -> memref<1x1x100xi32, #tpu.memory_space<vmem>>
    %dma_wait3A_63 = tpu.memref_squeeze %dma_wait3A_62 : memref<1x1x100xi32, #tpu.memory_space<vmem>> -> memref<100xi32, #tpu.memory_space<vmem>>
    %dma_wait3A_64 = arith.constant 0 : i32
    %dma_wait3A_65 = arith.constant 0 : i32
    %dma_wait3A_66 = tpu.memref_slice %arg3[%dma_wait3A_64, %dma_wait3A_65] : memref<100000x64xf32, #tpu.memory_space<hbm>> -> memref<100000x64xf32, #tpu.memory_space<hbm>>
    tpu.wait_indirect_dma semaphore(%arg12 : memref<!tpu.dma_semaphore, #tpu.memory_space<semaphore_mem>>) src(%dma_wait3A_66 : memref<100000x64xf32, #tpu.memory_space<hbm>>) dst(%dma_wait3A_60 : memref<100x64xf32, #tpu.memory_space<vmem>>)
    %scan3A = arith.constant 0 : i32
    %scan3A_67 = arith.constant 100 : i32
    %scan3A_68 = arith.addi %scan3A, %scan3A_67 : i32
    %scan3A_69 = arith.constant 1 : i32
    scf.for %scan3A_281 = %scan3A to %scan3A_68 step %scan3A_69  : i32 {
      %mul3A_282 = arith.constant 1 : i32
      %mul3A_283 = arith.muli %scan3A_281, %mul3A_282 : i32
      %add3A_284 = arith.constant 0 : i32
      %add3A_285 = arith.addi %add3A_284, %mul3A_283 : i32
      %mul3A_286 = arith.constant 2 : i32
      %mul3A_287 = arith.muli %mul3A_286, %add3A_285 : i32
      %get3A = arith.index_cast %mul3A_287 : i32 to index
      %get3A_288 = arith.constant 0 : index
      %get3A_289 = tpu.vector_load %arg8[%get3A, %get3A_288] {strides = array<i32>} : memref<200x64xf32, #tpu.memory_space<vmem>>, vector<1x16xf32>,
      %get3A_290 = vector.shape_cast %get3A_289 : vector<1x16xf32> to vector<16xf32>
      %get3A_291 = arith.index_cast %mul3A_287 : i32 to index
      %get3A_292 = arith.constant 0 : index
      %get3A_293 = tpu.vector_load %arg7[%get3A_291, %get3A_292] {strides = array<i32>} : memref<200x64xf32, #tpu.memory_space<vmem>>, vector<1x16xf32>,
      %get3A_294 = vector.shape_cast %get3A_293 : vector<1x16xf32> to vector<16xf32>
      %add3A_295 = arith.addf %get3A_290, %get3A_294 : vector<16xf32>
      %swap3A = arith.index_cast %add3A_285 : i32 to index
      %swap3A_296 = arith.constant 0 : index
      %swap3A_297 = tpu.vector_load %arg10[%swap3A, %swap3A_296] {strides = array<i32>} : memref<100x128xf32, #tpu.memory_space<vmem>>, vector<1x16xf32>,
      %swap3A_298 = vector.shape_cast %swap3A_297 : vector<1x16xf32> to vector<16xf32>
      %swap3A_299 = vector.shape_cast %add3A_295 : vector<16xf32> to vector<1x16xf32>
      tpu.vector_store %arg10[%swap3A, %swap3A_296], %swap3A_299 {strides = array<i32>} : memref<100x128xf32, #tpu.memory_space<vmem>>, vector<1x16xf32>,
      %add3A_300 = arith.constant 1 : i32
      %add3A_301 = arith.addi %mul3A_287, %add3A_300 : i32
      %get3A_302 = arith.index_cast %add3A_301 : i32 to index
      %get3A_303 = arith.constant 0 : index
      %get3A_304 = tpu.vector_load %arg8[%get3A_302, %get3A_303] {strides = array<i32>} : memref<200x64xf32, #tpu.memory_space<vmem>>, vector<1x16xf32>,
      %get3A_305 = vector.shape_cast %get3A_304 : vector<1x16xf32> to vector<16xf32>
      %add3A_306 = arith.constant 1 : i32
      %add3A_307 = arith.addi %mul3A_287, %add3A_306 : i32
      %get3A_308 = arith.index_cast %add3A_307 : i32 to index
      %get3A_309 = arith.constant 0 : index
      %get3A_310 = tpu.vector_load %arg7[%get3A_308, %get3A_309] {strides = array<i32>} : memref<200x64xf32, #tpu.memory_space<vmem>>, vector<1x16xf32>,
      %get3A_311 = vector.shape_cast %get3A_310 : vector<1x16xf32> to vector<16xf32>
      %add3A_312 = arith.addf %get3A_305, %get3A_311 : vector<16xf32>
      %swap3A_313 = arith.index_cast %add3A_285 : i32 to index
      %swap3A_314 = arith.constant 64 : index
      %swap3A_315 = tpu.vector_load %arg10[%swap3A_313, %swap3A_314] {strides = array<i32>} : memref<100x128xf32, #tpu.memory_space<vmem>>, vector<1x16xf32>,
      %swap3A_316 = vector.shape_cast %swap3A_315 : vector<1x16xf32> to vector<16xf32>
      %swap3A_317 = vector.shape_cast %add3A_312 : vector<16xf32> to vector<1x16xf32>
      tpu.vector_store %arg10[%swap3A_313, %swap3A_314], %swap3A_317 {strides = array<i32>} : memref<100x128xf32, #tpu.memory_space<vmem>>, vector<1x16xf32>,
      %get3A_318 = arith.index_cast %mul3A_287 : i32 to index
      %get3A_319 = arith.constant 16 : index
      %get3A_320 = tpu.vector_load %arg8[%get3A_318, %get3A_319] {strides = array<i32>} : memref<200x64xf32, #tpu.memory_space<vmem>>, vector<1x16xf32>,
      %get3A_321 = vector.shape_cast %get3A_320 : vector<1x16xf32> to vector<16xf32>
      %get3A_322 = arith.index_cast %mul3A_287 : i32 to index
      %get3A_323 = arith.constant 16 : index
      %get3A_324 = tpu.vector_load %arg7[%get3A_322, %get3A_323] {strides = array<i32>} : memref<200x64xf32, #tpu.memory_space<vmem>>, vector<1x16xf32>,
      %get3A_325 = vector.shape_cast %get3A_324 : vector<1x16xf32> to vector<16xf32>
      %add3A_326 = arith.addf %get3A_321, %get3A_325 : vector<16xf32>
      %swap3A_327 = arith.index_cast %add3A_285 : i32 to index
      %swap3A_328 = arith.constant 16 : index
      %swap3A_329 = tpu.vector_load %arg10[%swap3A_327, %swap3A_328] {strides = array<i32>} : memref<100x128xf32, #tpu.memory_space<vmem>>, vector<1x16xf32>,
      %swap3A_330 = vector.shape_cast %swap3A_329 : vector<1x16xf32> to vector<16xf32>
      %swap3A_331 = vector.shape_cast %add3A_326 : vector<16xf32> to vector<1x16xf32>
      tpu.vector_store %arg10[%swap3A_327, %swap3A_328], %swap3A_331 {strides = array<i32>} : memref<100x128xf32, #tpu.memory_space<vmem>>, vector<1x16xf32>,
      %add3A_332 = arith.constant 1 : i32
      %add3A_333 = arith.addi %mul3A_287, %add3A_332 : i32
      %get3A_334 = arith.index_cast %add3A_333 : i32 to index
      %get3A_335 = arith.constant 16 : index
      %get3A_336 = tpu.vector_load %arg8[%get3A_334, %get3A_335] {strides = array<i32>} : memref<200x64xf32, #tpu.memory_space<vmem>>, vector<1x16xf32>,
      %get3A_337 = vector.shape_cast %get3A_336 : vector<1x16xf32> to vector<16xf32>
      %add3A_338 = arith.constant 1 : i32
      %add3A_339 = arith.addi %mul3A_287, %add3A_338 : i32
      %get3A_340 = arith.index_cast %add3A_339 : i32 to index
      %get3A_341 = arith.constant 16 : index
      %get3A_342 = tpu.vector_load %arg7[%get3A_340, %get3A_341] {strides = array<i32>} : memref<200x64xf32, #tpu.memory_space<vmem>>, vector<1x16xf32>,
      %get3A_343 = vector.shape_cast %get3A_342 : vector<1x16xf32> to vector<16xf32>
      %add3A_344 = arith.addf %get3A_337, %get3A_343 : vector<16xf32>
      %swap3A_345 = arith.index_cast %add3A_285 : i32 to index
      %swap3A_346 = arith.constant 80 : index
      %swap3A_347 = tpu.vector_load %arg10[%swap3A_345, %swap3A_346] {strides = array<i32>} : memref<100x128xf32, #tpu.memory_space<vmem>>, vector<1x16xf32>,
      %swap3A_348 = vector.shape_cast %swap3A_347 : vector<1x16xf32> to vector<16xf32>
      %swap3A_349 = vector.shape_cast %add3A_344 : vector<16xf32> to vector<1x16xf32>
      tpu.vector_store %arg10[%swap3A_345, %swap3A_346], %swap3A_349 {strides = array<i32>} : memref<100x128xf32, #tpu.memory_space<vmem>>, vector<1x16xf32>,
      %get3A_350 = arith.index_cast %mul3A_287 : i32 to index
      %get3A_351 = arith.constant 32 : index
      %get3A_352 = tpu.vector_load %arg8[%get3A_350, %get3A_351] {strides = array<i32>} : memref<200x64xf32, #tpu.memory_space<vmem>>, vector<1x16xf32>,
      %get3A_353 = vector.shape_cast %get3A_352 : vector<1x16xf32> to vector<16xf32>
      %get3A_354 = arith.index_cast %mul3A_287 : i32 to index
      %get3A_355 = arith.constant 32 : index
      %get3A_356 = tpu.vector_load %arg7[%get3A_354, %get3A_355] {strides = array<i32>} : memref<200x64xf32, #tpu.memory_space<vmem>>, vector<1x16xf32>,
      %get3A_357 = vector.shape_cast %get3A_356 : vector<1x16xf32> to vector<16xf32>
      %add3A_358 = arith.addf %get3A_353, %get3A_357 : vector<16xf32>
      %swap3A_359 = arith.index_cast %add3A_285 : i32 to index
      %swap3A_360 = arith.constant 32 : index
      %swap3A_361 = tpu.vector_load %arg10[%swap3A_359, %swap3A_360] {strides = array<i32>} : memref<100x128xf32, #tpu.memory_space<vmem>>, vector<1x16xf32>,
      %swap3A_362 = vector.shape_cast %swap3A_361 : vector<1x16xf32> to vector<16xf32>
      %swap3A_363 = vector.shape_cast %add3A_358 : vector<16xf32> to vector<1x16xf32>
      tpu.vector_store %arg10[%swap3A_359, %swap3A_360], %swap3A_363 {strides = array<i32>} : memref<100x128xf32, #tpu.memory_space<vmem>>, vector<1x16xf32>,
      %add3A_364 = arith.constant 1 : i32
      %add3A_365 = arith.addi %mul3A_287, %add3A_364 : i32
      %get3A_366 = arith.index_cast %add3A_365 : i32 to index
      %get3A_367 = arith.constant 32 : index
      %get3A_368 = tpu.vector_load %arg8[%get3A_366, %get3A_367] {strides = array<i32>} : memref<200x64xf32, #tpu.memory_space<vmem>>, vector<1x16xf32>,
      %get3A_369 = vector.shape_cast %get3A_368 : vector<1x16xf32> to vector<16xf32>
      %add3A_370 = arith.constant 1 : i32
      %add3A_371 = arith.addi %mul3A_287, %add3A_370 : i32
      %get3A_372 = arith.index_cast %add3A_371 : i32 to index
      %get3A_373 = arith.constant 32 : index
      %get3A_374 = tpu.vector_load %arg7[%get3A_372, %get3A_373] {strides = array<i32>} : memref<200x64xf32, #tpu.memory_space<vmem>>, vector<1x16xf32>,
      %get3A_375 = vector.shape_cast %get3A_374 : vector<1x16xf32> to vector<16xf32>
      %add3A_376 = arith.addf %get3A_369, %get3A_375 : vector<16xf32>
      %swap3A_377 = arith.index_cast %add3A_285 : i32 to index
      %swap3A_378 = arith.constant 96 : index
      %swap3A_379 = tpu.vector_load %arg10[%swap3A_377, %swap3A_378] {strides = array<i32>} : memref<100x128xf32, #tpu.memory_space<vmem>>, vector<1x16xf32>,
      %swap3A_380 = vector.shape_cast %swap3A_379 : vector<1x16xf32> to vector<16xf32>
      %swap3A_381 = vector.shape_cast %add3A_376 : vector<16xf32> to vector<1x16xf32>
      tpu.vector_store %arg10[%swap3A_377, %swap3A_378], %swap3A_381 {strides = array<i32>} : memref<100x128xf32, #tpu.memory_space<vmem>>, vector<1x16xf32>,
      %get3A_382 = arith.index_cast %mul3A_287 : i32 to index
      %get3A_383 = arith.constant 48 : index
      %get3A_384 = tpu.vector_load %arg8[%get3A_382, %get3A_383] {strides = array<i32>} : memref<200x64xf32, #tpu.memory_space<vmem>>, vector<1x16xf32>,
      %get3A_385 = vector.shape_cast %get3A_384 : vector<1x16xf32> to vector<16xf32>
      %get3A_386 = arith.index_cast %mul3A_287 : i32 to index
      %get3A_387 = arith.constant 48 : index
      %get3A_388 = tpu.vector_load %arg7[%get3A_386, %get3A_387] {strides = array<i32>} : memref<200x64xf32, #tpu.memory_space<vmem>>, vector<1x16xf32>,
      %get3A_389 = vector.shape_cast %get3A_388 : vector<1x16xf32> to vector<16xf32>
      %add3A_390 = arith.addf %get3A_385, %get3A_389 : vector<16xf32>
      %swap3A_391 = arith.index_cast %add3A_285 : i32 to index
      %swap3A_392 = arith.constant 48 : index
      %swap3A_393 = tpu.vector_load %arg10[%swap3A_391, %swap3A_392] {strides = array<i32>} : memref<100x128xf32, #tpu.memory_space<vmem>>, vector<1x16xf32>,
      %swap3A_394 = vector.shape_cast %swap3A_393 : vector<1x16xf32> to vector<16xf32>
      %swap3A_395 = vector.shape_cast %add3A_390 : vector<16xf32> to vector<1x16xf32>
      tpu.vector_store %arg10[%swap3A_391, %swap3A_392], %swap3A_395 {strides = array<i32>} : memref<100x128xf32, #tpu.memory_space<vmem>>, vector<1x16xf32>,
      %add3A_396 = arith.constant 1 : i32
      %add3A_397 = arith.addi %mul3A_287, %add3A_396 : i32
      %get3A_398 = arith.index_cast %add3A_397 : i32 to index
      %get3A_399 = arith.constant 48 : index
      %get3A_400 = tpu.vector_load %arg8[%get3A_398, %get3A_399] {strides = array<i32>} : memref<200x64xf32, #tpu.memory_space<vmem>>, vector<1x16xf32>,
      %get3A_401 = vector.shape_cast %get3A_400 : vector<1x16xf32> to vector<16xf32>
      %add3A_402 = arith.constant 1 : i32
      %add3A_403 = arith.addi %mul3A_287, %add3A_402 : i32
      %get3A_404 = arith.index_cast %add3A_403 : i32 to index
      %get3A_405 = arith.constant 48 : index
      %get3A_406 = tpu.vector_load %arg7[%get3A_404, %get3A_405] {strides = array<i32>} : memref<200x64xf32, #tpu.memory_space<vmem>>, vector<1x16xf32>,
      %get3A_407 = vector.shape_cast %get3A_406 : vector<1x16xf32> to vector<16xf32>
      %add3A_408 = arith.addf %get3A_401, %get3A_407 : vector<16xf32>
      %swap3A_409 = arith.index_cast %add3A_285 : i32 to index
      %swap3A_410 = arith.constant 112 : index
      %swap3A_411 = tpu.vector_load %arg10[%swap3A_409, %swap3A_410] {strides = array<i32>} : memref<100x128xf32, #tpu.memory_space<vmem>>, vector<1x16xf32>,
      %swap3A_412 = vector.shape_cast %swap3A_411 : vector<1x16xf32> to vector<16xf32>
      %swap3A_413 = vector.shape_cast %add3A_408 : vector<16xf32> to vector<1x16xf32>
      tpu.vector_store %arg10[%swap3A_409, %swap3A_410], %swap3A_413 {strides = array<i32>} : memref<100x128xf32, #tpu.memory_space<vmem>>, vector<1x16xf32>,
    }
    %scan3A_70 = arith.constant 100 : i32
    %dma_start3A_71 = arith.constant 2 : i32
    %dma_start3A_72 = arith.constant 0 : i32
    %dma_start3A_73 = arith.constant 0 : i32
    %dma_start3A_74 = arith.constant 0 : i32
    %dma_start3A_75 = tpu.memref_slice %arg8[%dma_start3A_73, %dma_start3A_74] : memref<200x64xf32, #tpu.memory_space<vmem>> -> memref<100x64xf32, #tpu.memory_space<vmem>>
    %dma_start3A_76 = arith.constant 0 : i32
    %dma_start3A_77 = tpu.memref_slice %arg6[%dma_start3A_71, %dma_start3A_72, %dma_start3A_76] : memref<32x2x100xi32, #tpu.memory_space<vmem>> -> memref<1x1x100xi32, #tpu.memory_space<vmem>>
    %dma_start3A_78 = tpu.memref_squeeze %dma_start3A_77 : memref<1x1x100xi32, #tpu.memory_space<vmem>> -> memref<100xi32, #tpu.memory_space<vmem>>
    %dma_start3A_79 = arith.constant 0 : i32
    %dma_start3A_80 = arith.constant 0 : i32
    %dma_start3A_81 = tpu.memref_slice %arg3[%dma_start3A_79, %dma_start3A_80] : memref<100000x64xf32, #tpu.memory_space<hbm>> -> memref<100000x64xf32, #tpu.memory_space<hbm>>
    tpu.enqueue_indirect_dma source(%dma_start3A_81 : memref<100000x64xf32, #tpu.memory_space<hbm>>) target(%dma_start3A_75 : memref<100x64xf32, #tpu.memory_space<vmem>>) offsets(%dma_start3A_78 : memref<100xi32, #tpu.memory_space<vmem>>) semaphore(%arg12 : memref<!tpu.dma_semaphore, #tpu.memory_space<semaphore_mem>>)
    %dma_start3A_82 = arith.constant 2 : i32
    %dma_start3A_83 = arith.constant 1 : i32
    %dma_start3A_84 = arith.constant 100 : i32
    %dma_start3A_85 = arith.constant 0 : i32
    %dma_start3A_86 = tpu.memref_slice %arg8[%dma_start3A_84, %dma_start3A_85] : memref<200x64xf32, #tpu.memory_space<vmem>> -> memref<100x64xf32, #tpu.memory_space<vmem>>
    %dma_start3A_87 = arith.constant 0 : i32
    %dma_start3A_88 = tpu.memref_slice %arg6[%dma_start3A_82, %dma_start3A_83, %dma_start3A_87] : memref<32x2x100xi32, #tpu.memory_space<vmem>> -> memref<1x1x100xi32, #tpu.memory_space<vmem>>
    %dma_start3A_89 = tpu.memref_squeeze %dma_start3A_88 : memref<1x1x100xi32, #tpu.memory_space<vmem>> -> memref<100xi32, #tpu.memory_space<vmem>>
    %dma_start3A_90 = arith.constant 0 : i32
    %dma_start3A_91 = arith.constant 0 : i32
    %dma_start3A_92 = tpu.memref_slice %arg3[%dma_start3A_90, %dma_start3A_91] : memref<100000x64xf32, #tpu.memory_space<hbm>> -> memref<100000x64xf32, #tpu.memory_space<hbm>>
    tpu.enqueue_indirect_dma source(%dma_start3A_92 : memref<100000x64xf32, #tpu.memory_space<hbm>>) target(%dma_start3A_86 : memref<100x64xf32, #tpu.memory_space<vmem>>) offsets(%dma_start3A_89 : memref<100xi32, #tpu.memory_space<vmem>>) semaphore(%arg12 : memref<!tpu.dma_semaphore, #tpu.memory_space<semaphore_mem>>)
    %add3A_93 = arith.constant 0 : i32
    %add3A_94 = arith.addi %mul3A_2, %add3A_93 : i32
    %dma_start3A_95 = arith.constant 0 : i32
    %dma_start3A_96 = arith.constant 0 : i32
    %dma_start3A_97 = tpu.memref_slice %arg5[%add3A_94, %dma_start3A_95, %dma_start3A_96] : memref<1024x104x128xf32, #tpu.memory_space<hbm>> -> memref<1x100x128xf32, #tpu.memory_space<hbm>>
    %dma_start3A_98 = tpu.memref_squeeze %dma_start3A_97 : memref<1x100x128xf32, #tpu.memory_space<hbm>> -> memref<100x128xf32, #tpu.memory_space<hbm>>
    %dma_start3A_99 = arith.constant 0 : i32
    %dma_start3A_100 = arith.constant 0 : i32
    %dma_start3A_101 = tpu.memref_slice %arg5[%add3A_94, %dma_start3A_99, %dma_start3A_100] : memref<1024x104x128xf32, #tpu.memory_space<hbm>> -> memref<1x100x128xf32, #tpu.memory_space<hbm>>
    %dma_start3A_102 = tpu.memref_squeeze %dma_start3A_101 : memref<1x100x128xf32, #tpu.memory_space<hbm>> -> memref<100x128xf32, #tpu.memory_space<hbm>>
    tpu.enqueue_dma source(%arg10 : memref<100x128xf32, #tpu.memory_space<vmem>>) target(%dma_start3A_102 : memref<100x128xf32, #tpu.memory_space<hbm>>) target_semaphore(%arg14 : memref<!tpu.dma_semaphore, #tpu.memory_space<semaphore_mem>>)
    %dma_wait3A_103 = arith.constant 1 : i32
    %dma_wait3A_104 = arith.constant 0 : i32
    %dma_wait3A_105 = arith.constant 0 : i32
    %dma_wait3A_106 = arith.constant 0 : i32
    %dma_wait3A_107 = tpu.memref_slice %arg9[%dma_wait3A_105, %dma_wait3A_106] : memref<200x64xf32, #tpu.memory_space<vmem>> -> memref<100x64xf32, #tpu.memory_space<vmem>>
    %dma_wait3A_108 = arith.constant 0 : i32
    %dma_wait3A_109 = tpu.memref_slice %arg6[%dma_wait3A_103, %dma_wait3A_104, %dma_wait3A_108] : memref<32x2x100xi32, #tpu.memory_space<vmem>> -> memref<1x1x100xi32, #tpu.memory_space<vmem>>
    %dma_wait3A_110 = tpu.memref_squeeze %dma_wait3A_109 : memref<1x1x100xi32, #tpu.memory_space<vmem>> -> memref<100xi32, #tpu.memory_space<vmem>>
    %dma_wait3A_111 = arith.constant 0 : i32
    %dma_wait3A_112 = arith.constant 0 : i32
    %dma_wait3A_113 = tpu.memref_slice %arg3[%dma_wait3A_111, %dma_wait3A_112] : memref<100000x64xf32, #tpu.memory_space<hbm>> -> memref<100000x64xf32, #tpu.memory_space<hbm>>
    tpu.wait_indirect_dma semaphore(%arg13 : memref<!tpu.dma_semaphore, #tpu.memory_space<semaphore_mem>>) src(%dma_wait3A_113 : memref<100000x64xf32, #tpu.memory_space<hbm>>) dst(%dma_wait3A_107 : memref<100x64xf32, #tpu.memory_space<vmem>>)
    %dma_wait3A_114 = arith.constant 1 : i32
    %dma_wait3A_115 = arith.constant 1 : i32
    %dma_wait3A_116 = arith.constant 100 : i32
    %dma_wait3A_117 = arith.constant 0 : i32
    %dma_wait3A_118 = tpu.memref_slice %arg9[%dma_wait3A_116, %dma_wait3A_117] : memref<200x64xf32, #tpu.memory_space<vmem>> -> memref<100x64xf32, #tpu.memory_space<vmem>>
    %dma_wait3A_119 = arith.constant 0 : i32
    %dma_wait3A_120 = tpu.memref_slice %arg6[%dma_wait3A_114, %dma_wait3A_115, %dma_wait3A_119] : memref<32x2x100xi32, #tpu.memory_space<vmem>> -> memref<1x1x100xi32, #tpu.memory_space<vmem>>
    %dma_wait3A_121 = tpu.memref_squeeze %dma_wait3A_120 : memref<1x1x100xi32, #tpu.memory_space<vmem>> -> memref<100xi32, #tpu.memory_space<vmem>>
    %dma_wait3A_122 = arith.constant 0 : i32
    %dma_wait3A_123 = arith.constant 0 : i32
    %dma_wait3A_124 = tpu.memref_slice %arg3[%dma_wait3A_122, %dma_wait3A_123] : memref<100000x64xf32, #tpu.memory_space<hbm>> -> memref<100000x64xf32, #tpu.memory_space<hbm>>
    tpu.wait_indirect_dma semaphore(%arg13 : memref<!tpu.dma_semaphore, #tpu.memory_space<semaphore_mem>>) src(%dma_wait3A_124 : memref<100000x64xf32, #tpu.memory_space<hbm>>) dst(%dma_wait3A_118 : memref<100x64xf32, #tpu.memory_space<vmem>>)
    %scan3A_125 = arith.constant 0 : i32
    %scan3A_126 = arith.constant 100 : i32
    %scan3A_127 = arith.addi %scan3A_125, %scan3A_126 : i32
    %scan3A_128 = arith.constant 1 : i32
    scf.for %scan3A_281 = %scan3A_125 to %scan3A_127 step %scan3A_128  : i32 {
      %mul3A_282 = arith.constant 1 : i32
      %mul3A_283 = arith.muli %scan3A_281, %mul3A_282 : i32
      %add3A_284 = arith.constant 0 : i32
      %add3A_285 = arith.addi %add3A_284, %mul3A_283 : i32
      %mul3A_286 = arith.constant 2 : i32
      %mul3A_287 = arith.muli %mul3A_286, %add3A_285 : i32
      %get3A = arith.index_cast %mul3A_287 : i32 to index
      %get3A_288 = arith.constant 0 : index
      %get3A_289 = tpu.vector_load %arg9[%get3A, %get3A_288] {strides = array<i32>} : memref<200x64xf32, #tpu.memory_space<vmem>>, vector<1x16xf32>,
      %get3A_290 = vector.shape_cast %get3A_289 : vector<1x16xf32> to vector<16xf32>
      %get3A_291 = arith.index_cast %mul3A_287 : i32 to index
      %get3A_292 = arith.constant 0 : index
      %get3A_293 = tpu.vector_load %arg7[%get3A_291, %get3A_292] {strides = array<i32>} : memref<200x64xf32, #tpu.memory_space<vmem>>, vector<1x16xf32>,
      %get3A_294 = vector.shape_cast %get3A_293 : vector<1x16xf32> to vector<16xf32>
      %add3A_295 = arith.addf %get3A_290, %get3A_294 : vector<16xf32>
      %swap3A = arith.index_cast %add3A_285 : i32 to index
      %swap3A_296 = arith.constant 0 : index
      %swap3A_297 = tpu.vector_load %arg11[%swap3A, %swap3A_296] {strides = array<i32>} : memref<100x128xf32, #tpu.memory_space<vmem>>, vector<1x16xf32>,
      %swap3A_298 = vector.shape_cast %swap3A_297 : vector<1x16xf32> to vector<16xf32>
      %swap3A_299 = vector.shape_cast %add3A_295 : vector<16xf32> to vector<1x16xf32>
      tpu.vector_store %arg11[%swap3A, %swap3A_296], %swap3A_299 {strides = array<i32>} : memref<100x128xf32, #tpu.memory_space<vmem>>, vector<1x16xf32>,
      %add3A_300 = arith.constant 1 : i32
      %add3A_301 = arith.addi %mul3A_287, %add3A_300 : i32
      %get3A_302 = arith.index_cast %add3A_301 : i32 to index
      %get3A_303 = arith.constant 0 : index
      %get3A_304 = tpu.vector_load %arg9[%get3A_302, %get3A_303] {strides = array<i32>} : memref<200x64xf32, #tpu.memory_space<vmem>>, vector<1x16xf32>,
      %get3A_305 = vector.shape_cast %get3A_304 : vector<1x16xf32> to vector<16xf32>
      %add3A_306 = arith.constant 1 : i32
      %add3A_307 = arith.addi %mul3A_287, %add3A_306 : i32
      %get3A_308 = arith.index_cast %add3A_307 : i32 to index
      %get3A_309 = arith.constant 0 : index
      %get3A_310 = tpu.vector_load %arg7[%get3A_308, %get3A_309] {strides = array<i32>} : memref<200x64xf32, #tpu.memory_space<vmem>>, vector<1x16xf32>,
      %get3A_311 = vector.shape_cast %get3A_310 : vector<1x16xf32> to vector<16xf32>
      %add3A_312 = arith.addf %get3A_305, %get3A_311 : vector<16xf32>
      %swap3A_313 = arith.index_cast %add3A_285 : i32 to index
      %swap3A_314 = arith.constant 64 : index
      %swap3A_315 = tpu.vector_load %arg11[%swap3A_313, %swap3A_314] {strides = array<i32>} : memref<100x128xf32, #tpu.memory_space<vmem>>, vector<1x16xf32>,
      %swap3A_316 = vector.shape_cast %swap3A_315 : vector<1x16xf32> to vector<16xf32>
      %swap3A_317 = vector.shape_cast %add3A_312 : vector<16xf32> to vector<1x16xf32>
      tpu.vector_store %arg11[%swap3A_313, %swap3A_314], %swap3A_317 {strides = array<i32>} : memref<100x128xf32, #tpu.memory_space<vmem>>, vector<1x16xf32>,
      %get3A_318 = arith.index_cast %mul3A_287 : i32 to index
      %get3A_319 = arith.constant 16 : index
      %get3A_320 = tpu.vector_load %arg9[%get3A_318, %get3A_319] {strides = array<i32>} : memref<200x64xf32, #tpu.memory_space<vmem>>, vector<1x16xf32>,
      %get3A_321 = vector.shape_cast %get3A_320 : vector<1x16xf32> to vector<16xf32>
      %get3A_322 = arith.index_cast %mul3A_287 : i32 to index
      %get3A_323 = arith.constant 16 : index
      %get3A_324 = tpu.vector_load %arg7[%get3A_322, %get3A_323] {strides = array<i32>} : memref<200x64xf32, #tpu.memory_space<vmem>>, vector<1x16xf32>,
      %get3A_325 = vector.shape_cast %get3A_324 : vector<1x16xf32> to vector<16xf32>
      %add3A_326 = arith.addf %get3A_321, %get3A_325 : vector<16xf32>
      %swap3A_327 = arith.index_cast %add3A_285 : i32 to index
      %swap3A_328 = arith.constant 16 : index
      %swap3A_329 = tpu.vector_load %arg11[%swap3A_327, %swap3A_328] {strides = array<i32>} : memref<100x128xf32, #tpu.memory_space<vmem>>, vector<1x16xf32>,
      %swap3A_330 = vector.shape_cast %swap3A_329 : vector<1x16xf32> to vector<16xf32>
      %swap3A_331 = vector.shape_cast %add3A_326 : vector<16xf32> to vector<1x16xf32>
      tpu.vector_store %arg11[%swap3A_327, %swap3A_328], %swap3A_331 {strides = array<i32>} : memref<100x128xf32, #tpu.memory_space<vmem>>, vector<1x16xf32>,
      %add3A_332 = arith.constant 1 : i32
      %add3A_333 = arith.addi %mul3A_287, %add3A_332 : i32
      %get3A_334 = arith.index_cast %add3A_333 : i32 to index
      %get3A_335 = arith.constant 16 : index
      %get3A_336 = tpu.vector_load %arg9[%get3A_334, %get3A_335] {strides = array<i32>} : memref<200x64xf32, #tpu.memory_space<vmem>>, vector<1x16xf32>,
      %get3A_337 = vector.shape_cast %get3A_336 : vector<1x16xf32> to vector<16xf32>
      %add3A_338 = arith.constant 1 : i32
      %add3A_339 = arith.addi %mul3A_287, %add3A_338 : i32
      %get3A_340 = arith.index_cast %add3A_339 : i32 to index
      %get3A_341 = arith.constant 16 : index
      %get3A_342 = tpu.vector_load %arg7[%get3A_340, %get3A_341] {strides = array<i32>} : memref<200x64xf32, #tpu.memory_space<vmem>>, vector<1x16xf32>,
      %get3A_343 = vector.shape_cast %get3A_342 : vector<1x16xf32> to vector<16xf32>
      %add3A_344 = arith.addf %get3A_337, %get3A_343 : vector<16xf32>
      %swap3A_345 = arith.index_cast %add3A_285 : i32 to index
      %swap3A_346 = arith.constant 80 : index
      %swap3A_347 = tpu.vector_load %arg11[%swap3A_345, %swap3A_346] {strides = array<i32>} : memref<100x128xf32, #tpu.memory_space<vmem>>, vector<1x16xf32>,
      %swap3A_348 = vector.shape_cast %swap3A_347 : vector<1x16xf32> to vector<16xf32>
      %swap3A_349 = vector.shape_cast %add3A_344 : vector<16xf32> to vector<1x16xf32>
      tpu.vector_store %arg11[%swap3A_345, %swap3A_346], %swap3A_349 {strides = array<i32>} : memref<100x128xf32, #tpu.memory_space<vmem>>, vector<1x16xf32>,
      %get3A_350 = arith.index_cast %mul3A_287 : i32 to index
      %get3A_351 = arith.constant 32 : index
      %get3A_352 = tpu.vector_load %arg9[%get3A_350, %get3A_351] {strides = array<i32>} : memref<200x64xf32, #tpu.memory_space<vmem>>, vector<1x16xf32>,
      %get3A_353 = vector.shape_cast %get3A_352 : vector<1x16xf32> to vector<16xf32>
      %get3A_354 = arith.index_cast %mul3A_287 : i32 to index
      %get3A_355 = arith.constant 32 : index
      %get3A_356 = tpu.vector_load %arg7[%get3A_354, %get3A_355] {strides = array<i32>} : memref<200x64xf32, #tpu.memory_space<vmem>>, vector<1x16xf32>,
      %get3A_357 = vector.shape_cast %get3A_356 : vector<1x16xf32> to vector<16xf32>
      %add3A_358 = arith.addf %get3A_353, %get3A_357 : vector<16xf32>
      %swap3A_359 = arith.index_cast %add3A_285 : i32 to index
      %swap3A_360 = arith.constant 32 : index
      %swap3A_361 = tpu.vector_load %arg11[%swap3A_359, %swap3A_360] {strides = array<i32>} : memref<100x128xf32, #tpu.memory_space<vmem>>, vector<1x16xf32>,
      %swap3A_362 = vector.shape_cast %swap3A_361 : vector<1x16xf32> to vector<16xf32>
      %swap3A_363 = vector.shape_cast %add3A_358 : vector<16xf32> to vector<1x16xf32>
      tpu.vector_store %arg11[%swap3A_359, %swap3A_360], %swap3A_363 {strides = array<i32>} : memref<100x128xf32, #tpu.memory_space<vmem>>, vector<1x16xf32>,
      %add3A_364 = arith.constant 1 : i32
      %add3A_365 = arith.addi %mul3A_287, %add3A_364 : i32
      %get3A_366 = arith.index_cast %add3A_365 : i32 to index
      %get3A_367 = arith.constant 32 : index
      %get3A_368 = tpu.vector_load %arg9[%get3A_366, %get3A_367] {strides = array<i32>} : memref<200x64xf32, #tpu.memory_space<vmem>>, vector<1x16xf32>,
      %get3A_369 = vector.shape_cast %get3A_368 : vector<1x16xf32> to vector<16xf32>
      %add3A_370 = arith.constant 1 : i32
      %add3A_371 = arith.addi %mul3A_287, %add3A_370 : i32
      %get3A_372 = arith.index_cast %add3A_371 : i32 to index
      %get3A_373 = arith.constant 32 : index
      %get3A_374 = tpu.vector_load %arg7[%get3A_372, %get3A_373] {strides = array<i32>} : memref<200x64xf32, #tpu.memory_space<vmem>>, vector<1x16xf32>,
      %get3A_375 = vector.shape_cast %get3A_374 : vector<1x16xf32> to vector<16xf32>
      %add3A_376 = arith.addf %get3A_369, %get3A_375 : vector<16xf32>
      %swap3A_377 = arith.index_cast %add3A_285 : i32 to index
      %swap3A_378 = arith.constant 96 : index
      %swap3A_379 = tpu.vector_load %arg11[%swap3A_377, %swap3A_378] {strides = array<i32>} : memref<100x128xf32, #tpu.memory_space<vmem>>, vector<1x16xf32>,
      %swap3A_380 = vector.shape_cast %swap3A_379 : vector<1x16xf32> to vector<16xf32>
      %swap3A_381 = vector.shape_cast %add3A_376 : vector<16xf32> to vector<1x16xf32>
      tpu.vector_store %arg11[%swap3A_377, %swap3A_378], %swap3A_381 {strides = array<i32>} : memref<100x128xf32, #tpu.memory_space<vmem>>, vector<1x16xf32>,
      %get3A_382 = arith.index_cast %mul3A_287 : i32 to index
      %get3A_383 = arith.constant 48 : index
      %get3A_384 = tpu.vector_load %arg9[%get3A_382, %get3A_383] {strides = array<i32>} : memref<200x64xf32, #tpu.memory_space<vmem>>, vector<1x16xf32>,
      %get3A_385 = vector.shape_cast %get3A_384 : vector<1x16xf32> to vector<16xf32>
      %get3A_386 = arith.index_cast %mul3A_287 : i32 to index
      %get3A_387 = arith.constant 48 : index
      %get3A_388 = tpu.vector_load %arg7[%get3A_386, %get3A_387] {strides = array<i32>} : memref<200x64xf32, #tpu.memory_space<vmem>>, vector<1x16xf32>,
      %get3A_389 = vector.shape_cast %get3A_388 : vector<1x16xf32> to vector<16xf32>
      %add3A_390 = arith.addf %get3A_385, %get3A_389 : vector<16xf32>
      %swap3A_391 = arith.index_cast %add3A_285 : i32 to index
      %swap3A_392 = arith.constant 48 : index
      %swap3A_393 = tpu.vector_load %arg11[%swap3A_391, %swap3A_392] {strides = array<i32>} : memref<100x128xf32, #tpu.memory_space<vmem>>, vector<1x16xf32>,
      %swap3A_394 = vector.shape_cast %swap3A_393 : vector<1x16xf32> to vector<16xf32>
      %swap3A_395 = vector.shape_cast %add3A_390 : vector<16xf32> to vector<1x16xf32>
      tpu.vector_store %arg11[%swap3A_391, %swap3A_392], %swap3A_395 {strides = array<i32>} : memref<100x128xf32, #tpu.memory_space<vmem>>, vector<1x16xf32>,
      %add3A_396 = arith.constant 1 : i32
      %add3A_397 = arith.addi %mul3A_287, %add3A_396 : i32
      %get3A_398 = arith.index_cast %add3A_397 : i32 to index
      %get3A_399 = arith.constant 48 : index
      %get3A_400 = tpu.vector_load %arg9[%get3A_398, %get3A_399] {strides = array<i32>} : memref<200x64xf32, #tpu.memory_space<vmem>>, vector<1x16xf32>,
      %get3A_401 = vector.shape_cast %get3A_400 : vector<1x16xf32> to vector<16xf32>
      %add3A_402 = arith.constant 1 : i32
      %add3A_403 = arith.addi %mul3A_287, %add3A_402 : i32
      %get3A_404 = arith.index_cast %add3A_403 : i32 to index
      %get3A_405 = arith.constant 48 : index
      %get3A_406 = tpu.vector_load %arg7[%get3A_404, %get3A_405] {strides = array<i32>} : memref<200x64xf32, #tpu.memory_space<vmem>>, vector<1x16xf32>,
      %get3A_407 = vector.shape_cast %get3A_406 : vector<1x16xf32> to vector<16xf32>
      %add3A_408 = arith.addf %get3A_401, %get3A_407 : vector<16xf32>
      %swap3A_409 = arith.index_cast %add3A_285 : i32 to index
      %swap3A_410 = arith.constant 112 : index
      %swap3A_411 = tpu.vector_load %arg11[%swap3A_409, %swap3A_410] {strides = array<i32>} : memref<100x128xf32, #tpu.memory_space<vmem>>, vector<1x16xf32>,
      %swap3A_412 = vector.shape_cast %swap3A_411 : vector<1x16xf32> to vector<16xf32>
      %swap3A_413 = vector.shape_cast %add3A_408 : vector<16xf32> to vector<1x16xf32>
      tpu.vector_store %arg11[%swap3A_409, %swap3A_410], %swap3A_413 {strides = array<i32>} : memref<100x128xf32, #tpu.memory_space<vmem>>, vector<1x16xf32>,
    }
    %scan3A_129 = arith.constant 100 : i32
    %dma_start3A_130 = arith.constant 3 : i32
    %dma_start3A_131 = arith.constant 0 : i32
    %dma_start3A_132 = arith.constant 0 : i32
    %dma_start3A_133 = arith.constant 0 : i32
    %dma_start3A_134 = tpu.memref_slice %arg9[%dma_start3A_132, %dma_start3A_133] : memref<200x64xf32, #tpu.memory_space<vmem>> -> memref<100x64xf32, #tpu.memory_space<vmem>>
    %dma_start3A_135 = arith.constant 0 : i32
    %dma_start3A_136 = tpu.memref_slice %arg6[%dma_start3A_130, %dma_start3A_131, %dma_start3A_135] : memref<32x2x100xi32, #tpu.memory_space<vmem>> -> memref<1x1x100xi32, #tpu.memory_space<vmem>>
    %dma_start3A_137 = tpu.memref_squeeze %dma_start3A_136 : memref<1x1x100xi32, #tpu.memory_space<vmem>> -> memref<100xi32, #tpu.memory_space<vmem>>
    %dma_start3A_138 = arith.constant 0 : i32
    %dma_start3A_139 = arith.constant 0 : i32
    %dma_start3A_140 = tpu.memref_slice %arg3[%dma_start3A_138, %dma_start3A_139] : memref<100000x64xf32, #tpu.memory_space<hbm>> -> memref<100000x64xf32, #tpu.memory_space<hbm>>
    tpu.enqueue_indirect_dma source(%dma_start3A_140 : memref<100000x64xf32, #tpu.memory_space<hbm>>) target(%dma_start3A_134 : memref<100x64xf32, #tpu.memory_space<vmem>>) offsets(%dma_start3A_137 : memref<100xi32, #tpu.memory_space<vmem>>) semaphore(%arg13 : memref<!tpu.dma_semaphore, #tpu.memory_space<semaphore_mem>>)
    %dma_start3A_141 = arith.constant 3 : i32
    %dma_start3A_142 = arith.constant 1 : i32
    %dma_start3A_143 = arith.constant 100 : i32
    %dma_start3A_144 = arith.constant 0 : i32
    %dma_start3A_145 = tpu.memref_slice %arg9[%dma_start3A_143, %dma_start3A_144] : memref<200x64xf32, #tpu.memory_space<vmem>> -> memref<100x64xf32, #tpu.memory_space<vmem>>
    %dma_start3A_146 = arith.constant 0 : i32
    %dma_start3A_147 = tpu.memref_slice %arg6[%dma_start3A_141, %dma_start3A_142, %dma_start3A_146] : memref<32x2x100xi32, #tpu.memory_space<vmem>> -> memref<1x1x100xi32, #tpu.memory_space<vmem>>
    %dma_start3A_148 = tpu.memref_squeeze %dma_start3A_147 : memref<1x1x100xi32, #tpu.memory_space<vmem>> -> memref<100xi32, #tpu.memory_space<vmem>>
    %dma_start3A_149 = arith.constant 0 : i32
    %dma_start3A_150 = arith.constant 0 : i32
    %dma_start3A_151 = tpu.memref_slice %arg3[%dma_start3A_149, %dma_start3A_150] : memref<100000x64xf32, #tpu.memory_space<hbm>> -> memref<100000x64xf32, #tpu.memory_space<hbm>>
    tpu.enqueue_indirect_dma source(%dma_start3A_151 : memref<100000x64xf32, #tpu.memory_space<hbm>>) target(%dma_start3A_145 : memref<100x64xf32, #tpu.memory_space<vmem>>) offsets(%dma_start3A_148 : memref<100xi32, #tpu.memory_space<vmem>>) semaphore(%arg13 : memref<!tpu.dma_semaphore, #tpu.memory_space<semaphore_mem>>)
    %add3A_152 = arith.constant 1 : i32
    %add3A_153 = arith.addi %mul3A_2, %add3A_152 : i32
    %dma_start3A_154 = arith.constant 0 : i32
    %dma_start3A_155 = arith.constant 0 : i32
    %dma_start3A_156 = tpu.memref_slice %arg5[%add3A_153, %dma_start3A_154, %dma_start3A_155] : memref<1024x104x128xf32, #tpu.memory_space<hbm>> -> memref<1x100x128xf32, #tpu.memory_space<hbm>>
    %dma_start3A_157 = tpu.memref_squeeze %dma_start3A_156 : memref<1x100x128xf32, #tpu.memory_space<hbm>> -> memref<100x128xf32, #tpu.memory_space<hbm>>
    %dma_start3A_158 = arith.constant 0 : i32
    %dma_start3A_159 = arith.constant 0 : i32
    %dma_start3A_160 = tpu.memref_slice %arg5[%add3A_153, %dma_start3A_158, %dma_start3A_159] : memref<1024x104x128xf32, #tpu.memory_space<hbm>> -> memref<1x100x128xf32, #tpu.memory_space<hbm>>
    %dma_start3A_161 = tpu.memref_squeeze %dma_start3A_160 : memref<1x100x128xf32, #tpu.memory_space<hbm>> -> memref<100x128xf32, #tpu.memory_space<hbm>>
    tpu.enqueue_dma source(%arg11 : memref<100x128xf32, #tpu.memory_space<vmem>>) target(%dma_start3A_161 : memref<100x128xf32, #tpu.memory_space<hbm>>) target_semaphore(%arg15 : memref<!tpu.dma_semaphore, #tpu.memory_space<semaphore_mem>>)
    %scan3A_162 = arith.constant 0 : i32
    %scan3A_163 = arith.constant 14 : i32
    %scan3A_164 = arith.addi %scan3A_162, %scan3A_163 : i32
    %scan3A_165 = arith.constant 1 : i32
    scf.for %scan3A_281 = %scan3A_162 to %scan3A_164 step %scan3A_165  : i32 {
      %mul3A_282 = arith.constant 1 : i32
      %mul3A_283 = arith.muli %scan3A_281, %mul3A_282 : i32
      %add3A_284 = arith.constant 1 : i32
      %add3A_285 = arith.addi %add3A_284, %mul3A_283 : i32
      %mul3A_286 = arith.constant 2 : i32
      %mul3A_287 = arith.muli %add3A_285, %mul3A_286 : i32
      %add3A_288 = arith.constant 0 : i32
      %add3A_289 = arith.addi %mul3A_287, %add3A_288 : i32
      %dma_wait3A_290 = arith.constant 0 : i32
      %dma_wait3A_291 = arith.constant 0 : i32
      %dma_wait3A_292 = arith.constant 0 : i32
      %dma_wait3A_293 = tpu.memref_slice %arg8[%dma_wait3A_291, %dma_wait3A_292] : memref<200x64xf32, #tpu.memory_space<vmem>> -> memref<100x64xf32, #tpu.memory_space<vmem>>
      %dma_wait3A_294 = arith.constant 0 : i32
      %dma_wait3A_295 = tpu.memref_slice %arg6[%add3A_289, %dma_wait3A_290, %dma_wait3A_294] : memref<32x2x100xi32, #tpu.memory_space<vmem>> -> memref<1x1x100xi32, #tpu.memory_space<vmem>>
      %dma_wait3A_296 = tpu.memref_squeeze %dma_wait3A_295 : memref<1x1x100xi32, #tpu.memory_space<vmem>> -> memref<100xi32, #tpu.memory_space<vmem>>
      %dma_wait3A_297 = arith.constant 0 : i32
      %dma_wait3A_298 = arith.constant 0 : i32
      %dma_wait3A_299 = tpu.memref_slice %arg3[%dma_wait3A_297, %dma_wait3A_298] : memref<100000x64xf32, #tpu.memory_space<hbm>> -> memref<100000x64xf32, #tpu.memory_space<hbm>>
      tpu.wait_indirect_dma semaphore(%arg12 : memref<!tpu.dma_semaphore, #tpu.memory_space<semaphore_mem>>) src(%dma_wait3A_299 : memref<100000x64xf32, #tpu.memory_space<hbm>>) dst(%dma_wait3A_293 : memref<100x64xf32, #tpu.memory_space<vmem>>)
      %dma_wait3A_300 = arith.constant 1 : i32
      %dma_wait3A_301 = arith.constant 100 : i32
      %dma_wait3A_302 = arith.constant 0 : i32
      %dma_wait3A_303 = tpu.memref_slice %arg8[%dma_wait3A_301, %dma_wait3A_302] : memref<200x64xf32, #tpu.memory_space<vmem>> -> memref<100x64xf32, #tpu.memory_space<vmem>>
      %dma_wait3A_304 = arith.constant 0 : i32
      %dma_wait3A_305 = tpu.memref_slice %arg6[%add3A_289, %dma_wait3A_300, %dma_wait3A_304] : memref<32x2x100xi32, #tpu.memory_space<vmem>> -> memref<1x1x100xi32, #tpu.memory_space<vmem>>
      %dma_wait3A_306 = tpu.memref_squeeze %dma_wait3A_305 : memref<1x1x100xi32, #tpu.memory_space<vmem>> -> memref<100xi32, #tpu.memory_space<vmem>>
      %dma_wait3A_307 = arith.constant 0 : i32
      %dma_wait3A_308 = arith.constant 0 : i32
      %dma_wait3A_309 = tpu.memref_slice %arg3[%dma_wait3A_307, %dma_wait3A_308] : memref<100000x64xf32, #tpu.memory_space<hbm>> -> memref<100000x64xf32, #tpu.memory_space<hbm>>
      tpu.wait_indirect_dma semaphore(%arg12 : memref<!tpu.dma_semaphore, #tpu.memory_space<semaphore_mem>>) src(%dma_wait3A_309 : memref<100000x64xf32, #tpu.memory_space<hbm>>) dst(%dma_wait3A_303 : memref<100x64xf32, #tpu.memory_space<vmem>>)
      %sub3A = arith.constant 2 : i32
      %sub3A_310 = arith.subi %add3A_289, %sub3A : i32
      %add3A_311 = arith.addi %mul3A_2, %sub3A_310 : i32
      %dma_wait3A_312 = arith.constant 0 : i32
      %dma_wait3A_313 = arith.constant 0 : i32
      %dma_wait3A_314 = tpu.memref_slice %arg5[%add3A_311, %dma_wait3A_312, %dma_wait3A_313] : memref<1024x104x128xf32, #tpu.memory_space<hbm>> -> memref<1x100x128xf32, #tpu.memory_space<hbm>>
      %dma_wait3A_315 = tpu.memref_squeeze %dma_wait3A_314 : memref<1x100x128xf32, #tpu.memory_space<hbm>> -> memref<100x128xf32, #tpu.memory_space<hbm>>
      %dma_wait3A_316 = arith.constant 0 : i32
      %dma_wait3A_317 = arith.constant 0 : i32
      %dma_wait3A_318 = tpu.memref_slice %arg5[%add3A_311, %dma_wait3A_316, %dma_wait3A_317] : memref<1024x104x128xf32, #tpu.memory_space<hbm>> -> memref<1x100x128xf32, #tpu.memory_space<hbm>>
      %dma_wait3A_319 = tpu.memref_squeeze %dma_wait3A_318 : memref<1x100x128xf32, #tpu.memory_space<hbm>> -> memref<100x128xf32, #tpu.memory_space<hbm>>
      tpu.wait_dma2 semaphore(%arg14 : memref<!tpu.dma_semaphore, #tpu.memory_space<semaphore_mem>>) src(%arg10 : memref<100x128xf32, #tpu.memory_space<vmem>>) dst(%dma_wait3A_319 : memref<100x128xf32, #tpu.memory_space<hbm>>)
      %scan3A_320 = arith.constant 0 : i32
      %scan3A_321 = arith.constant 100 : i32
      %scan3A_322 = arith.addi %scan3A_320, %scan3A_321 : i32
      %scan3A_323 = arith.constant 1 : i32
      scf.for %scan3A_427 = %scan3A_320 to %scan3A_322 step %scan3A_323  : i32 {
        %mul3A_428 = arith.constant 1 : i32
        %mul3A_429 = arith.muli %scan3A_427, %mul3A_428 : i32
        %add3A_430 = arith.constant 0 : i32
        %add3A_431 = arith.addi %add3A_430, %mul3A_429 : i32
        %mul3A_432 = arith.constant 2 : i32
        %mul3A_433 = arith.muli %mul3A_432, %add3A_431 : i32
        %get3A = arith.index_cast %mul3A_433 : i32 to index
        %get3A_434 = arith.constant 0 : index
        %get3A_435 = tpu.vector_load %arg8[%get3A, %get3A_434] {strides = array<i32>} : memref<200x64xf32, #tpu.memory_space<vmem>>, vector<1x16xf32>,
        %get3A_436 = vector.shape_cast %get3A_435 : vector<1x16xf32> to vector<16xf32>
        %get3A_437 = arith.index_cast %mul3A_433 : i32 to index
        %get3A_438 = arith.constant 0 : index
        %get3A_439 = tpu.vector_load %arg7[%get3A_437, %get3A_438] {strides = array<i32>} : memref<200x64xf32, #tpu.memory_space<vmem>>, vector<1x16xf32>,
        %get3A_440 = vector.shape_cast %get3A_439 : vector<1x16xf32> to vector<16xf32>
        %add3A_441 = arith.addf %get3A_436, %get3A_440 : vector<16xf32>
        %swap3A = arith.index_cast %add3A_431 : i32 to index
        %swap3A_442 = arith.constant 0 : index
        %swap3A_443 = tpu.vector_load %arg10[%swap3A, %swap3A_442] {strides = array<i32>} : memref<100x128xf32, #tpu.memory_space<vmem>>, vector<1x16xf32>,
        %swap3A_444 = vector.shape_cast %swap3A_443 : vector<1x16xf32> to vector<16xf32>
        %swap3A_445 = vector.shape_cast %add3A_441 : vector<16xf32> to vector<1x16xf32>
        tpu.vector_store %arg10[%swap3A, %swap3A_442], %swap3A_445 {strides = array<i32>} : memref<100x128xf32, #tpu.memory_space<vmem>>, vector<1x16xf32>,
        %add3A_446 = arith.constant 1 : i32
        %add3A_447 = arith.addi %mul3A_433, %add3A_446 : i32
        %get3A_448 = arith.index_cast %add3A_447 : i32 to index
        %get3A_449 = arith.constant 0 : index
        %get3A_450 = tpu.vector_load %arg8[%get3A_448, %get3A_449] {strides = array<i32>} : memref<200x64xf32, #tpu.memory_space<vmem>>, vector<1x16xf32>,
        %get3A_451 = vector.shape_cast %get3A_450 : vector<1x16xf32> to vector<16xf32>
        %add3A_452 = arith.constant 1 : i32
        %add3A_453 = arith.addi %mul3A_433, %add3A_452 : i32
        %get3A_454 = arith.index_cast %add3A_453 : i32 to index
        %get3A_455 = arith.constant 0 : index
        %get3A_456 = tpu.vector_load %arg7[%get3A_454, %get3A_455] {strides = array<i32>} : memref<200x64xf32, #tpu.memory_space<vmem>>, vector<1x16xf32>,
        %get3A_457 = vector.shape_cast %get3A_456 : vector<1x16xf32> to vector<16xf32>
        %add3A_458 = arith.addf %get3A_451, %get3A_457 : vector<16xf32>
        %swap3A_459 = arith.index_cast %add3A_431 : i32 to index
        %swap3A_460 = arith.constant 64 : index
        %swap3A_461 = tpu.vector_load %arg10[%swap3A_459, %swap3A_460] {strides = array<i32>} : memref<100x128xf32, #tpu.memory_space<vmem>>, vector<1x16xf32>,
        %swap3A_462 = vector.shape_cast %swap3A_461 : vector<1x16xf32> to vector<16xf32>
        %swap3A_463 = vector.shape_cast %add3A_458 : vector<16xf32> to vector<1x16xf32>
        tpu.vector_store %arg10[%swap3A_459, %swap3A_460], %swap3A_463 {strides = array<i32>} : memref<100x128xf32, #tpu.memory_space<vmem>>, vector<1x16xf32>,
        %get3A_464 = arith.index_cast %mul3A_433 : i32 to index
        %get3A_465 = arith.constant 16 : index
        %get3A_466 = tpu.vector_load %arg8[%get3A_464, %get3A_465] {strides = array<i32>} : memref<200x64xf32, #tpu.memory_space<vmem>>, vector<1x16xf32>,
        %get3A_467 = vector.shape_cast %get3A_466 : vector<1x16xf32> to vector<16xf32>
        %get3A_468 = arith.index_cast %mul3A_433 : i32 to index
        %get3A_469 = arith.constant 16 : index
        %get3A_470 = tpu.vector_load %arg7[%get3A_468, %get3A_469] {strides = array<i32>} : memref<200x64xf32, #tpu.memory_space<vmem>>, vector<1x16xf32>,
        %get3A_471 = vector.shape_cast %get3A_470 : vector<1x16xf32> to vector<16xf32>
        %add3A_472 = arith.addf %get3A_467, %get3A_471 : vector<16xf32>
        %swap3A_473 = arith.index_cast %add3A_431 : i32 to index
        %swap3A_474 = arith.constant 16 : index
        %swap3A_475 = tpu.vector_load %arg10[%swap3A_473, %swap3A_474] {strides = array<i32>} : memref<100x128xf32, #tpu.memory_space<vmem>>, vector<1x16xf32>,
        %swap3A_476 = vector.shape_cast %swap3A_475 : vector<1x16xf32> to vector<16xf32>
        %swap3A_477 = vector.shape_cast %add3A_472 : vector<16xf32> to vector<1x16xf32>
        tpu.vector_store %arg10[%swap3A_473, %swap3A_474], %swap3A_477 {strides = array<i32>} : memref<100x128xf32, #tpu.memory_space<vmem>>, vector<1x16xf32>,
        %add3A_478 = arith.constant 1 : i32
        %add3A_479 = arith.addi %mul3A_433, %add3A_478 : i32
        %get3A_480 = arith.index_cast %add3A_479 : i32 to index
        %get3A_481 = arith.constant 16 : index
        %get3A_482 = tpu.vector_load %arg8[%get3A_480, %get3A_481] {strides = array<i32>} : memref<200x64xf32, #tpu.memory_space<vmem>>, vector<1x16xf32>,
        %get3A_483 = vector.shape_cast %get3A_482 : vector<1x16xf32> to vector<16xf32>
        %add3A_484 = arith.constant 1 : i32
        %add3A_485 = arith.addi %mul3A_433, %add3A_484 : i32
        %get3A_486 = arith.index_cast %add3A_485 : i32 to index
        %get3A_487 = arith.constant 16 : index
        %get3A_488 = tpu.vector_load %arg7[%get3A_486, %get3A_487] {strides = array<i32>} : memref<200x64xf32, #tpu.memory_space<vmem>>, vector<1x16xf32>,
        %get3A_489 = vector.shape_cast %get3A_488 : vector<1x16xf32> to vector<16xf32>
        %add3A_490 = arith.addf %get3A_483, %get3A_489 : vector<16xf32>
        %swap3A_491 = arith.index_cast %add3A_431 : i32 to index
        %swap3A_492 = arith.constant 80 : index
        %swap3A_493 = tpu.vector_load %arg10[%swap3A_491, %swap3A_492] {strides = array<i32>} : memref<100x128xf32, #tpu.memory_space<vmem>>, vector<1x16xf32>,
        %swap3A_494 = vector.shape_cast %swap3A_493 : vector<1x16xf32> to vector<16xf32>
        %swap3A_495 = vector.shape_cast %add3A_490 : vector<16xf32> to vector<1x16xf32>
        tpu.vector_store %arg10[%swap3A_491, %swap3A_492], %swap3A_495 {strides = array<i32>} : memref<100x128xf32, #tpu.memory_space<vmem>>, vector<1x16xf32>,
        %get3A_496 = arith.index_cast %mul3A_433 : i32 to index
        %get3A_497 = arith.constant 32 : index
        %get3A_498 = tpu.vector_load %arg8[%get3A_496, %get3A_497] {strides = array<i32>} : memref<200x64xf32, #tpu.memory_space<vmem>>, vector<1x16xf32>,
        %get3A_499 = vector.shape_cast %get3A_498 : vector<1x16xf32> to vector<16xf32>
        %get3A_500 = arith.index_cast %mul3A_433 : i32 to index
        %get3A_501 = arith.constant 32 : index
        %get3A_502 = tpu.vector_load %arg7[%get3A_500, %get3A_501] {strides = array<i32>} : memref<200x64xf32, #tpu.memory_space<vmem>>, vector<1x16xf32>,
        %get3A_503 = vector.shape_cast %get3A_502 : vector<1x16xf32> to vector<16xf32>
        %add3A_504 = arith.addf %get3A_499, %get3A_503 : vector<16xf32>
        %swap3A_505 = arith.index_cast %add3A_431 : i32 to index
        %swap3A_506 = arith.constant 32 : index
        %swap3A_507 = tpu.vector_load %arg10[%swap3A_505, %swap3A_506] {strides = array<i32>} : memref<100x128xf32, #tpu.memory_space<vmem>>, vector<1x16xf32>,
        %swap3A_508 = vector.shape_cast %swap3A_507 : vector<1x16xf32> to vector<16xf32>
        %swap3A_509 = vector.shape_cast %add3A_504 : vector<16xf32> to vector<1x16xf32>
        tpu.vector_store %arg10[%swap3A_505, %swap3A_506], %swap3A_509 {strides = array<i32>} : memref<100x128xf32, #tpu.memory_space<vmem>>, vector<1x16xf32>,
        %add3A_510 = arith.constant 1 : i32
        %add3A_511 = arith.addi %mul3A_433, %add3A_510 : i32
        %get3A_512 = arith.index_cast %add3A_511 : i32 to index
        %get3A_513 = arith.constant 32 : index
        %get3A_514 = tpu.vector_load %arg8[%get3A_512, %get3A_513] {strides = array<i32>} : memref<200x64xf32, #tpu.memory_space<vmem>>, vector<1x16xf32>,
        %get3A_515 = vector.shape_cast %get3A_514 : vector<1x16xf32> to vector<16xf32>
        %add3A_516 = arith.constant 1 : i32
        %add3A_517 = arith.addi %mul3A_433, %add3A_516 : i32
        %get3A_518 = arith.index_cast %add3A_517 : i32 to index
        %get3A_519 = arith.constant 32 : index
        %get3A_520 = tpu.vector_load %arg7[%get3A_518, %get3A_519] {strides = array<i32>} : memref<200x64xf32, #tpu.memory_space<vmem>>, vector<1x16xf32>,
        %get3A_521 = vector.shape_cast %get3A_520 : vector<1x16xf32> to vector<16xf32>
        %add3A_522 = arith.addf %get3A_515, %get3A_521 : vector<16xf32>
        %swap3A_523 = arith.index_cast %add3A_431 : i32 to index
        %swap3A_524 = arith.constant 96 : index
        %swap3A_525 = tpu.vector_load %arg10[%swap3A_523, %swap3A_524] {strides = array<i32>} : memref<100x128xf32, #tpu.memory_space<vmem>>, vector<1x16xf32>,
        %swap3A_526 = vector.shape_cast %swap3A_525 : vector<1x16xf32> to vector<16xf32>
        %swap3A_527 = vector.shape_cast %add3A_522 : vector<16xf32> to vector<1x16xf32>
        tpu.vector_store %arg10[%swap3A_523, %swap3A_524], %swap3A_527 {strides = array<i32>} : memref<100x128xf32, #tpu.memory_space<vmem>>, vector<1x16xf32>,
        %get3A_528 = arith.index_cast %mul3A_433 : i32 to index
        %get3A_529 = arith.constant 48 : index
        %get3A_530 = tpu.vector_load %arg8[%get3A_528, %get3A_529] {strides = array<i32>} : memref<200x64xf32, #tpu.memory_space<vmem>>, vector<1x16xf32>,
        %get3A_531 = vector.shape_cast %get3A_530 : vector<1x16xf32> to vector<16xf32>
        %get3A_532 = arith.index_cast %mul3A_433 : i32 to index
        %get3A_533 = arith.constant 48 : index
        %get3A_534 = tpu.vector_load %arg7[%get3A_532, %get3A_533] {strides = array<i32>} : memref<200x64xf32, #tpu.memory_space<vmem>>, vector<1x16xf32>,
        %get3A_535 = vector.shape_cast %get3A_534 : vector<1x16xf32> to vector<16xf32>
        %add3A_536 = arith.addf %get3A_531, %get3A_535 : vector<16xf32>
        %swap3A_537 = arith.index_cast %add3A_431 : i32 to index
        %swap3A_538 = arith.constant 48 : index
        %swap3A_539 = tpu.vector_load %arg10[%swap3A_537, %swap3A_538] {strides = array<i32>} : memref<100x128xf32, #tpu.memory_space<vmem>>, vector<1x16xf32>,
        %swap3A_540 = vector.shape_cast %swap3A_539 : vector<1x16xf32> to vector<16xf32>
        %swap3A_541 = vector.shape_cast %add3A_536 : vector<16xf32> to vector<1x16xf32>
        tpu.vector_store %arg10[%swap3A_537, %swap3A_538], %swap3A_541 {strides = array<i32>} : memref<100x128xf32, #tpu.memory_space<vmem>>, vector<1x16xf32>,
        %add3A_542 = arith.constant 1 : i32
        %add3A_543 = arith.addi %mul3A_433, %add3A_542 : i32
        %get3A_544 = arith.index_cast %add3A_543 : i32 to index
        %get3A_545 = arith.constant 48 : index
        %get3A_546 = tpu.vector_load %arg8[%get3A_544, %get3A_545] {strides = array<i32>} : memref<200x64xf32, #tpu.memory_space<vmem>>, vector<1x16xf32>,
        %get3A_547 = vector.shape_cast %get3A_546 : vector<1x16xf32> to vector<16xf32>
        %add3A_548 = arith.constant 1 : i32
        %add3A_549 = arith.addi %mul3A_433, %add3A_548 : i32
        %get3A_550 = arith.index_cast %add3A_549 : i32 to index
        %get3A_551 = arith.constant 48 : index
        %get3A_552 = tpu.vector_load %arg7[%get3A_550, %get3A_551] {strides = array<i32>} : memref<200x64xf32, #tpu.memory_space<vmem>>, vector<1x16xf32>,
        %get3A_553 = vector.shape_cast %get3A_552 : vector<1x16xf32> to vector<16xf32>
        %add3A_554 = arith.addf %get3A_547, %get3A_553 : vector<16xf32>
        %swap3A_555 = arith.index_cast %add3A_431 : i32 to index
        %swap3A_556 = arith.constant 112 : index
        %swap3A_557 = tpu.vector_load %arg10[%swap3A_555, %swap3A_556] {strides = array<i32>} : memref<100x128xf32, #tpu.memory_space<vmem>>, vector<1x16xf32>,
        %swap3A_558 = vector.shape_cast %swap3A_557 : vector<1x16xf32> to vector<16xf32>
        %swap3A_559 = vector.shape_cast %add3A_554 : vector<16xf32> to vector<1x16xf32>
        tpu.vector_store %arg10[%swap3A_555, %swap3A_556], %swap3A_559 {strides = array<i32>} : memref<100x128xf32, #tpu.memory_space<vmem>>, vector<1x16xf32>,
      }
      %scan3A_324 = arith.constant 100 : i32
      %add3A_325 = arith.constant 2 : i32
      %add3A_326 = arith.addi %add3A_289, %add3A_325 : i32
      %dma_start3A_327 = arith.constant 0 : i32
      %dma_start3A_328 = arith.constant 0 : i32
      %dma_start3A_329 = arith.constant 0 : i32
      %dma_start3A_330 = tpu.memref_slice %arg8[%dma_start3A_328, %dma_start3A_329] : memref<200x64xf32, #tpu.memory_space<vmem>> -> memref<100x64xf32, #tpu.memory_space<vmem>>
      %dma_start3A_331 = arith.constant 0 : i32
      %dma_start3A_332 = tpu.memref_slice %arg6[%add3A_326, %dma_start3A_327, %dma_start3A_331] : memref<32x2x100xi32, #tpu.memory_space<vmem>> -> memref<1x1x100xi32, #tpu.memory_space<vmem>>
      %dma_start3A_333 = tpu.memref_squeeze %dma_start3A_332 : memref<1x1x100xi32, #tpu.memory_space<vmem>> -> memref<100xi32, #tpu.memory_space<vmem>>
      %dma_start3A_334 = arith.constant 0 : i32
      %dma_start3A_335 = arith.constant 0 : i32
      %dma_start3A_336 = tpu.memref_slice %arg3[%dma_start3A_334, %dma_start3A_335] : memref<100000x64xf32, #tpu.memory_space<hbm>> -> memref<100000x64xf32, #tpu.memory_space<hbm>>
      tpu.enqueue_indirect_dma source(%dma_start3A_336 : memref<100000x64xf32, #tpu.memory_space<hbm>>) target(%dma_start3A_330 : memref<100x64xf32, #tpu.memory_space<vmem>>) offsets(%dma_start3A_333 : memref<100xi32, #tpu.memory_space<vmem>>) semaphore(%arg12 : memref<!tpu.dma_semaphore, #tpu.memory_space<semaphore_mem>>)
      %dma_start3A_337 = arith.constant 1 : i32
      %dma_start3A_338 = arith.constant 100 : i32
      %dma_start3A_339 = arith.constant 0 : i32
      %dma_start3A_340 = tpu.memref_slice %arg8[%dma_start3A_338, %dma_start3A_339] : memref<200x64xf32, #tpu.memory_space<vmem>> -> memref<100x64xf32, #tpu.memory_space<vmem>>
      %dma_start3A_341 = arith.constant 0 : i32
      %dma_start3A_342 = tpu.memref_slice %arg6[%add3A_326, %dma_start3A_337, %dma_start3A_341] : memref<32x2x100xi32, #tpu.memory_space<vmem>> -> memref<1x1x100xi32, #tpu.memory_space<vmem>>
      %dma_start3A_343 = tpu.memref_squeeze %dma_start3A_342 : memref<1x1x100xi32, #tpu.memory_space<vmem>> -> memref<100xi32, #tpu.memory_space<vmem>>
      %dma_start3A_344 = arith.constant 0 : i32
      %dma_start3A_345 = arith.constant 0 : i32
      %dma_start3A_346 = tpu.memref_slice %arg3[%dma_start3A_344, %dma_start3A_345] : memref<100000x64xf32, #tpu.memory_space<hbm>> -> memref<100000x64xf32, #tpu.memory_space<hbm>>
      tpu.enqueue_indirect_dma source(%dma_start3A_346 : memref<100000x64xf32, #tpu.memory_space<hbm>>) target(%dma_start3A_340 : memref<100x64xf32, #tpu.memory_space<vmem>>) offsets(%dma_start3A_343 : memref<100xi32, #tpu.memory_space<vmem>>) semaphore(%arg12 : memref<!tpu.dma_semaphore, #tpu.memory_space<semaphore_mem>>)
      %add3A_347 = arith.addi %mul3A_2, %add3A_289 : i32
      %dma_start3A_348 = arith.constant 0 : i32
      %dma_start3A_349 = arith.constant 0 : i32
      %dma_start3A_350 = tpu.memref_slice %arg5[%add3A_347, %dma_start3A_348, %dma_start3A_349] : memref<1024x104x128xf32, #tpu.memory_space<hbm>> -> memref<1x100x128xf32, #tpu.memory_space<hbm>>
      %dma_start3A_351 = tpu.memref_squeeze %dma_start3A_350 : memref<1x100x128xf32, #tpu.memory_space<hbm>> -> memref<100x128xf32, #tpu.memory_space<hbm>>
      %dma_start3A_352 = arith.constant 0 : i32
      %dma_start3A_353 = arith.constant 0 : i32
      %dma_start3A_354 = tpu.memref_slice %arg5[%add3A_347, %dma_start3A_352, %dma_start3A_353] : memref<1024x104x128xf32, #tpu.memory_space<hbm>> -> memref<1x100x128xf32, #tpu.memory_space<hbm>>
      %dma_start3A_355 = tpu.memref_squeeze %dma_start3A_354 : memref<1x100x128xf32, #tpu.memory_space<hbm>> -> memref<100x128xf32, #tpu.memory_space<hbm>>
      tpu.enqueue_dma source(%arg10 : memref<100x128xf32, #tpu.memory_space<vmem>>) target(%dma_start3A_355 : memref<100x128xf32, #tpu.memory_space<hbm>>) target_semaphore(%arg14 : memref<!tpu.dma_semaphore, #tpu.memory_space<semaphore_mem>>)
      %mul3A_356 = arith.constant 2 : i32
      %mul3A_357 = arith.muli %add3A_285, %mul3A_356 : i32
      %add3A_358 = arith.constant 1 : i32
      %add3A_359 = arith.addi %mul3A_357, %add3A_358 : i32
      %dma_wait3A_360 = arith.constant 0 : i32
      %dma_wait3A_361 = arith.constant 0 : i32
      %dma_wait3A_362 = arith.constant 0 : i32
      %dma_wait3A_363 = tpu.memref_slice %arg9[%dma_wait3A_361, %dma_wait3A_362] : memref<200x64xf32, #tpu.memory_space<vmem>> -> memref<100x64xf32, #tpu.memory_space<vmem>>
      %dma_wait3A_364 = arith.constant 0 : i32
      %dma_wait3A_365 = tpu.memref_slice %arg6[%add3A_359, %dma_wait3A_360, %dma_wait3A_364] : memref<32x2x100xi32, #tpu.memory_space<vmem>> -> memref<1x1x100xi32, #tpu.memory_space<vmem>>
      %dma_wait3A_366 = tpu.memref_squeeze %dma_wait3A_365 : memref<1x1x100xi32, #tpu.memory_space<vmem>> -> memref<100xi32, #tpu.memory_space<vmem>>
      %dma_wait3A_367 = arith.constant 0 : i32
      %dma_wait3A_368 = arith.constant 0 : i32
      %dma_wait3A_369 = tpu.memref_slice %arg3[%dma_wait3A_367, %dma_wait3A_368] : memref<100000x64xf32, #tpu.memory_space<hbm>> -> memref<100000x64xf32, #tpu.memory_space<hbm>>
      tpu.wait_indirect_dma semaphore(%arg13 : memref<!tpu.dma_semaphore, #tpu.memory_space<semaphore_mem>>) src(%dma_wait3A_369 : memref<100000x64xf32, #tpu.memory_space<hbm>>) dst(%dma_wait3A_363 : memref<100x64xf32, #tpu.memory_space<vmem>>)
      %dma_wait3A_370 = arith.constant 1 : i32
      %dma_wait3A_371 = arith.constant 100 : i32
      %dma_wait3A_372 = arith.constant 0 : i32
      %dma_wait3A_373 = tpu.memref_slice %arg9[%dma_wait3A_371, %dma_wait3A_372] : memref<200x64xf32, #tpu.memory_space<vmem>> -> memref<100x64xf32, #tpu.memory_space<vmem>>
      %dma_wait3A_374 = arith.constant 0 : i32
      %dma_wait3A_375 = tpu.memref_slice %arg6[%add3A_359, %dma_wait3A_370, %dma_wait3A_374] : memref<32x2x100xi32, #tpu.memory_space<vmem>> -> memref<1x1x100xi32, #tpu.memory_space<vmem>>
      %dma_wait3A_376 = tpu.memref_squeeze %dma_wait3A_375 : memref<1x1x100xi32, #tpu.memory_space<vmem>> -> memref<100xi32, #tpu.memory_space<vmem>>
      %dma_wait3A_377 = arith.constant 0 : i32
      %dma_wait3A_378 = arith.constant 0 : i32
      %dma_wait3A_379 = tpu.memref_slice %arg3[%dma_wait3A_377, %dma_wait3A_378] : memref<100000x64xf32, #tpu.memory_space<hbm>> -> memref<100000x64xf32, #tpu.memory_space<hbm>>
      tpu.wait_indirect_dma semaphore(%arg13 : memref<!tpu.dma_semaphore, #tpu.memory_space<semaphore_mem>>) src(%dma_wait3A_379 : memref<100000x64xf32, #tpu.memory_space<hbm>>) dst(%dma_wait3A_373 : memref<100x64xf32, #tpu.memory_space<vmem>>)
      %sub3A_380 = arith.constant 2 : i32
      %sub3A_381 = arith.subi %add3A_359, %sub3A_380 : i32
      %add3A_382 = arith.addi %mul3A_2, %sub3A_381 : i32
      %dma_wait3A_383 = arith.constant 0 : i32
      %dma_wait3A_384 = arith.constant 0 : i32
      %dma_wait3A_385 = tpu.memref_slice %arg5[%add3A_382, %dma_wait3A_383, %dma_wait3A_384] : memref<1024x104x128xf32, #tpu.memory_space<hbm>> -> memref<1x100x128xf32, #tpu.memory_space<hbm>>
      %dma_wait3A_386 = tpu.memref_squeeze %dma_wait3A_385 : memref<1x100x128xf32, #tpu.memory_space<hbm>> -> memref<100x128xf32, #tpu.memory_space<hbm>>
      %dma_wait3A_387 = arith.constant 0 : i32
      %dma_wait3A_388 = arith.constant 0 : i32
      %dma_wait3A_389 = tpu.memref_slice %arg5[%add3A_382, %dma_wait3A_387, %dma_wait3A_388] : memref<1024x104x128xf32, #tpu.memory_space<hbm>> -> memref<1x100x128xf32, #tpu.memory_space<hbm>>
      %dma_wait3A_390 = tpu.memref_squeeze %dma_wait3A_389 : memref<1x100x128xf32, #tpu.memory_space<hbm>> -> memref<100x128xf32, #tpu.memory_space<hbm>>
      tpu.wait_dma2 semaphore(%arg15 : memref<!tpu.dma_semaphore, #tpu.memory_space<semaphore_mem>>) src(%arg11 : memref<100x128xf32, #tpu.memory_space<vmem>>) dst(%dma_wait3A_390 : memref<100x128xf32, #tpu.memory_space<hbm>>)
      %scan3A_391 = arith.constant 0 : i32
      %scan3A_392 = arith.constant 100 : i32
      %scan3A_393 = arith.addi %scan3A_391, %scan3A_392 : i32
      %scan3A_394 = arith.constant 1 : i32
      scf.for %scan3A_427 = %scan3A_391 to %scan3A_393 step %scan3A_394  : i32 {
        %mul3A_428 = arith.constant 1 : i32
        %mul3A_429 = arith.muli %scan3A_427, %mul3A_428 : i32
        %add3A_430 = arith.constant 0 : i32
        %add3A_431 = arith.addi %add3A_430, %mul3A_429 : i32
        %mul3A_432 = arith.constant 2 : i32
        %mul3A_433 = arith.muli %mul3A_432, %add3A_431 : i32
        %get3A = arith.index_cast %mul3A_433 : i32 to index
        %get3A_434 = arith.constant 0 : index
        %get3A_435 = tpu.vector_load %arg9[%get3A, %get3A_434] {strides = array<i32>} : memref<200x64xf32, #tpu.memory_space<vmem>>, vector<1x16xf32>,
        %get3A_436 = vector.shape_cast %get3A_435 : vector<1x16xf32> to vector<16xf32>
        %get3A_437 = arith.index_cast %mul3A_433 : i32 to index
        %get3A_438 = arith.constant 0 : index
        %get3A_439 = tpu.vector_load %arg7[%get3A_437, %get3A_438] {strides = array<i32>} : memref<200x64xf32, #tpu.memory_space<vmem>>, vector<1x16xf32>,
        %get3A_440 = vector.shape_cast %get3A_439 : vector<1x16xf32> to vector<16xf32>
        %add3A_441 = arith.addf %get3A_436, %get3A_440 : vector<16xf32>
        %swap3A = arith.index_cast %add3A_431 : i32 to index
        %swap3A_442 = arith.constant 0 : index
        %swap3A_443 = tpu.vector_load %arg11[%swap3A, %swap3A_442] {strides = array<i32>} : memref<100x128xf32, #tpu.memory_space<vmem>>, vector<1x16xf32>,
        %swap3A_444 = vector.shape_cast %swap3A_443 : vector<1x16xf32> to vector<16xf32>
        %swap3A_445 = vector.shape_cast %add3A_441 : vector<16xf32> to vector<1x16xf32>
        tpu.vector_store %arg11[%swap3A, %swap3A_442], %swap3A_445 {strides = array<i32>} : memref<100x128xf32, #tpu.memory_space<vmem>>, vector<1x16xf32>,
        %add3A_446 = arith.constant 1 : i32
        %add3A_447 = arith.addi %mul3A_433, %add3A_446 : i32
        %get3A_448 = arith.index_cast %add3A_447 : i32 to index
        %get3A_449 = arith.constant 0 : index
        %get3A_450 = tpu.vector_load %arg9[%get3A_448, %get3A_449] {strides = array<i32>} : memref<200x64xf32, #tpu.memory_space<vmem>>, vector<1x16xf32>,
        %get3A_451 = vector.shape_cast %get3A_450 : vector<1x16xf32> to vector<16xf32>
        %add3A_452 = arith.constant 1 : i32
        %add3A_453 = arith.addi %mul3A_433, %add3A_452 : i32
        %get3A_454 = arith.index_cast %add3A_453 : i32 to index
        %get3A_455 = arith.constant 0 : index
        %get3A_456 = tpu.vector_load %arg7[%get3A_454, %get3A_455] {strides = array<i32>} : memref<200x64xf32, #tpu.memory_space<vmem>>, vector<1x16xf32>,
        %get3A_457 = vector.shape_cast %get3A_456 : vector<1x16xf32> to vector<16xf32>
        %add3A_458 = arith.addf %get3A_451, %get3A_457 : vector<16xf32>
        %swap3A_459 = arith.index_cast %add3A_431 : i32 to index
        %swap3A_460 = arith.constant 64 : index
        %swap3A_461 = tpu.vector_load %arg11[%swap3A_459, %swap3A_460] {strides = array<i32>} : memref<100x128xf32, #tpu.memory_space<vmem>>, vector<1x16xf32>,
        %swap3A_462 = vector.shape_cast %swap3A_461 : vector<1x16xf32> to vector<16xf32>
        %swap3A_463 = vector.shape_cast %add3A_458 : vector<16xf32> to vector<1x16xf32>
        tpu.vector_store %arg11[%swap3A_459, %swap3A_460], %swap3A_463 {strides = array<i32>} : memref<100x128xf32, #tpu.memory_space<vmem>>, vector<1x16xf32>,
        %get3A_464 = arith.index_cast %mul3A_433 : i32 to index
        %get3A_465 = arith.constant 16 : index
        %get3A_466 = tpu.vector_load %arg9[%get3A_464, %get3A_465] {strides = array<i32>} : memref<200x64xf32, #tpu.memory_space<vmem>>, vector<1x16xf32>,
        %get3A_467 = vector.shape_cast %get3A_466 : vector<1x16xf32> to vector<16xf32>
        %get3A_468 = arith.index_cast %mul3A_433 : i32 to index
        %get3A_469 = arith.constant 16 : index
        %get3A_470 = tpu.vector_load %arg7[%get3A_468, %get3A_469] {strides = array<i32>} : memref<200x64xf32, #tpu.memory_space<vmem>>, vector<1x16xf32>,
        %get3A_471 = vector.shape_cast %get3A_470 : vector<1x16xf32> to vector<16xf32>
        %add3A_472 = arith.addf %get3A_467, %get3A_471 : vector<16xf32>
        %swap3A_473 = arith.index_cast %add3A_431 : i32 to index
        %swap3A_474 = arith.constant 16 : index
        %swap3A_475 = tpu.vector_load %arg11[%swap3A_473, %swap3A_474] {strides = array<i32>} : memref<100x128xf32, #tpu.memory_space<vmem>>, vector<1x16xf32>,
        %swap3A_476 = vector.shape_cast %swap3A_475 : vector<1x16xf32> to vector<16xf32>
        %swap3A_477 = vector.shape_cast %add3A_472 : vector<16xf32> to vector<1x16xf32>
        tpu.vector_store %arg11[%swap3A_473, %swap3A_474], %swap3A_477 {strides = array<i32>} : memref<100x128xf32, #tpu.memory_space<vmem>>, vector<1x16xf32>,
        %add3A_478 = arith.constant 1 : i32
        %add3A_479 = arith.addi %mul3A_433, %add3A_478 : i32
        %get3A_480 = arith.index_cast %add3A_479 : i32 to index
        %get3A_481 = arith.constant 16 : index
        %get3A_482 = tpu.vector_load %arg9[%get3A_480, %get3A_481] {strides = array<i32>} : memref<200x64xf32, #tpu.memory_space<vmem>>, vector<1x16xf32>,
        %get3A_483 = vector.shape_cast %get3A_482 : vector<1x16xf32> to vector<16xf32>
        %add3A_484 = arith.constant 1 : i32
        %add3A_485 = arith.addi %mul3A_433, %add3A_484 : i32
        %get3A_486 = arith.index_cast %add3A_485 : i32 to index
        %get3A_487 = arith.constant 16 : index
        %get3A_488 = tpu.vector_load %arg7[%get3A_486, %get3A_487] {strides = array<i32>} : memref<200x64xf32, #tpu.memory_space<vmem>>, vector<1x16xf32>,
        %get3A_489 = vector.shape_cast %get3A_488 : vector<1x16xf32> to vector<16xf32>
        %add3A_490 = arith.addf %get3A_483, %get3A_489 : vector<16xf32>
        %swap3A_491 = arith.index_cast %add3A_431 : i32 to index
        %swap3A_492 = arith.constant 80 : index
        %swap3A_493 = tpu.vector_load %arg11[%swap3A_491, %swap3A_492] {strides = array<i32>} : memref<100x128xf32, #tpu.memory_space<vmem>>, vector<1x16xf32>,
        %swap3A_494 = vector.shape_cast %swap3A_493 : vector<1x16xf32> to vector<16xf32>
        %swap3A_495 = vector.shape_cast %add3A_490 : vector<16xf32> to vector<1x16xf32>
        tpu.vector_store %arg11[%swap3A_491, %swap3A_492], %swap3A_495 {strides = array<i32>} : memref<100x128xf32, #tpu.memory_space<vmem>>, vector<1x16xf32>,
        %get3A_496 = arith.index_cast %mul3A_433 : i32 to index
        %get3A_497 = arith.constant 32 : index
        %get3A_498 = tpu.vector_load %arg9[%get3A_496, %get3A_497] {strides = array<i32>} : memref<200x64xf32, #tpu.memory_space<vmem>>, vector<1x16xf32>,
        %get3A_499 = vector.shape_cast %get3A_498 : vector<1x16xf32> to vector<16xf32>
        %get3A_500 = arith.index_cast %mul3A_433 : i32 to index
        %get3A_501 = arith.constant 32 : index
        %get3A_502 = tpu.vector_load %arg7[%get3A_500, %get3A_501] {strides = array<i32>} : memref<200x64xf32, #tpu.memory_space<vmem>>, vector<1x16xf32>,
        %get3A_503 = vector.shape_cast %get3A_502 : vector<1x16xf32> to vector<16xf32>
        %add3A_504 = arith.addf %get3A_499, %get3A_503 : vector<16xf32>
        %swap3A_505 = arith.index_cast %add3A_431 : i32 to index
        %swap3A_506 = arith.constant 32 : index
        %swap3A_507 = tpu.vector_load %arg11[%swap3A_505, %swap3A_506] {strides = array<i32>} : memref<100x128xf32, #tpu.memory_space<vmem>>, vector<1x16xf32>,
        %swap3A_508 = vector.shape_cast %swap3A_507 : vector<1x16xf32> to vector<16xf32>
        %swap3A_509 = vector.shape_cast %add3A_504 : vector<16xf32> to vector<1x16xf32>
        tpu.vector_store %arg11[%swap3A_505, %swap3A_506], %swap3A_509 {strides = array<i32>} : memref<100x128xf32, #tpu.memory_space<vmem>>, vector<1x16xf32>,
        %add3A_510 = arith.constant 1 : i32
        %add3A_511 = arith.addi %mul3A_433, %add3A_510 : i32
        %get3A_512 = arith.index_cast %add3A_511 : i32 to index
        %get3A_513 = arith.constant 32 : index
        %get3A_514 = tpu.vector_load %arg9[%get3A_512, %get3A_513] {strides = array<i32>} : memref<200x64xf32, #tpu.memory_space<vmem>>, vector<1x16xf32>,
        %get3A_515 = vector.shape_cast %get3A_514 : vector<1x16xf32> to vector<16xf32>
        %add3A_516 = arith.constant 1 : i32
        %add3A_517 = arith.addi %mul3A_433, %add3A_516 : i32
        %get3A_518 = arith.index_cast %add3A_517 : i32 to index
        %get3A_519 = arith.constant 32 : index
        %get3A_520 = tpu.vector_load %arg7[%get3A_518, %get3A_519] {strides = array<i32>} : memref<200x64xf32, #tpu.memory_space<vmem>>, vector<1x16xf32>,
        %get3A_521 = vector.shape_cast %get3A_520 : vector<1x16xf32> to vector<16xf32>
        %add3A_522 = arith.addf %get3A_515, %get3A_521 : vector<16xf32>
        %swap3A_523 = arith.index_cast %add3A_431 : i32 to index
        %swap3A_524 = arith.constant 96 : index
        %swap3A_525 = tpu.vector_load %arg11[%swap3A_523, %swap3A_524] {strides = array<i32>} : memref<100x128xf32, #tpu.memory_space<vmem>>, vector<1x16xf32>,
        %swap3A_526 = vector.shape_cast %swap3A_525 : vector<1x16xf32> to vector<16xf32>
        %swap3A_527 = vector.shape_cast %add3A_522 : vector<16xf32> to vector<1x16xf32>
        tpu.vector_store %arg11[%swap3A_523, %swap3A_524], %swap3A_527 {strides = array<i32>} : memref<100x128xf32, #tpu.memory_space<vmem>>, vector<1x16xf32>,
        %get3A_528 = arith.index_cast %mul3A_433 : i32 to index
        %get3A_529 = arith.constant 48 : index
        %get3A_530 = tpu.vector_load %arg9[%get3A_528, %get3A_529] {strides = array<i32>} : memref<200x64xf32, #tpu.memory_space<vmem>>, vector<1x16xf32>,
        %get3A_531 = vector.shape_cast %get3A_530 : vector<1x16xf32> to vector<16xf32>
        %get3A_532 = arith.index_cast %mul3A_433 : i32 to index
        %get3A_533 = arith.constant 48 : index
        %get3A_534 = tpu.vector_load %arg7[%get3A_532, %get3A_533] {strides = array<i32>} : memref<200x64xf32, #tpu.memory_space<vmem>>, vector<1x16xf32>,
        %get3A_535 = vector.shape_cast %get3A_534 : vector<1x16xf32> to vector<16xf32>
        %add3A_536 = arith.addf %get3A_531, %get3A_535 : vector<16xf32>
        %swap3A_537 = arith.index_cast %add3A_431 : i32 to index
        %swap3A_538 = arith.constant 48 : index
        %swap3A_539 = tpu.vector_load %arg11[%swap3A_537, %swap3A_538] {strides = array<i32>} : memref<100x128xf32, #tpu.memory_space<vmem>>, vector<1x16xf32>,
        %swap3A_540 = vector.shape_cast %swap3A_539 : vector<1x16xf32> to vector<16xf32>
        %swap3A_541 = vector.shape_cast %add3A_536 : vector<16xf32> to vector<1x16xf32>
        tpu.vector_store %arg11[%swap3A_537, %swap3A_538], %swap3A_541 {strides = array<i32>} : memref<100x128xf32, #tpu.memory_space<vmem>>, vector<1x16xf32>,
        %add3A_542 = arith.constant 1 : i32
        %add3A_543 = arith.addi %mul3A_433, %add3A_542 : i32
        %get3A_544 = arith.index_cast %add3A_543 : i32 to index
        %get3A_545 = arith.constant 48 : index
        %get3A_546 = tpu.vector_load %arg9[%get3A_544, %get3A_545] {strides = array<i32>} : memref<200x64xf32, #tpu.memory_space<vmem>>, vector<1x16xf32>,
        %get3A_547 = vector.shape_cast %get3A_546 : vector<1x16xf32> to vector<16xf32>
        %add3A_548 = arith.constant 1 : i32
        %add3A_549 = arith.addi %mul3A_433, %add3A_548 : i32
        %get3A_550 = arith.index_cast %add3A_549 : i32 to index
        %get3A_551 = arith.constant 48 : index
        %get3A_552 = tpu.vector_load %arg7[%get3A_550, %get3A_551] {strides = array<i32>} : memref<200x64xf32, #tpu.memory_space<vmem>>, vector<1x16xf32>,
        %get3A_553 = vector.shape_cast %get3A_552 : vector<1x16xf32> to vector<16xf32>
        %add3A_554 = arith.addf %get3A_547, %get3A_553 : vector<16xf32>
        %swap3A_555 = arith.index_cast %add3A_431 : i32 to index
        %swap3A_556 = arith.constant 112 : index
        %swap3A_557 = tpu.vector_load %arg11[%swap3A_555, %swap3A_556] {strides = array<i32>} : memref<100x128xf32, #tpu.memory_space<vmem>>, vector<1x16xf32>,
        %swap3A_558 = vector.shape_cast %swap3A_557 : vector<1x16xf32> to vector<16xf32>
        %swap3A_559 = vector.shape_cast %add3A_554 : vector<16xf32> to vector<1x16xf32>
        tpu.vector_store %arg11[%swap3A_555, %swap3A_556], %swap3A_559 {strides = array<i32>} : memref<100x128xf32, #tpu.memory_space<vmem>>, vector<1x16xf32>,
      }
      %scan3A_395 = arith.constant 100 : i32
      %add3A_396 = arith.constant 2 : i32
      %add3A_397 = arith.addi %add3A_359, %add3A_396 : i32
      %dma_start3A_398 = arith.constant 0 : i32
      %dma_start3A_399 = arith.constant 0 : i32
      %dma_start3A_400 = arith.constant 0 : i32
      %dma_start3A_401 = tpu.memref_slice %arg9[%dma_start3A_399, %dma_start3A_400] : memref<200x64xf32, #tpu.memory_space<vmem>> -> memref<100x64xf32, #tpu.memory_space<vmem>>
      %dma_start3A_402 = arith.constant 0 : i32
      %dma_start3A_403 = tpu.memref_slice %arg6[%add3A_397, %dma_start3A_398, %dma_start3A_402] : memref<32x2x100xi32, #tpu.memory_space<vmem>> -> memref<1x1x100xi32, #tpu.memory_space<vmem>>
      %dma_start3A_404 = tpu.memref_squeeze %dma_start3A_403 : memref<1x1x100xi32, #tpu.memory_space<vmem>> -> memref<100xi32, #tpu.memory_space<vmem>>
      %dma_start3A_405 = arith.constant 0 : i32
      %dma_start3A_406 = arith.constant 0 : i32
      %dma_start3A_407 = tpu.memref_slice %arg3[%dma_start3A_405, %dma_start3A_406] : memref<100000x64xf32, #tpu.memory_space<hbm>> -> memref<100000x64xf32, #tpu.memory_space<hbm>>
      tpu.enqueue_indirect_dma source(%dma_start3A_407 : memref<100000x64xf32, #tpu.memory_space<hbm>>) target(%dma_start3A_401 : memref<100x64xf32, #tpu.memory_space<vmem>>) offsets(%dma_start3A_404 : memref<100xi32, #tpu.memory_space<vmem>>) semaphore(%arg13 : memref<!tpu.dma_semaphore, #tpu.memory_space<semaphore_mem>>)
      %dma_start3A_408 = arith.constant 1 : i32
      %dma_start3A_409 = arith.constant 100 : i32
      %dma_start3A_410 = arith.constant 0 : i32
      %dma_start3A_411 = tpu.memref_slice %arg9[%dma_start3A_409, %dma_start3A_410] : memref<200x64xf32, #tpu.memory_space<vmem>> -> memref<100x64xf32, #tpu.memory_space<vmem>>
      %dma_start3A_412 = arith.constant 0 : i32
      %dma_start3A_413 = tpu.memref_slice %arg6[%add3A_397, %dma_start3A_408, %dma_start3A_412] : memref<32x2x100xi32, #tpu.memory_space<vmem>> -> memref<1x1x100xi32, #tpu.memory_space<vmem>>
      %dma_start3A_414 = tpu.memref_squeeze %dma_start3A_413 : memref<1x1x100xi32, #tpu.memory_space<vmem>> -> memref<100xi32, #tpu.memory_space<vmem>>
      %dma_start3A_415 = arith.constant 0 : i32
      %dma_start3A_416 = arith.constant 0 : i32
      %dma_start3A_417 = tpu.memref_slice %arg3[%dma_start3A_415, %dma_start3A_416] : memref<100000x64xf32, #tpu.memory_space<hbm>> -> memref<100000x64xf32, #tpu.memory_space<hbm>>
      tpu.enqueue_indirect_dma source(%dma_start3A_417 : memref<100000x64xf32, #tpu.memory_space<hbm>>) target(%dma_start3A_411 : memref<100x64xf32, #tpu.memory_space<vmem>>) offsets(%dma_start3A_414 : memref<100xi32, #tpu.memory_space<vmem>>) semaphore(%arg13 : memref<!tpu.dma_semaphore, #tpu.memory_space<semaphore_mem>>)
      %add3A_418 = arith.addi %mul3A_2, %add3A_359 : i32
      %dma_start3A_419 = arith.constant 0 : i32
      %dma_start3A_420 = arith.constant 0 : i32
      %dma_start3A_421 = tpu.memref_slice %arg5[%add3A_418, %dma_start3A_419, %dma_start3A_420] : memref<1024x104x128xf32, #tpu.memory_space<hbm>> -> memref<1x100x128xf32, #tpu.memory_space<hbm>>
      %dma_start3A_422 = tpu.memref_squeeze %dma_start3A_421 : memref<1x100x128xf32, #tpu.memory_space<hbm>> -> memref<100x128xf32, #tpu.memory_space<hbm>>
      %dma_start3A_423 = arith.constant 0 : i32
      %dma_start3A_424 = arith.constant 0 : i32
      %dma_start3A_425 = tpu.memref_slice %arg5[%add3A_418, %dma_start3A_423, %dma_start3A_424] : memref<1024x104x128xf32, #tpu.memory_space<hbm>> -> memref<1x100x128xf32, #tpu.memory_space<hbm>>
      %dma_start3A_426 = tpu.memref_squeeze %dma_start3A_425 : memref<1x100x128xf32, #tpu.memory_space<hbm>> -> memref<100x128xf32, #tpu.memory_space<hbm>>
      tpu.enqueue_dma source(%arg11 : memref<100x128xf32, #tpu.memory_space<vmem>>) target(%dma_start3A_426 : memref<100x128xf32, #tpu.memory_space<hbm>>) target_semaphore(%arg15 : memref<!tpu.dma_semaphore, #tpu.memory_space<semaphore_mem>>)
    }
    %scan3A_166 = arith.constant 14 : i32
    %dma_wait3A_167 = arith.constant 30 : i32
    %dma_wait3A_168 = arith.constant 0 : i32
    %dma_wait3A_169 = arith.constant 0 : i32
    %dma_wait3A_170 = arith.constant 0 : i32
    %dma_wait3A_171 = tpu.memref_slice %arg8[%dma_wait3A_169, %dma_wait3A_170] : memref<200x64xf32, #tpu.memory_space<vmem>> -> memref<100x64xf32, #tpu.memory_space<vmem>>
    %dma_wait3A_172 = arith.constant 0 : i32
    %dma_wait3A_173 = tpu.memref_slice %arg6[%dma_wait3A_167, %dma_wait3A_168, %dma_wait3A_172] : memref<32x2x100xi32, #tpu.memory_space<vmem>> -> memref<1x1x100xi32, #tpu.memory_space<vmem>>
    %dma_wait3A_174 = tpu.memref_squeeze %dma_wait3A_173 : memref<1x1x100xi32, #tpu.memory_space<vmem>> -> memref<100xi32, #tpu.memory_space<vmem>>
    %dma_wait3A_175 = arith.constant 0 : i32
    %dma_wait3A_176 = arith.constant 0 : i32
    %dma_wait3A_177 = tpu.memref_slice %arg3[%dma_wait3A_175, %dma_wait3A_176] : memref<100000x64xf32, #tpu.memory_space<hbm>> -> memref<100000x64xf32, #tpu.memory_space<hbm>>
    tpu.wait_indirect_dma semaphore(%arg12 : memref<!tpu.dma_semaphore, #tpu.memory_space<semaphore_mem>>) src(%dma_wait3A_177 : memref<100000x64xf32, #tpu.memory_space<hbm>>) dst(%dma_wait3A_171 : memref<100x64xf32, #tpu.memory_space<vmem>>)
    %dma_wait3A_178 = arith.constant 30 : i32
    %dma_wait3A_179 = arith.constant 1 : i32
    %dma_wait3A_180 = arith.constant 100 : i32
    %dma_wait3A_181 = arith.constant 0 : i32
    %dma_wait3A_182 = tpu.memref_slice %arg8[%dma_wait3A_180, %dma_wait3A_181] : memref<200x64xf32, #tpu.memory_space<vmem>> -> memref<100x64xf32, #tpu.memory_space<vmem>>
    %dma_wait3A_183 = arith.constant 0 : i32
    %dma_wait3A_184 = tpu.memref_slice %arg6[%dma_wait3A_178, %dma_wait3A_179, %dma_wait3A_183] : memref<32x2x100xi32, #tpu.memory_space<vmem>> -> memref<1x1x100xi32, #tpu.memory_space<vmem>>
    %dma_wait3A_185 = tpu.memref_squeeze %dma_wait3A_184 : memref<1x1x100xi32, #tpu.memory_space<vmem>> -> memref<100xi32, #tpu.memory_space<vmem>>
    %dma_wait3A_186 = arith.constant 0 : i32
    %dma_wait3A_187 = arith.constant 0 : i32
    %dma_wait3A_188 = tpu.memref_slice %arg3[%dma_wait3A_186, %dma_wait3A_187] : memref<100000x64xf32, #tpu.memory_space<hbm>> -> memref<100000x64xf32, #tpu.memory_space<hbm>>
    tpu.wait_indirect_dma semaphore(%arg12 : memref<!tpu.dma_semaphore, #tpu.memory_space<semaphore_mem>>) src(%dma_wait3A_188 : memref<100000x64xf32, #tpu.memory_space<hbm>>) dst(%dma_wait3A_182 : memref<100x64xf32, #tpu.memory_space<vmem>>)
    %add3A_189 = arith.constant 28 : i32
    %add3A_190 = arith.addi %mul3A_2, %add3A_189 : i32
    %dma_wait3A_191 = arith.constant 0 : i32
    %dma_wait3A_192 = arith.constant 0 : i32
    %dma_wait3A_193 = tpu.memref_slice %arg5[%add3A_190, %dma_wait3A_191, %dma_wait3A_192] : memref<1024x104x128xf32, #tpu.memory_space<hbm>> -> memref<1x100x128xf32, #tpu.memory_space<hbm>>
    %dma_wait3A_194 = tpu.memref_squeeze %dma_wait3A_193 : memref<1x100x128xf32, #tpu.memory_space<hbm>> -> memref<100x128xf32, #tpu.memory_space<hbm>>
    %dma_wait3A_195 = arith.constant 0 : i32
    %dma_wait3A_196 = arith.constant 0 : i32
    %dma_wait3A_197 = tpu.memref_slice %arg5[%add3A_190, %dma_wait3A_195, %dma_wait3A_196] : memref<1024x104x128xf32, #tpu.memory_space<hbm>> -> memref<1x100x128xf32, #tpu.memory_space<hbm>>
    %dma_wait3A_198 = tpu.memref_squeeze %dma_wait3A_197 : memref<1x100x128xf32, #tpu.memory_space<hbm>> -> memref<100x128xf32, #tpu.memory_space<hbm>>
    tpu.wait_dma2 semaphore(%arg14 : memref<!tpu.dma_semaphore, #tpu.memory_space<semaphore_mem>>) src(%arg10 : memref<100x128xf32, #tpu.memory_space<vmem>>) dst(%dma_wait3A_198 : memref<100x128xf32, #tpu.memory_space<hbm>>)
    %scan3A_199 = arith.constant 0 : i32
    %scan3A_200 = arith.constant 100 : i32
    %scan3A_201 = arith.addi %scan3A_199, %scan3A_200 : i32
    %scan3A_202 = arith.constant 1 : i32
    scf.for %scan3A_281 = %scan3A_199 to %scan3A_201 step %scan3A_202  : i32 {
      %mul3A_282 = arith.constant 1 : i32
      %mul3A_283 = arith.muli %scan3A_281, %mul3A_282 : i32
      %add3A_284 = arith.constant 0 : i32
      %add3A_285 = arith.addi %add3A_284, %mul3A_283 : i32
      %mul3A_286 = arith.constant 2 : i32
      %mul3A_287 = arith.muli %mul3A_286, %add3A_285 : i32
      %get3A = arith.index_cast %mul3A_287 : i32 to index
      %get3A_288 = arith.constant 0 : index
      %get3A_289 = tpu.vector_load %arg8[%get3A, %get3A_288] {strides = array<i32>} : memref<200x64xf32, #tpu.memory_space<vmem>>, vector<1x16xf32>,
      %get3A_290 = vector.shape_cast %get3A_289 : vector<1x16xf32> to vector<16xf32>
      %get3A_291 = arith.index_cast %mul3A_287 : i32 to index
      %get3A_292 = arith.constant 0 : index
      %get3A_293 = tpu.vector_load %arg7[%get3A_291, %get3A_292] {strides = array<i32>} : memref<200x64xf32, #tpu.memory_space<vmem>>, vector<1x16xf32>,
      %get3A_294 = vector.shape_cast %get3A_293 : vector<1x16xf32> to vector<16xf32>
      %add3A_295 = arith.addf %get3A_290, %get3A_294 : vector<16xf32>
      %swap3A = arith.index_cast %add3A_285 : i32 to index
      %swap3A_296 = arith.constant 0 : index
      %swap3A_297 = tpu.vector_load %arg10[%swap3A, %swap3A_296] {strides = array<i32>} : memref<100x128xf32, #tpu.memory_space<vmem>>, vector<1x16xf32>,
      %swap3A_298 = vector.shape_cast %swap3A_297 : vector<1x16xf32> to vector<16xf32>
      %swap3A_299 = vector.shape_cast %add3A_295 : vector<16xf32> to vector<1x16xf32>
      tpu.vector_store %arg10[%swap3A, %swap3A_296], %swap3A_299 {strides = array<i32>} : memref<100x128xf32, #tpu.memory_space<vmem>>, vector<1x16xf32>,
      %add3A_300 = arith.constant 1 : i32
      %add3A_301 = arith.addi %mul3A_287, %add3A_300 : i32
      %get3A_302 = arith.index_cast %add3A_301 : i32 to index
      %get3A_303 = arith.constant 0 : index
      %get3A_304 = tpu.vector_load %arg8[%get3A_302, %get3A_303] {strides = array<i32>} : memref<200x64xf32, #tpu.memory_space<vmem>>, vector<1x16xf32>,
      %get3A_305 = vector.shape_cast %get3A_304 : vector<1x16xf32> to vector<16xf32>
      %add3A_306 = arith.constant 1 : i32
      %add3A_307 = arith.addi %mul3A_287, %add3A_306 : i32
      %get3A_308 = arith.index_cast %add3A_307 : i32 to index
      %get3A_309 = arith.constant 0 : index
      %get3A_310 = tpu.vector_load %arg7[%get3A_308, %get3A_309] {strides = array<i32>} : memref<200x64xf32, #tpu.memory_space<vmem>>, vector<1x16xf32>,
      %get3A_311 = vector.shape_cast %get3A_310 : vector<1x16xf32> to vector<16xf32>
      %add3A_312 = arith.addf %get3A_305, %get3A_311 : vector<16xf32>
      %swap3A_313 = arith.index_cast %add3A_285 : i32 to index
      %swap3A_314 = arith.constant 64 : index
      %swap3A_315 = tpu.vector_load %arg10[%swap3A_313, %swap3A_314] {strides = array<i32>} : memref<100x128xf32, #tpu.memory_space<vmem>>, vector<1x16xf32>,
      %swap3A_316 = vector.shape_cast %swap3A_315 : vector<1x16xf32> to vector<16xf32>
      %swap3A_317 = vector.shape_cast %add3A_312 : vector<16xf32> to vector<1x16xf32>
      tpu.vector_store %arg10[%swap3A_313, %swap3A_314], %swap3A_317 {strides = array<i32>} : memref<100x128xf32, #tpu.memory_space<vmem>>, vector<1x16xf32>,
      %get3A_318 = arith.index_cast %mul3A_287 : i32 to index
      %get3A_319 = arith.constant 16 : index
      %get3A_320 = tpu.vector_load %arg8[%get3A_318, %get3A_319] {strides = array<i32>} : memref<200x64xf32, #tpu.memory_space<vmem>>, vector<1x16xf32>,
      %get3A_321 = vector.shape_cast %get3A_320 : vector<1x16xf32> to vector<16xf32>
      %get3A_322 = arith.index_cast %mul3A_287 : i32 to index
      %get3A_323 = arith.constant 16 : index
      %get3A_324 = tpu.vector_load %arg7[%get3A_322, %get3A_323] {strides = array<i32>} : memref<200x64xf32, #tpu.memory_space<vmem>>, vector<1x16xf32>,
      %get3A_325 = vector.shape_cast %get3A_324 : vector<1x16xf32> to vector<16xf32>
      %add3A_326 = arith.addf %get3A_321, %get3A_325 : vector<16xf32>
      %swap3A_327 = arith.index_cast %add3A_285 : i32 to index
      %swap3A_328 = arith.constant 16 : index
      %swap3A_329 = tpu.vector_load %arg10[%swap3A_327, %swap3A_328] {strides = array<i32>} : memref<100x128xf32, #tpu.memory_space<vmem>>, vector<1x16xf32>,
      %swap3A_330 = vector.shape_cast %swap3A_329 : vector<1x16xf32> to vector<16xf32>
      %swap3A_331 = vector.shape_cast %add3A_326 : vector<16xf32> to vector<1x16xf32>
      tpu.vector_store %arg10[%swap3A_327, %swap3A_328], %swap3A_331 {strides = array<i32>} : memref<100x128xf32, #tpu.memory_space<vmem>>, vector<1x16xf32>,
      %add3A_332 = arith.constant 1 : i32
      %add3A_333 = arith.addi %mul3A_287, %add3A_332 : i32
      %get3A_334 = arith.index_cast %add3A_333 : i32 to index
      %get3A_335 = arith.constant 16 : index
      %get3A_336 = tpu.vector_load %arg8[%get3A_334, %get3A_335] {strides = array<i32>} : memref<200x64xf32, #tpu.memory_space<vmem>>, vector<1x16xf32>,
      %get3A_337 = vector.shape_cast %get3A_336 : vector<1x16xf32> to vector<16xf32>
      %add3A_338 = arith.constant 1 : i32
      %add3A_339 = arith.addi %mul3A_287, %add3A_338 : i32
      %get3A_340 = arith.index_cast %add3A_339 : i32 to index
      %get3A_341 = arith.constant 16 : index
      %get3A_342 = tpu.vector_load %arg7[%get3A_340, %get3A_341] {strides = array<i32>} : memref<200x64xf32, #tpu.memory_space<vmem>>, vector<1x16xf32>,
      %get3A_343 = vector.shape_cast %get3A_342 : vector<1x16xf32> to vector<16xf32>
      %add3A_344 = arith.addf %get3A_337, %get3A_343 : vector<16xf32>
      %swap3A_345 = arith.index_cast %add3A_285 : i32 to index
      %swap3A_346 = arith.constant 80 : index
      %swap3A_347 = tpu.vector_load %arg10[%swap3A_345, %swap3A_346] {strides = array<i32>} : memref<100x128xf32, #tpu.memory_space<vmem>>, vector<1x16xf32>,
      %swap3A_348 = vector.shape_cast %swap3A_347 : vector<1x16xf32> to vector<16xf32>
      %swap3A_349 = vector.shape_cast %add3A_344 : vector<16xf32> to vector<1x16xf32>
      tpu.vector_store %arg10[%swap3A_345, %swap3A_346], %swap3A_349 {strides = array<i32>} : memref<100x128xf32, #tpu.memory_space<vmem>>, vector<1x16xf32>,
      %get3A_350 = arith.index_cast %mul3A_287 : i32 to index
      %get3A_351 = arith.constant 32 : index
      %get3A_352 = tpu.vector_load %arg8[%get3A_350, %get3A_351] {strides = array<i32>} : memref<200x64xf32, #tpu.memory_space<vmem>>, vector<1x16xf32>,
      %get3A_353 = vector.shape_cast %get3A_352 : vector<1x16xf32> to vector<16xf32>
      %get3A_354 = arith.index_cast %mul3A_287 : i32 to index
      %get3A_355 = arith.constant 32 : index
      %get3A_356 = tpu.vector_load %arg7[%get3A_354, %get3A_355] {strides = array<i32>} : memref<200x64xf32, #tpu.memory_space<vmem>>, vector<1x16xf32>,
      %get3A_357 = vector.shape_cast %get3A_356 : vector<1x16xf32> to vector<16xf32>
      %add3A_358 = arith.addf %get3A_353, %get3A_357 : vector<16xf32>
      %swap3A_359 = arith.index_cast %add3A_285 : i32 to index
      %swap3A_360 = arith.constant 32 : index
      %swap3A_361 = tpu.vector_load %arg10[%swap3A_359, %swap3A_360] {strides = array<i32>} : memref<100x128xf32, #tpu.memory_space<vmem>>, vector<1x16xf32>,
      %swap3A_362 = vector.shape_cast %swap3A_361 : vector<1x16xf32> to vector<16xf32>
      %swap3A_363 = vector.shape_cast %add3A_358 : vector<16xf32> to vector<1x16xf32>
      tpu.vector_store %arg10[%swap3A_359, %swap3A_360], %swap3A_363 {strides = array<i32>} : memref<100x128xf32, #tpu.memory_space<vmem>>, vector<1x16xf32>,
      %add3A_364 = arith.constant 1 : i32
      %add3A_365 = arith.addi %mul3A_287, %add3A_364 : i32
      %get3A_366 = arith.index_cast %add3A_365 : i32 to index
      %get3A_367 = arith.constant 32 : index
      %get3A_368 = tpu.vector_load %arg8[%get3A_366, %get3A_367] {strides = array<i32>} : memref<200x64xf32, #tpu.memory_space<vmem>>, vector<1x16xf32>,
      %get3A_369 = vector.shape_cast %get3A_368 : vector<1x16xf32> to vector<16xf32>
      %add3A_370 = arith.constant 1 : i32
      %add3A_371 = arith.addi %mul3A_287, %add3A_370 : i32
      %get3A_372 = arith.index_cast %add3A_371 : i32 to index
      %get3A_373 = arith.constant 32 : index
      %get3A_374 = tpu.vector_load %arg7[%get3A_372, %get3A_373] {strides = array<i32>} : memref<200x64xf32, #tpu.memory_space<vmem>>, vector<1x16xf32>,
      %get3A_375 = vector.shape_cast %get3A_374 : vector<1x16xf32> to vector<16xf32>
      %add3A_376 = arith.addf %get3A_369, %get3A_375 : vector<16xf32>
      %swap3A_377 = arith.index_cast %add3A_285 : i32 to index
      %swap3A_378 = arith.constant 96 : index
      %swap3A_379 = tpu.vector_load %arg10[%swap3A_377, %swap3A_378] {strides = array<i32>} : memref<100x128xf32, #tpu.memory_space<vmem>>, vector<1x16xf32>,
      %swap3A_380 = vector.shape_cast %swap3A_379 : vector<1x16xf32> to vector<16xf32>
      %swap3A_381 = vector.shape_cast %add3A_376 : vector<16xf32> to vector<1x16xf32>
      tpu.vector_store %arg10[%swap3A_377, %swap3A_378], %swap3A_381 {strides = array<i32>} : memref<100x128xf32, #tpu.memory_space<vmem>>, vector<1x16xf32>,
      %get3A_382 = arith.index_cast %mul3A_287 : i32 to index
      %get3A_383 = arith.constant 48 : index
      %get3A_384 = tpu.vector_load %arg8[%get3A_382, %get3A_383] {strides = array<i32>} : memref<200x64xf32, #tpu.memory_space<vmem>>, vector<1x16xf32>,
      %get3A_385 = vector.shape_cast %get3A_384 : vector<1x16xf32> to vector<16xf32>
      %get3A_386 = arith.index_cast %mul3A_287 : i32 to index
      %get3A_387 = arith.constant 48 : index
      %get3A_388 = tpu.vector_load %arg7[%get3A_386, %get3A_387] {strides = array<i32>} : memref<200x64xf32, #tpu.memory_space<vmem>>, vector<1x16xf32>,
      %get3A_389 = vector.shape_cast %get3A_388 : vector<1x16xf32> to vector<16xf32>
      %add3A_390 = arith.addf %get3A_385, %get3A_389 : vector<16xf32>
      %swap3A_391 = arith.index_cast %add3A_285 : i32 to index
      %swap3A_392 = arith.constant 48 : index
      %swap3A_393 = tpu.vector_load %arg10[%swap3A_391, %swap3A_392] {strides = array<i32>} : memref<100x128xf32, #tpu.memory_space<vmem>>, vector<1x16xf32>,
      %swap3A_394 = vector.shape_cast %swap3A_393 : vector<1x16xf32> to vector<16xf32>
      %swap3A_395 = vector.shape_cast %add3A_390 : vector<16xf32> to vector<1x16xf32>
      tpu.vector_store %arg10[%swap3A_391, %swap3A_392], %swap3A_395 {strides = array<i32>} : memref<100x128xf32, #tpu.memory_space<vmem>>, vector<1x16xf32>,
      %add3A_396 = arith.constant 1 : i32
      %add3A_397 = arith.addi %mul3A_287, %add3A_396 : i32
      %get3A_398 = arith.index_cast %add3A_397 : i32 to index
      %get3A_399 = arith.constant 48 : index
      %get3A_400 = tpu.vector_load %arg8[%get3A_398, %get3A_399] {strides = array<i32>} : memref<200x64xf32, #tpu.memory_space<vmem>>, vector<1x16xf32>,
      %get3A_401 = vector.shape_cast %get3A_400 : vector<1x16xf32> to vector<16xf32>
      %add3A_402 = arith.constant 1 : i32
      %add3A_403 = arith.addi %mul3A_287, %add3A_402 : i32
      %get3A_404 = arith.index_cast %add3A_403 : i32 to index
      %get3A_405 = arith.constant 48 : index
      %get3A_406 = tpu.vector_load %arg7[%get3A_404, %get3A_405] {strides = array<i32>} : memref<200x64xf32, #tpu.memory_space<vmem>>, vector<1x16xf32>,
      %get3A_407 = vector.shape_cast %get3A_406 : vector<1x16xf32> to vector<16xf32>
      %add3A_408 = arith.addf %get3A_401, %get3A_407 : vector<16xf32>
      %swap3A_409 = arith.index_cast %add3A_285 : i32 to index
      %swap3A_410 = arith.constant 112 : index
      %swap3A_411 = tpu.vector_load %arg10[%swap3A_409, %swap3A_410] {strides = array<i32>} : memref<100x128xf32, #tpu.memory_space<vmem>>, vector<1x16xf32>,
      %swap3A_412 = vector.shape_cast %swap3A_411 : vector<1x16xf32> to vector<16xf32>
      %swap3A_413 = vector.shape_cast %add3A_408 : vector<16xf32> to vector<1x16xf32>
      tpu.vector_store %arg10[%swap3A_409, %swap3A_410], %swap3A_413 {strides = array<i32>} : memref<100x128xf32, #tpu.memory_space<vmem>>, vector<1x16xf32>,
    }
    %scan3A_203 = arith.constant 100 : i32
    %add3A_204 = arith.constant 30 : i32
    %add3A_205 = arith.addi %mul3A_2, %add3A_204 : i32
    %dma_start3A_206 = arith.constant 0 : i32
    %dma_start3A_207 = arith.constant 0 : i32
    %dma_start3A_208 = tpu.memref_slice %arg5[%add3A_205, %dma_start3A_206, %dma_start3A_207] : memref<1024x104x128xf32, #tpu.memory_space<hbm>> -> memref<1x100x128xf32, #tpu.memory_space<hbm>>
    %dma_start3A_209 = tpu.memref_squeeze %dma_start3A_208 : memref<1x100x128xf32, #tpu.memory_space<hbm>> -> memref<100x128xf32, #tpu.memory_space<hbm>>
    %dma_start3A_210 = arith.constant 0 : i32
    %dma_start3A_211 = arith.constant 0 : i32
    %dma_start3A_212 = tpu.memref_slice %arg5[%add3A_205, %dma_start3A_210, %dma_start3A_211] : memref<1024x104x128xf32, #tpu.memory_space<hbm>> -> memref<1x100x128xf32, #tpu.memory_space<hbm>>
    %dma_start3A_213 = tpu.memref_squeeze %dma_start3A_212 : memref<1x100x128xf32, #tpu.memory_space<hbm>> -> memref<100x128xf32, #tpu.memory_space<hbm>>
    tpu.enqueue_dma source(%arg10 : memref<100x128xf32, #tpu.memory_space<vmem>>) target(%dma_start3A_213 : memref<100x128xf32, #tpu.memory_space<hbm>>) target_semaphore(%arg14 : memref<!tpu.dma_semaphore, #tpu.memory_space<semaphore_mem>>)
    %dma_wait3A_214 = arith.constant 31 : i32
    %dma_wait3A_215 = arith.constant 0 : i32
    %dma_wait3A_216 = arith.constant 0 : i32
    %dma_wait3A_217 = arith.constant 0 : i32
    %dma_wait3A_218 = tpu.memref_slice %arg9[%dma_wait3A_216, %dma_wait3A_217] : memref<200x64xf32, #tpu.memory_space<vmem>> -> memref<100x64xf32, #tpu.memory_space<vmem>>
    %dma_wait3A_219 = arith.constant 0 : i32
    %dma_wait3A_220 = tpu.memref_slice %arg6[%dma_wait3A_214, %dma_wait3A_215, %dma_wait3A_219] : memref<32x2x100xi32, #tpu.memory_space<vmem>> -> memref<1x1x100xi32, #tpu.memory_space<vmem>>
    %dma_wait3A_221 = tpu.memref_squeeze %dma_wait3A_220 : memref<1x1x100xi32, #tpu.memory_space<vmem>> -> memref<100xi32, #tpu.memory_space<vmem>>
    %dma_wait3A_222 = arith.constant 0 : i32
    %dma_wait3A_223 = arith.constant 0 : i32
    %dma_wait3A_224 = tpu.memref_slice %arg3[%dma_wait3A_222, %dma_wait3A_223] : memref<100000x64xf32, #tpu.memory_space<hbm>> -> memref<100000x64xf32, #tpu.memory_space<hbm>>
    tpu.wait_indirect_dma semaphore(%arg13 : memref<!tpu.dma_semaphore, #tpu.memory_space<semaphore_mem>>) src(%dma_wait3A_224 : memref<100000x64xf32, #tpu.memory_space<hbm>>) dst(%dma_wait3A_218 : memref<100x64xf32, #tpu.memory_space<vmem>>)
    %dma_wait3A_225 = arith.constant 31 : i32
    %dma_wait3A_226 = arith.constant 1 : i32
    %dma_wait3A_227 = arith.constant 100 : i32
    %dma_wait3A_228 = arith.constant 0 : i32
    %dma_wait3A_229 = tpu.memref_slice %arg9[%dma_wait3A_227, %dma_wait3A_228] : memref<200x64xf32, #tpu.memory_space<vmem>> -> memref<100x64xf32, #tpu.memory_space<vmem>>
    %dma_wait3A_230 = arith.constant 0 : i32
    %dma_wait3A_231 = tpu.memref_slice %arg6[%dma_wait3A_225, %dma_wait3A_226, %dma_wait3A_230] : memref<32x2x100xi32, #tpu.memory_space<vmem>> -> memref<1x1x100xi32, #tpu.memory_space<vmem>>
    %dma_wait3A_232 = tpu.memref_squeeze %dma_wait3A_231 : memref<1x1x100xi32, #tpu.memory_space<vmem>> -> memref<100xi32, #tpu.memory_space<vmem>>
    %dma_wait3A_233 = arith.constant 0 : i32
    %dma_wait3A_234 = arith.constant 0 : i32
    %dma_wait3A_235 = tpu.memref_slice %arg3[%dma_wait3A_233, %dma_wait3A_234] : memref<100000x64xf32, #tpu.memory_space<hbm>> -> memref<100000x64xf32, #tpu.memory_space<hbm>>
    tpu.wait_indirect_dma semaphore(%arg13 : memref<!tpu.dma_semaphore, #tpu.memory_space<semaphore_mem>>) src(%dma_wait3A_235 : memref<100000x64xf32, #tpu.memory_space<hbm>>) dst(%dma_wait3A_229 : memref<100x64xf32, #tpu.memory_space<vmem>>)
    %add3A_236 = arith.constant 29 : i32
    %add3A_237 = arith.addi %mul3A_2, %add3A_236 : i32
    %dma_wait3A_238 = arith.constant 0 : i32
    %dma_wait3A_239 = arith.constant 0 : i32
    %dma_wait3A_240 = tpu.memref_slice %arg5[%add3A_237, %dma_wait3A_238, %dma_wait3A_239] : memref<1024x104x128xf32, #tpu.memory_space<hbm>> -> memref<1x100x128xf32, #tpu.memory_space<hbm>>
    %dma_wait3A_241 = tpu.memref_squeeze %dma_wait3A_240 : memref<1x100x128xf32, #tpu.memory_space<hbm>> -> memref<100x128xf32, #tpu.memory_space<hbm>>
    %dma_wait3A_242 = arith.constant 0 : i32
    %dma_wait3A_243 = arith.constant 0 : i32
    %dma_wait3A_244 = tpu.memref_slice %arg5[%add3A_237, %dma_wait3A_242, %dma_wait3A_243] : memref<1024x104x128xf32, #tpu.memory_space<hbm>> -> memref<1x100x128xf32, #tpu.memory_space<hbm>>
    %dma_wait3A_245 = tpu.memref_squeeze %dma_wait3A_244 : memref<1x100x128xf32, #tpu.memory_space<hbm>> -> memref<100x128xf32, #tpu.memory_space<hbm>>
    tpu.wait_dma2 semaphore(%arg15 : memref<!tpu.dma_semaphore, #tpu.memory_space<semaphore_mem>>) src(%arg11 : memref<100x128xf32, #tpu.memory_space<vmem>>) dst(%dma_wait3A_245 : memref<100x128xf32, #tpu.memory_space<hbm>>)
    %scan3A_246 = arith.constant 0 : i32
    %scan3A_247 = arith.constant 100 : i32
    %scan3A_248 = arith.addi %scan3A_246, %scan3A_247 : i32
    %scan3A_249 = arith.constant 1 : i32
    scf.for %scan3A_281 = %scan3A_246 to %scan3A_248 step %scan3A_249  : i32 {
      %mul3A_282 = arith.constant 1 : i32
      %mul3A_283 = arith.muli %scan3A_281, %mul3A_282 : i32
      %add3A_284 = arith.constant 0 : i32
      %add3A_285 = arith.addi %add3A_284, %mul3A_283 : i32
      %mul3A_286 = arith.constant 2 : i32
      %mul3A_287 = arith.muli %mul3A_286, %add3A_285 : i32
      %get3A = arith.index_cast %mul3A_287 : i32 to index
      %get3A_288 = arith.constant 0 : index
      %get3A_289 = tpu.vector_load %arg9[%get3A, %get3A_288] {strides = array<i32>} : memref<200x64xf32, #tpu.memory_space<vmem>>, vector<1x16xf32>,
      %get3A_290 = vector.shape_cast %get3A_289 : vector<1x16xf32> to vector<16xf32>
      %get3A_291 = arith.index_cast %mul3A_287 : i32 to index
      %get3A_292 = arith.constant 0 : index
      %get3A_293 = tpu.vector_load %arg7[%get3A_291, %get3A_292] {strides = array<i32>} : memref<200x64xf32, #tpu.memory_space<vmem>>, vector<1x16xf32>,
      %get3A_294 = vector.shape_cast %get3A_293 : vector<1x16xf32> to vector<16xf32>
      %add3A_295 = arith.addf %get3A_290, %get3A_294 : vector<16xf32>
      %swap3A = arith.index_cast %add3A_285 : i32 to index
      %swap3A_296 = arith.constant 0 : index
      %swap3A_297 = tpu.vector_load %arg11[%swap3A, %swap3A_296] {strides = array<i32>} : memref<100x128xf32, #tpu.memory_space<vmem>>, vector<1x16xf32>,
      %swap3A_298 = vector.shape_cast %swap3A_297 : vector<1x16xf32> to vector<16xf32>
      %swap3A_299 = vector.shape_cast %add3A_295 : vector<16xf32> to vector<1x16xf32>
      tpu.vector_store %arg11[%swap3A, %swap3A_296], %swap3A_299 {strides = array<i32>} : memref<100x128xf32, #tpu.memory_space<vmem>>, vector<1x16xf32>,
      %add3A_300 = arith.constant 1 : i32
      %add3A_301 = arith.addi %mul3A_287, %add3A_300 : i32
      %get3A_302 = arith.index_cast %add3A_301 : i32 to index
      %get3A_303 = arith.constant 0 : index
      %get3A_304 = tpu.vector_load %arg9[%get3A_302, %get3A_303] {strides = array<i32>} : memref<200x64xf32, #tpu.memory_space<vmem>>, vector<1x16xf32>,
      %get3A_305 = vector.shape_cast %get3A_304 : vector<1x16xf32> to vector<16xf32>
      %add3A_306 = arith.constant 1 : i32
      %add3A_307 = arith.addi %mul3A_287, %add3A_306 : i32
      %get3A_308 = arith.index_cast %add3A_307 : i32 to index
      %get3A_309 = arith.constant 0 : index
      %get3A_310 = tpu.vector_load %arg7[%get3A_308, %get3A_309] {strides = array<i32>} : memref<200x64xf32, #tpu.memory_space<vmem>>, vector<1x16xf32>,
      %get3A_311 = vector.shape_cast %get3A_310 : vector<1x16xf32> to vector<16xf32>
      %add3A_312 = arith.addf %get3A_305, %get3A_311 : vector<16xf32>
      %swap3A_313 = arith.index_cast %add3A_285 : i32 to index
      %swap3A_314 = arith.constant 64 : index
      %swap3A_315 = tpu.vector_load %arg11[%swap3A_313, %swap3A_314] {strides = array<i32>} : memref<100x128xf32, #tpu.memory_space<vmem>>, vector<1x16xf32>,
      %swap3A_316 = vector.shape_cast %swap3A_315 : vector<1x16xf32> to vector<16xf32>
      %swap3A_317 = vector.shape_cast %add3A_312 : vector<16xf32> to vector<1x16xf32>
      tpu.vector_store %arg11[%swap3A_313, %swap3A_314], %swap3A_317 {strides = array<i32>} : memref<100x128xf32, #tpu.memory_space<vmem>>, vector<1x16xf32>,
      %get3A_318 = arith.index_cast %mul3A_287 : i32 to index
      %get3A_319 = arith.constant 16 : index
      %get3A_320 = tpu.vector_load %arg9[%get3A_318, %get3A_319] {strides = array<i32>} : memref<200x64xf32, #tpu.memory_space<vmem>>, vector<1x16xf32>,
      %get3A_321 = vector.shape_cast %get3A_320 : vector<1x16xf32> to vector<16xf32>
      %get3A_322 = arith.index_cast %mul3A_287 : i32 to index
      %get3A_323 = arith.constant 16 : index
      %get3A_324 = tpu.vector_load %arg7[%get3A_322, %get3A_323] {strides = array<i32>} : memref<200x64xf32, #tpu.memory_space<vmem>>, vector<1x16xf32>,
      %get3A_325 = vector.shape_cast %get3A_324 : vector<1x16xf32> to vector<16xf32>
      %add3A_326 = arith.addf %get3A_321, %get3A_325 : vector<16xf32>
      %swap3A_327 = arith.index_cast %add3A_285 : i32 to index
      %swap3A_328 = arith.constant 16 : index
      %swap3A_329 = tpu.vector_load %arg11[%swap3A_327, %swap3A_328] {strides = array<i32>} : memref<100x128xf32, #tpu.memory_space<vmem>>, vector<1x16xf32>,
      %swap3A_330 = vector.shape_cast %swap3A_329 : vector<1x16xf32> to vector<16xf32>
      %swap3A_331 = vector.shape_cast %add3A_326 : vector<16xf32> to vector<1x16xf32>
      tpu.vector_store %arg11[%swap3A_327, %swap3A_328], %swap3A_331 {strides = array<i32>} : memref<100x128xf32, #tpu.memory_space<vmem>>, vector<1x16xf32>,
      %add3A_332 = arith.constant 1 : i32
      %add3A_333 = arith.addi %mul3A_287, %add3A_332 : i32
      %get3A_334 = arith.index_cast %add3A_333 : i32 to index
      %get3A_335 = arith.constant 16 : index
      %get3A_336 = tpu.vector_load %arg9[%get3A_334, %get3A_335] {strides = array<i32>} : memref<200x64xf32, #tpu.memory_space<vmem>>, vector<1x16xf32>,
      %get3A_337 = vector.shape_cast %get3A_336 : vector<1x16xf32> to vector<16xf32>
      %add3A_338 = arith.constant 1 : i32
      %add3A_339 = arith.addi %mul3A_287, %add3A_338 : i32
      %get3A_340 = arith.index_cast %add3A_339 : i32 to index
      %get3A_341 = arith.constant 16 : index
      %get3A_342 = tpu.vector_load %arg7[%get3A_340, %get3A_341] {strides = array<i32>} : memref<200x64xf32, #tpu.memory_space<vmem>>, vector<1x16xf32>,
      %get3A_343 = vector.shape_cast %get3A_342 : vector<1x16xf32> to vector<16xf32>
      %add3A_344 = arith.addf %get3A_337, %get3A_343 : vector<16xf32>
      %swap3A_345 = arith.index_cast %add3A_285 : i32 to index
      %swap3A_346 = arith.constant 80 : index
      %swap3A_347 = tpu.vector_load %arg11[%swap3A_345, %swap3A_346] {strides = array<i32>} : memref<100x128xf32, #tpu.memory_space<vmem>>, vector<1x16xf32>,
      %swap3A_348 = vector.shape_cast %swap3A_347 : vector<1x16xf32> to vector<16xf32>
      %swap3A_349 = vector.shape_cast %add3A_344 : vector<16xf32> to vector<1x16xf32>
      tpu.vector_store %arg11[%swap3A_345, %swap3A_346], %swap3A_349 {strides = array<i32>} : memref<100x128xf32, #tpu.memory_space<vmem>>, vector<1x16xf32>,
      %get3A_350 = arith.index_cast %mul3A_287 : i32 to index
      %get3A_351 = arith.constant 32 : index
      %get3A_352 = tpu.vector_load %arg9[%get3A_350, %get3A_351] {strides = array<i32>} : memref<200x64xf32, #tpu.memory_space<vmem>>, vector<1x16xf32>,
      %get3A_353 = vector.shape_cast %get3A_352 : vector<1x16xf32> to vector<16xf32>
      %get3A_354 = arith.index_cast %mul3A_287 : i32 to index
      %get3A_355 = arith.constant 32 : index
      %get3A_356 = tpu.vector_load %arg7[%get3A_354, %get3A_355] {strides = array<i32>} : memref<200x64xf32, #tpu.memory_space<vmem>>, vector<1x16xf32>,
      %get3A_357 = vector.shape_cast %get3A_356 : vector<1x16xf32> to vector<16xf32>
      %add3A_358 = arith.addf %get3A_353, %get3A_357 : vector<16xf32>
      %swap3A_359 = arith.index_cast %add3A_285 : i32 to index
      %swap3A_360 = arith.constant 32 : index
      %swap3A_361 = tpu.vector_load %arg11[%swap3A_359, %swap3A_360] {strides = array<i32>} : memref<100x128xf32, #tpu.memory_space<vmem>>, vector<1x16xf32>,
      %swap3A_362 = vector.shape_cast %swap3A_361 : vector<1x16xf32> to vector<16xf32>
      %swap3A_363 = vector.shape_cast %add3A_358 : vector<16xf32> to vector<1x16xf32>
      tpu.vector_store %arg11[%swap3A_359, %swap3A_360], %swap3A_363 {strides = array<i32>} : memref<100x128xf32, #tpu.memory_space<vmem>>, vector<1x16xf32>,
      %add3A_364 = arith.constant 1 : i32
      %add3A_365 = arith.addi %mul3A_287, %add3A_364 : i32
      %get3A_366 = arith.index_cast %add3A_365 : i32 to index
      %get3A_367 = arith.constant 32 : index
      %get3A_368 = tpu.vector_load %arg9[%get3A_366, %get3A_367] {strides = array<i32>} : memref<200x64xf32, #tpu.memory_space<vmem>>, vector<1x16xf32>,
      %get3A_369 = vector.shape_cast %get3A_368 : vector<1x16xf32> to vector<16xf32>
      %add3A_370 = arith.constant 1 : i32
      %add3A_371 = arith.addi %mul3A_287, %add3A_370 : i32
      %get3A_372 = arith.index_cast %add3A_371 : i32 to index
      %get3A_373 = arith.constant 32 : index
      %get3A_374 = tpu.vector_load %arg7[%get3A_372, %get3A_373] {strides = array<i32>} : memref<200x64xf32, #tpu.memory_space<vmem>>, vector<1x16xf32>,
      %get3A_375 = vector.shape_cast %get3A_374 : vector<1x16xf32> to vector<16xf32>
      %add3A_376 = arith.addf %get3A_369, %get3A_375 : vector<16xf32>
      %swap3A_377 = arith.index_cast %add3A_285 : i32 to index
      %swap3A_378 = arith.constant 96 : index
      %swap3A_379 = tpu.vector_load %arg11[%swap3A_377, %swap3A_378] {strides = array<i32>} : memref<100x128xf32, #tpu.memory_space<vmem>>, vector<1x16xf32>,
      %swap3A_380 = vector.shape_cast %swap3A_379 : vector<1x16xf32> to vector<16xf32>
      %swap3A_381 = vector.shape_cast %add3A_376 : vector<16xf32> to vector<1x16xf32>
      tpu.vector_store %arg11[%swap3A_377, %swap3A_378], %swap3A_381 {strides = array<i32>} : memref<100x128xf32, #tpu.memory_space<vmem>>, vector<1x16xf32>,
      %get3A_382 = arith.index_cast %mul3A_287 : i32 to index
      %get3A_383 = arith.constant 48 : index
      %get3A_384 = tpu.vector_load %arg9[%get3A_382, %get3A_383] {strides = array<i32>} : memref<200x64xf32, #tpu.memory_space<vmem>>, vector<1x16xf32>,
      %get3A_385 = vector.shape_cast %get3A_384 : vector<1x16xf32> to vector<16xf32>
      %get3A_386 = arith.index_cast %mul3A_287 : i32 to index
      %get3A_387 = arith.constant 48 : index
      %get3A_388 = tpu.vector_load %arg7[%get3A_386, %get3A_387] {strides = array<i32>} : memref<200x64xf32, #tpu.memory_space<vmem>>, vector<1x16xf32>,
      %get3A_389 = vector.shape_cast %get3A_388 : vector<1x16xf32> to vector<16xf32>
      %add3A_390 = arith.addf %get3A_385, %get3A_389 : vector<16xf32>
      %swap3A_391 = arith.index_cast %add3A_285 : i32 to index
      %swap3A_392 = arith.constant 48 : index
      %swap3A_393 = tpu.vector_load %arg11[%swap3A_391, %swap3A_392] {strides = array<i32>} : memref<100x128xf32, #tpu.memory_space<vmem>>, vector<1x16xf32>,
      %swap3A_394 = vector.shape_cast %swap3A_393 : vector<1x16xf32> to vector<16xf32>
      %swap3A_395 = vector.shape_cast %add3A_390 : vector<16xf32> to vector<1x16xf32>
      tpu.vector_store %arg11[%swap3A_391, %swap3A_392], %swap3A_395 {strides = array<i32>} : memref<100x128xf32, #tpu.memory_space<vmem>>, vector<1x16xf32>,
      %add3A_396 = arith.constant 1 : i32
      %add3A_397 = arith.addi %mul3A_287, %add3A_396 : i32
      %get3A_398 = arith.index_cast %add3A_397 : i32 to index
      %get3A_399 = arith.constant 48 : index
      %get3A_400 = tpu.vector_load %arg9[%get3A_398, %get3A_399] {strides = array<i32>} : memref<200x64xf32, #tpu.memory_space<vmem>>, vector<1x16xf32>,
      %get3A_401 = vector.shape_cast %get3A_400 : vector<1x16xf32> to vector<16xf32>
      %add3A_402 = arith.constant 1 : i32
      %add3A_403 = arith.addi %mul3A_287, %add3A_402 : i32
      %get3A_404 = arith.index_cast %add3A_403 : i32 to index
      %get3A_405 = arith.constant 48 : index
      %get3A_406 = tpu.vector_load %arg7[%get3A_404, %get3A_405] {strides = array<i32>} : memref<200x64xf32, #tpu.memory_space<vmem>>, vector<1x16xf32>,
      %get3A_407 = vector.shape_cast %get3A_406 : vector<1x16xf32> to vector<16xf32>
      %add3A_408 = arith.addf %get3A_401, %get3A_407 : vector<16xf32>
      %swap3A_409 = arith.index_cast %add3A_285 : i32 to index
      %swap3A_410 = arith.constant 112 : index
      %swap3A_411 = tpu.vector_load %arg11[%swap3A_409, %swap3A_410] {strides = array<i32>} : memref<100x128xf32, #tpu.memory_space<vmem>>, vector<1x16xf32>,
      %swap3A_412 = vector.shape_cast %swap3A_411 : vector<1x16xf32> to vector<16xf32>
      %swap3A_413 = vector.shape_cast %add3A_408 : vector<16xf32> to vector<1x16xf32>
      tpu.vector_store %arg11[%swap3A_409, %swap3A_410], %swap3A_413 {strides = array<i32>} : memref<100x128xf32, #tpu.memory_space<vmem>>, vector<1x16xf32>,
    }
    %scan3A_250 = arith.constant 100 : i32
    %add3A_251 = arith.constant 31 : i32
    %add3A_252 = arith.addi %mul3A_2, %add3A_251 : i32
    %dma_start3A_253 = arith.constant 0 : i32
    %dma_start3A_254 = arith.constant 0 : i32
    %dma_start3A_255 = tpu.memref_slice %arg5[%add3A_252, %dma_start3A_253, %dma_start3A_254] : memref<1024x104x128xf32, #tpu.memory_space<hbm>> -> memref<1x100x128xf32, #tpu.memory_space<hbm>>
    %dma_start3A_256 = tpu.memref_squeeze %dma_start3A_255 : memref<1x100x128xf32, #tpu.memory_space<hbm>> -> memref<100x128xf32, #tpu.memory_space<hbm>>
    %dma_start3A_257 = arith.constant 0 : i32
    %dma_start3A_258 = arith.constant 0 : i32
    %dma_start3A_259 = tpu.memref_slice %arg5[%add3A_252, %dma_start3A_257, %dma_start3A_258] : memref<1024x104x128xf32, #tpu.memory_space<hbm>> -> memref<1x100x128xf32, #tpu.memory_space<hbm>>
    %dma_start3A_260 = tpu.memref_squeeze %dma_start3A_259 : memref<1x100x128xf32, #tpu.memory_space<hbm>> -> memref<100x128xf32, #tpu.memory_space<hbm>>
    tpu.enqueue_dma source(%arg11 : memref<100x128xf32, #tpu.memory_space<vmem>>) target(%dma_start3A_260 : memref<100x128xf32, #tpu.memory_space<hbm>>) target_semaphore(%arg15 : memref<!tpu.dma_semaphore, #tpu.memory_space<semaphore_mem>>)
    %add3A_261 = arith.constant 30 : i32
    %add3A_262 = arith.addi %mul3A_2, %add3A_261 : i32
    %dma_wait3A_263 = arith.constant 0 : i32
    %dma_wait3A_264 = arith.constant 0 : i32
    %dma_wait3A_265 = tpu.memref_slice %arg5[%add3A_262, %dma_wait3A_263, %dma_wait3A_264] : memref<1024x104x128xf32, #tpu.memory_space<hbm>> -> memref<1x100x128xf32, #tpu.memory_space<hbm>>
    %dma_wait3A_266 = tpu.memref_squeeze %dma_wait3A_265 : memref<1x100x128xf32, #tpu.memory_space<hbm>> -> memref<100x128xf32, #tpu.memory_space<hbm>>
    %dma_wait3A_267 = arith.constant 0 : i32
    %dma_wait3A_268 = arith.constant 0 : i32
    %dma_wait3A_269 = tpu.memref_slice %arg5[%add3A_262, %dma_wait3A_267, %dma_wait3A_268] : memref<1024x104x128xf32, #tpu.memory_space<hbm>> -> memref<1x100x128xf32, #tpu.memory_space<hbm>>
    %dma_wait3A_270 = tpu.memref_squeeze %dma_wait3A_269 : memref<1x100x128xf32, #tpu.memory_space<hbm>> -> memref<100x128xf32, #tpu.memory_space<hbm>>
    tpu.wait_dma2 semaphore(%arg14 : memref<!tpu.dma_semaphore, #tpu.memory_space<semaphore_mem>>) src(%arg10 : memref<100x128xf32, #tpu.memory_space<vmem>>) dst(%dma_wait3A_270 : memref<100x128xf32, #tpu.memory_space<hbm>>)
    %add3A_271 = arith.constant 31 : i32
    %add3A_272 = arith.addi %mul3A_2, %add3A_271 : i32
    %dma_wait3A_273 = arith.constant 0 : i32
    %dma_wait3A_274 = arith.constant 0 : i32
    %dma_wait3A_275 = tpu.memref_slice %arg5[%add3A_272, %dma_wait3A_273, %dma_wait3A_274] : memref<1024x104x128xf32, #tpu.memory_space<hbm>> -> memref<1x100x128xf32, #tpu.memory_space<hbm>>
    %dma_wait3A_276 = tpu.memref_squeeze %dma_wait3A_275 : memref<1x100x128xf32, #tpu.memory_space<hbm>> -> memref<100x128xf32, #tpu.memory_space<hbm>>
    %dma_wait3A_277 = arith.constant 0 : i32
    %dma_wait3A_278 = arith.constant 0 : i32
    %dma_wait3A_279 = tpu.memref_slice %arg5[%add3A_272, %dma_wait3A_277, %dma_wait3A_278] : memref<1024x104x128xf32, #tpu.memory_space<hbm>> -> memref<1x100x128xf32, #tpu.memory_space<hbm>>
    %dma_wait3A_280 = tpu.memref_squeeze %dma_wait3A_279 : memref<1x100x128xf32, #tpu.memory_space<hbm>> -> memref<100x128xf32, #tpu.memory_space<hbm>>
    tpu.wait_dma2 semaphore(%arg15 : memref<!tpu.dma_semaphore, #tpu.memory_space<semaphore_mem>>) src(%arg11 : memref<100x128xf32, #tpu.memory_space<vmem>>) dst(%dma_wait3A_280 : memref<100x128xf32, #tpu.memory_space<hbm>>)
    return
  }
}

module attributes {stable_mosaic.version = 14 : i64} {
  func.func @_xpose_body(%arg0: i32, %arg1: memref<128x104x128xf32, #tpu.memory_space<vmem>>, %arg2: memref<13312x128xf32, #tpu.memory_space<vmem>>) attributes {dimension_semantics = [#tpu.dimension_semantics<arbitrary>], iteration_bounds = array<i64: 8>, scalar_prefetch = 0 : i64, scratch_operands = 0 : i64, tpu.core_type = #tpu.core_type<tc>, window_params = [{transform_indices = @transform_0, window_bounds = array<i64: 128, 104, 128>}, {transform_indices = @transform_1, window_bounds = array<i64: 13312, 128>}]} {
    %get3A = arith.constant 0 : index
    %get3A_0 = arith.constant 0 : index
    %get3A_1 = arith.constant 0 : index
    %get3A_2 = vector.load %arg1[%get3A, %get3A_0, %get3A_1] : memref<128x104x128xf32, #tpu.memory_space<vmem>>, vector<128x1x128xf32>
    %get3A_3 = vector.shape_cast %get3A_2 : vector<128x1x128xf32> to vector<128x128xf32>
    %transpose3A = tpu.transpose %get3A_3, [1, 0] : vector<128x128xf32> -> vector<128x128xf32>
    %swap3A = arith.constant 0 : index
    %swap3A_4 = arith.constant 0 : index
    %swap3A_5 = vector.load %arg2[%swap3A, %swap3A_4] : memref<13312x128xf32, #tpu.memory_space<vmem>>, vector<128x128xf32>
    tpu.vector_store %arg2[%swap3A, %swap3A_4], %transpose3A {strides = array<i32>} : memref<13312x128xf32, #tpu.memory_space<vmem>>, vector<128x128xf32>,
    %get3A_6 = arith.constant 0 : index
    %get3A_7 = arith.constant 1 : index
    %get3A_8 = arith.constant 0 : index
    %get3A_9 = vector.load %arg1[%get3A_6, %get3A_7, %get3A_8] : memref<128x104x128xf32, #tpu.memory_space<vmem>>, vector<128x1x128xf32>
    %get3A_10 = vector.shape_cast %get3A_9 : vector<128x1x128xf32> to vector<128x128xf32>
    %transpose3A_11 = tpu.transpose %get3A_10, [1, 0] : vector<128x128xf32> -> vector<128x128xf32>
    %swap3A_12 = arith.constant 128 : index
    %swap3A_13 = arith.constant 0 : index
    %swap3A_14 = vector.load %arg2[%swap3A_12, %swap3A_13] : memref<13312x128xf32, #tpu.memory_space<vmem>>, vector<128x128xf32>
    tpu.vector_store %arg2[%swap3A_12, %swap3A_13], %transpose3A_11 {strides = array<i32>} : memref<13312x128xf32, #tpu.memory_space<vmem>>, vector<128x128xf32>,
    %get3A_15 = arith.constant 0 : index
    %get3A_16 = arith.constant 2 : index
    %get3A_17 = arith.constant 0 : index
    %get3A_18 = vector.load %arg1[%get3A_15, %get3A_16, %get3A_17] : memref<128x104x128xf32, #tpu.memory_space<vmem>>, vector<128x1x128xf32>
    %get3A_19 = vector.shape_cast %get3A_18 : vector<128x1x128xf32> to vector<128x128xf32>
    %transpose3A_20 = tpu.transpose %get3A_19, [1, 0] : vector<128x128xf32> -> vector<128x128xf32>
    %swap3A_21 = arith.constant 256 : index
    %swap3A_22 = arith.constant 0 : index
    %swap3A_23 = vector.load %arg2[%swap3A_21, %swap3A_22] : memref<13312x128xf32, #tpu.memory_space<vmem>>, vector<128x128xf32>
    tpu.vector_store %arg2[%swap3A_21, %swap3A_22], %transpose3A_20 {strides = array<i32>} : memref<13312x128xf32, #tpu.memory_space<vmem>>, vector<128x128xf32>,
    %get3A_24 = arith.constant 0 : index
    %get3A_25 = arith.constant 3 : index
    %get3A_26 = arith.constant 0 : index
    %get3A_27 = vector.load %arg1[%get3A_24, %get3A_25, %get3A_26] : memref<128x104x128xf32, #tpu.memory_space<vmem>>, vector<128x1x128xf32>
    %get3A_28 = vector.shape_cast %get3A_27 : vector<128x1x128xf32> to vector<128x128xf32>
    %transpose3A_29 = tpu.transpose %get3A_28, [1, 0] : vector<128x128xf32> -> vector<128x128xf32>
    %swap3A_30 = arith.constant 384 : index
    %swap3A_31 = arith.constant 0 : index
    %swap3A_32 = vector.load %arg2[%swap3A_30, %swap3A_31] : memref<13312x128xf32, #tpu.memory_space<vmem>>, vector<128x128xf32>
    tpu.vector_store %arg2[%swap3A_30, %swap3A_31], %transpose3A_29 {strides = array<i32>} : memref<13312x128xf32, #tpu.memory_space<vmem>>, vector<128x128xf32>,
    %get3A_33 = arith.constant 0 : index
    %get3A_34 = arith.constant 4 : index
    %get3A_35 = arith.constant 0 : index
    %get3A_36 = vector.load %arg1[%get3A_33, %get3A_34, %get3A_35] : memref<128x104x128xf32, #tpu.memory_space<vmem>>, vector<128x1x128xf32>
    %get3A_37 = vector.shape_cast %get3A_36 : vector<128x1x128xf32> to vector<128x128xf32>
    %transpose3A_38 = tpu.transpose %get3A_37, [1, 0] : vector<128x128xf32> -> vector<128x128xf32>
    %swap3A_39 = arith.constant 512 : index
    %swap3A_40 = arith.constant 0 : index
    %swap3A_41 = vector.load %arg2[%swap3A_39, %swap3A_40] : memref<13312x128xf32, #tpu.memory_space<vmem>>, vector<128x128xf32>
    tpu.vector_store %arg2[%swap3A_39, %swap3A_40], %transpose3A_38 {strides = array<i32>} : memref<13312x128xf32, #tpu.memory_space<vmem>>, vector<128x128xf32>,
    %get3A_42 = arith.constant 0 : index
    %get3A_43 = arith.constant 5 : index
    %get3A_44 = arith.constant 0 : index
    %get3A_45 = vector.load %arg1[%get3A_42, %get3A_43, %get3A_44] : memref<128x104x128xf32, #tpu.memory_space<vmem>>, vector<128x1x128xf32>
    %get3A_46 = vector.shape_cast %get3A_45 : vector<128x1x128xf32> to vector<128x128xf32>
    %transpose3A_47 = tpu.transpose %get3A_46, [1, 0] : vector<128x128xf32> -> vector<128x128xf32>
    %swap3A_48 = arith.constant 640 : index
    %swap3A_49 = arith.constant 0 : index
    %swap3A_50 = vector.load %arg2[%swap3A_48, %swap3A_49] : memref<13312x128xf32, #tpu.memory_space<vmem>>, vector<128x128xf32>
    tpu.vector_store %arg2[%swap3A_48, %swap3A_49], %transpose3A_47 {strides = array<i32>} : memref<13312x128xf32, #tpu.memory_space<vmem>>, vector<128x128xf32>,
    %get3A_51 = arith.constant 0 : index
    %get3A_52 = arith.constant 6 : index
    %get3A_53 = arith.constant 0 : index
    %get3A_54 = vector.load %arg1[%get3A_51, %get3A_52, %get3A_53] : memref<128x104x128xf32, #tpu.memory_space<vmem>>, vector<128x1x128xf32>
    %get3A_55 = vector.shape_cast %get3A_54 : vector<128x1x128xf32> to vector<128x128xf32>
    %transpose3A_56 = tpu.transpose %get3A_55, [1, 0] : vector<128x128xf32> -> vector<128x128xf32>
    %swap3A_57 = arith.constant 768 : index
    %swap3A_58 = arith.constant 0 : index
    %swap3A_59 = vector.load %arg2[%swap3A_57, %swap3A_58] : memref<13312x128xf32, #tpu.memory_space<vmem>>, vector<128x128xf32>
    tpu.vector_store %arg2[%swap3A_57, %swap3A_58], %transpose3A_56 {strides = array<i32>} : memref<13312x128xf32, #tpu.memory_space<vmem>>, vector<128x128xf32>,
    %get3A_60 = arith.constant 0 : index
    %get3A_61 = arith.constant 7 : index
    %get3A_62 = arith.constant 0 : index
    %get3A_63 = vector.load %arg1[%get3A_60, %get3A_61, %get3A_62] : memref<128x104x128xf32, #tpu.memory_space<vmem>>, vector<128x1x128xf32>
    %get3A_64 = vector.shape_cast %get3A_63 : vector<128x1x128xf32> to vector<128x128xf32>
    %transpose3A_65 = tpu.transpose %get3A_64, [1, 0] : vector<128x128xf32> -> vector<128x128xf32>
    %swap3A_66 = arith.constant 896 : index
    %swap3A_67 = arith.constant 0 : index
    %swap3A_68 = vector.load %arg2[%swap3A_66, %swap3A_67] : memref<13312x128xf32, #tpu.memory_space<vmem>>, vector<128x128xf32>
    tpu.vector_store %arg2[%swap3A_66, %swap3A_67], %transpose3A_65 {strides = array<i32>} : memref<13312x128xf32, #tpu.memory_space<vmem>>, vector<128x128xf32>,
    %get3A_69 = arith.constant 0 : index
    %get3A_70 = arith.constant 8 : index
    %get3A_71 = arith.constant 0 : index
    %get3A_72 = vector.load %arg1[%get3A_69, %get3A_70, %get3A_71] : memref<128x104x128xf32, #tpu.memory_space<vmem>>, vector<128x1x128xf32>
    %get3A_73 = vector.shape_cast %get3A_72 : vector<128x1x128xf32> to vector<128x128xf32>
    %transpose3A_74 = tpu.transpose %get3A_73, [1, 0] : vector<128x128xf32> -> vector<128x128xf32>
    %swap3A_75 = arith.constant 1024 : index
    %swap3A_76 = arith.constant 0 : index
    %swap3A_77 = vector.load %arg2[%swap3A_75, %swap3A_76] : memref<13312x128xf32, #tpu.memory_space<vmem>>, vector<128x128xf32>
    tpu.vector_store %arg2[%swap3A_75, %swap3A_76], %transpose3A_74 {strides = array<i32>} : memref<13312x128xf32, #tpu.memory_space<vmem>>, vector<128x128xf32>,
    %get3A_78 = arith.constant 0 : index
    %get3A_79 = arith.constant 9 : index
    %get3A_80 = arith.constant 0 : index
    %get3A_81 = vector.load %arg1[%get3A_78, %get3A_79, %get3A_80] : memref<128x104x128xf32, #tpu.memory_space<vmem>>, vector<128x1x128xf32>
    %get3A_82 = vector.shape_cast %get3A_81 : vector<128x1x128xf32> to vector<128x128xf32>
    %transpose3A_83 = tpu.transpose %get3A_82, [1, 0] : vector<128x128xf32> -> vector<128x128xf32>
    %swap3A_84 = arith.constant 1152 : index
    %swap3A_85 = arith.constant 0 : index
    %swap3A_86 = vector.load %arg2[%swap3A_84, %swap3A_85] : memref<13312x128xf32, #tpu.memory_space<vmem>>, vector<128x128xf32>
    tpu.vector_store %arg2[%swap3A_84, %swap3A_85], %transpose3A_83 {strides = array<i32>} : memref<13312x128xf32, #tpu.memory_space<vmem>>, vector<128x128xf32>,
    %get3A_87 = arith.constant 0 : index
    %get3A_88 = arith.constant 10 : index
    %get3A_89 = arith.constant 0 : index
    %get3A_90 = vector.load %arg1[%get3A_87, %get3A_88, %get3A_89] : memref<128x104x128xf32, #tpu.memory_space<vmem>>, vector<128x1x128xf32>
    %get3A_91 = vector.shape_cast %get3A_90 : vector<128x1x128xf32> to vector<128x128xf32>
    %transpose3A_92 = tpu.transpose %get3A_91, [1, 0] : vector<128x128xf32> -> vector<128x128xf32>
    %swap3A_93 = arith.constant 1280 : index
    %swap3A_94 = arith.constant 0 : index
    %swap3A_95 = vector.load %arg2[%swap3A_93, %swap3A_94] : memref<13312x128xf32, #tpu.memory_space<vmem>>, vector<128x128xf32>
    tpu.vector_store %arg2[%swap3A_93, %swap3A_94], %transpose3A_92 {strides = array<i32>} : memref<13312x128xf32, #tpu.memory_space<vmem>>, vector<128x128xf32>,
    %get3A_96 = arith.constant 0 : index
    %get3A_97 = arith.constant 11 : index
    %get3A_98 = arith.constant 0 : index
    %get3A_99 = vector.load %arg1[%get3A_96, %get3A_97, %get3A_98] : memref<128x104x128xf32, #tpu.memory_space<vmem>>, vector<128x1x128xf32>
    %get3A_100 = vector.shape_cast %get3A_99 : vector<128x1x128xf32> to vector<128x128xf32>
    %transpose3A_101 = tpu.transpose %get3A_100, [1, 0] : vector<128x128xf32> -> vector<128x128xf32>
    %swap3A_102 = arith.constant 1408 : index
    %swap3A_103 = arith.constant 0 : index
    %swap3A_104 = vector.load %arg2[%swap3A_102, %swap3A_103] : memref<13312x128xf32, #tpu.memory_space<vmem>>, vector<128x128xf32>
    tpu.vector_store %arg2[%swap3A_102, %swap3A_103], %transpose3A_101 {strides = array<i32>} : memref<13312x128xf32, #tpu.memory_space<vmem>>, vector<128x128xf32>,
    %get3A_105 = arith.constant 0 : index
    %get3A_106 = arith.constant 12 : index
    %get3A_107 = arith.constant 0 : index
    %get3A_108 = vector.load %arg1[%get3A_105, %get3A_106, %get3A_107] : memref<128x104x128xf32, #tpu.memory_space<vmem>>, vector<128x1x128xf32>
    %get3A_109 = vector.shape_cast %get3A_108 : vector<128x1x128xf32> to vector<128x128xf32>
    %transpose3A_110 = tpu.transpose %get3A_109, [1, 0] : vector<128x128xf32> -> vector<128x128xf32>
    %swap3A_111 = arith.constant 1536 : index
    %swap3A_112 = arith.constant 0 : index
    %swap3A_113 = vector.load %arg2[%swap3A_111, %swap3A_112] : memref<13312x128xf32, #tpu.memory_space<vmem>>, vector<128x128xf32>
    tpu.vector_store %arg2[%swap3A_111, %swap3A_112], %transpose3A_110 {strides = array<i32>} : memref<13312x128xf32, #tpu.memory_space<vmem>>, vector<128x128xf32>,
    %get3A_114 = arith.constant 0 : index
    %get3A_115 = arith.constant 13 : index
    %get3A_116 = arith.constant 0 : index
    %get3A_117 = vector.load %arg1[%get3A_114, %get3A_115, %get3A_116] : memref<128x104x128xf32, #tpu.memory_space<vmem>>, vector<128x1x128xf32>
    %get3A_118 = vector.shape_cast %get3A_117 : vector<128x1x128xf32> to vector<128x128xf32>
    %transpose3A_119 = tpu.transpose %get3A_118, [1, 0] : vector<128x128xf32> -> vector<128x128xf32>
    %swap3A_120 = arith.constant 1664 : index
    %swap3A_121 = arith.constant 0 : index
    %swap3A_122 = vector.load %arg2[%swap3A_120, %swap3A_121] : memref<13312x128xf32, #tpu.memory_space<vmem>>, vector<128x128xf32>
    tpu.vector_store %arg2[%swap3A_120, %swap3A_121], %transpose3A_119 {strides = array<i32>} : memref<13312x128xf32, #tpu.memory_space<vmem>>, vector<128x128xf32>,
    %get3A_123 = arith.constant 0 : index
    %get3A_124 = arith.constant 14 : index
    %get3A_125 = arith.constant 0 : index
    %get3A_126 = vector.load %arg1[%get3A_123, %get3A_124, %get3A_125] : memref<128x104x128xf32, #tpu.memory_space<vmem>>, vector<128x1x128xf32>
    %get3A_127 = vector.shape_cast %get3A_126 : vector<128x1x128xf32> to vector<128x128xf32>
    %transpose3A_128 = tpu.transpose %get3A_127, [1, 0] : vector<128x128xf32> -> vector<128x128xf32>
    %swap3A_129 = arith.constant 1792 : index
    %swap3A_130 = arith.constant 0 : index
    %swap3A_131 = vector.load %arg2[%swap3A_129, %swap3A_130] : memref<13312x128xf32, #tpu.memory_space<vmem>>, vector<128x128xf32>
    tpu.vector_store %arg2[%swap3A_129, %swap3A_130], %transpose3A_128 {strides = array<i32>} : memref<13312x128xf32, #tpu.memory_space<vmem>>, vector<128x128xf32>,
    %get3A_132 = arith.constant 0 : index
    %get3A_133 = arith.constant 15 : index
    %get3A_134 = arith.constant 0 : index
    %get3A_135 = vector.load %arg1[%get3A_132, %get3A_133, %get3A_134] : memref<128x104x128xf32, #tpu.memory_space<vmem>>, vector<128x1x128xf32>
    %get3A_136 = vector.shape_cast %get3A_135 : vector<128x1x128xf32> to vector<128x128xf32>
    %transpose3A_137 = tpu.transpose %get3A_136, [1, 0] : vector<128x128xf32> -> vector<128x128xf32>
    %swap3A_138 = arith.constant 1920 : index
    %swap3A_139 = arith.constant 0 : index
    %swap3A_140 = vector.load %arg2[%swap3A_138, %swap3A_139] : memref<13312x128xf32, #tpu.memory_space<vmem>>, vector<128x128xf32>
    tpu.vector_store %arg2[%swap3A_138, %swap3A_139], %transpose3A_137 {strides = array<i32>} : memref<13312x128xf32, #tpu.memory_space<vmem>>, vector<128x128xf32>,
    %get3A_141 = arith.constant 0 : index
    %get3A_142 = arith.constant 16 : index
    %get3A_143 = arith.constant 0 : index
    %get3A_144 = vector.load %arg1[%get3A_141, %get3A_142, %get3A_143] : memref<128x104x128xf32, #tpu.memory_space<vmem>>, vector<128x1x128xf32>
    %get3A_145 = vector.shape_cast %get3A_144 : vector<128x1x128xf32> to vector<128x128xf32>
    %transpose3A_146 = tpu.transpose %get3A_145, [1, 0] : vector<128x128xf32> -> vector<128x128xf32>
    %swap3A_147 = arith.constant 2048 : index
    %swap3A_148 = arith.constant 0 : index
    %swap3A_149 = vector.load %arg2[%swap3A_147, %swap3A_148] : memref<13312x128xf32, #tpu.memory_space<vmem>>, vector<128x128xf32>
    tpu.vector_store %arg2[%swap3A_147, %swap3A_148], %transpose3A_146 {strides = array<i32>} : memref<13312x128xf32, #tpu.memory_space<vmem>>, vector<128x128xf32>,
    %get3A_150 = arith.constant 0 : index
    %get3A_151 = arith.constant 17 : index
    %get3A_152 = arith.constant 0 : index
    %get3A_153 = vector.load %arg1[%get3A_150, %get3A_151, %get3A_152] : memref<128x104x128xf32, #tpu.memory_space<vmem>>, vector<128x1x128xf32>
    %get3A_154 = vector.shape_cast %get3A_153 : vector<128x1x128xf32> to vector<128x128xf32>
    %transpose3A_155 = tpu.transpose %get3A_154, [1, 0] : vector<128x128xf32> -> vector<128x128xf32>
    %swap3A_156 = arith.constant 2176 : index
    %swap3A_157 = arith.constant 0 : index
    %swap3A_158 = vector.load %arg2[%swap3A_156, %swap3A_157] : memref<13312x128xf32, #tpu.memory_space<vmem>>, vector<128x128xf32>
    tpu.vector_store %arg2[%swap3A_156, %swap3A_157], %transpose3A_155 {strides = array<i32>} : memref<13312x128xf32, #tpu.memory_space<vmem>>, vector<128x128xf32>,
    %get3A_159 = arith.constant 0 : index
    %get3A_160 = arith.constant 18 : index
    %get3A_161 = arith.constant 0 : index
    %get3A_162 = vector.load %arg1[%get3A_159, %get3A_160, %get3A_161] : memref<128x104x128xf32, #tpu.memory_space<vmem>>, vector<128x1x128xf32>
    %get3A_163 = vector.shape_cast %get3A_162 : vector<128x1x128xf32> to vector<128x128xf32>
    %transpose3A_164 = tpu.transpose %get3A_163, [1, 0] : vector<128x128xf32> -> vector<128x128xf32>
    %swap3A_165 = arith.constant 2304 : index
    %swap3A_166 = arith.constant 0 : index
    %swap3A_167 = vector.load %arg2[%swap3A_165, %swap3A_166] : memref<13312x128xf32, #tpu.memory_space<vmem>>, vector<128x128xf32>
    tpu.vector_store %arg2[%swap3A_165, %swap3A_166], %transpose3A_164 {strides = array<i32>} : memref<13312x128xf32, #tpu.memory_space<vmem>>, vector<128x128xf32>,
    %get3A_168 = arith.constant 0 : index
    %get3A_169 = arith.constant 19 : index
    %get3A_170 = arith.constant 0 : index
    %get3A_171 = vector.load %arg1[%get3A_168, %get3A_169, %get3A_170] : memref<128x104x128xf32, #tpu.memory_space<vmem>>, vector<128x1x128xf32>
    %get3A_172 = vector.shape_cast %get3A_171 : vector<128x1x128xf32> to vector<128x128xf32>
    %transpose3A_173 = tpu.transpose %get3A_172, [1, 0] : vector<128x128xf32> -> vector<128x128xf32>
    %swap3A_174 = arith.constant 2432 : index
    %swap3A_175 = arith.constant 0 : index
    %swap3A_176 = vector.load %arg2[%swap3A_174, %swap3A_175] : memref<13312x128xf32, #tpu.memory_space<vmem>>, vector<128x128xf32>
    tpu.vector_store %arg2[%swap3A_174, %swap3A_175], %transpose3A_173 {strides = array<i32>} : memref<13312x128xf32, #tpu.memory_space<vmem>>, vector<128x128xf32>,
    %get3A_177 = arith.constant 0 : index
    %get3A_178 = arith.constant 20 : index
    %get3A_179 = arith.constant 0 : index
    %get3A_180 = vector.load %arg1[%get3A_177, %get3A_178, %get3A_179] : memref<128x104x128xf32, #tpu.memory_space<vmem>>, vector<128x1x128xf32>
    %get3A_181 = vector.shape_cast %get3A_180 : vector<128x1x128xf32> to vector<128x128xf32>
    %transpose3A_182 = tpu.transpose %get3A_181, [1, 0] : vector<128x128xf32> -> vector<128x128xf32>
    %swap3A_183 = arith.constant 2560 : index
    %swap3A_184 = arith.constant 0 : index
    %swap3A_185 = vector.load %arg2[%swap3A_183, %swap3A_184] : memref<13312x128xf32, #tpu.memory_space<vmem>>, vector<128x128xf32>
    tpu.vector_store %arg2[%swap3A_183, %swap3A_184], %transpose3A_182 {strides = array<i32>} : memref<13312x128xf32, #tpu.memory_space<vmem>>, vector<128x128xf32>,
    %get3A_186 = arith.constant 0 : index
    %get3A_187 = arith.constant 21 : index
    %get3A_188 = arith.constant 0 : index
    %get3A_189 = vector.load %arg1[%get3A_186, %get3A_187, %get3A_188] : memref<128x104x128xf32, #tpu.memory_space<vmem>>, vector<128x1x128xf32>
    %get3A_190 = vector.shape_cast %get3A_189 : vector<128x1x128xf32> to vector<128x128xf32>
    %transpose3A_191 = tpu.transpose %get3A_190, [1, 0] : vector<128x128xf32> -> vector<128x128xf32>
    %swap3A_192 = arith.constant 2688 : index
    %swap3A_193 = arith.constant 0 : index
    %swap3A_194 = vector.load %arg2[%swap3A_192, %swap3A_193] : memref<13312x128xf32, #tpu.memory_space<vmem>>, vector<128x128xf32>
    tpu.vector_store %arg2[%swap3A_192, %swap3A_193], %transpose3A_191 {strides = array<i32>} : memref<13312x128xf32, #tpu.memory_space<vmem>>, vector<128x128xf32>,
    %get3A_195 = arith.constant 0 : index
    %get3A_196 = arith.constant 22 : index
    %get3A_197 = arith.constant 0 : index
    %get3A_198 = vector.load %arg1[%get3A_195, %get3A_196, %get3A_197] : memref<128x104x128xf32, #tpu.memory_space<vmem>>, vector<128x1x128xf32>
    %get3A_199 = vector.shape_cast %get3A_198 : vector<128x1x128xf32> to vector<128x128xf32>
    %transpose3A_200 = tpu.transpose %get3A_199, [1, 0] : vector<128x128xf32> -> vector<128x128xf32>
    %swap3A_201 = arith.constant 2816 : index
    %swap3A_202 = arith.constant 0 : index
    %swap3A_203 = vector.load %arg2[%swap3A_201, %swap3A_202] : memref<13312x128xf32, #tpu.memory_space<vmem>>, vector<128x128xf32>
    tpu.vector_store %arg2[%swap3A_201, %swap3A_202], %transpose3A_200 {strides = array<i32>} : memref<13312x128xf32, #tpu.memory_space<vmem>>, vector<128x128xf32>,
    %get3A_204 = arith.constant 0 : index
    %get3A_205 = arith.constant 23 : index
    %get3A_206 = arith.constant 0 : index
    %get3A_207 = vector.load %arg1[%get3A_204, %get3A_205, %get3A_206] : memref<128x104x128xf32, #tpu.memory_space<vmem>>, vector<128x1x128xf32>
    %get3A_208 = vector.shape_cast %get3A_207 : vector<128x1x128xf32> to vector<128x128xf32>
    %transpose3A_209 = tpu.transpose %get3A_208, [1, 0] : vector<128x128xf32> -> vector<128x128xf32>
    %swap3A_210 = arith.constant 2944 : index
    %swap3A_211 = arith.constant 0 : index
    %swap3A_212 = vector.load %arg2[%swap3A_210, %swap3A_211] : memref<13312x128xf32, #tpu.memory_space<vmem>>, vector<128x128xf32>
    tpu.vector_store %arg2[%swap3A_210, %swap3A_211], %transpose3A_209 {strides = array<i32>} : memref<13312x128xf32, #tpu.memory_space<vmem>>, vector<128x128xf32>,
    %get3A_213 = arith.constant 0 : index
    %get3A_214 = arith.constant 24 : index
    %get3A_215 = arith.constant 0 : index
    %get3A_216 = vector.load %arg1[%get3A_213, %get3A_214, %get3A_215] : memref<128x104x128xf32, #tpu.memory_space<vmem>>, vector<128x1x128xf32>
    %get3A_217 = vector.shape_cast %get3A_216 : vector<128x1x128xf32> to vector<128x128xf32>
    %transpose3A_218 = tpu.transpose %get3A_217, [1, 0] : vector<128x128xf32> -> vector<128x128xf32>
    %swap3A_219 = arith.constant 3072 : index
    %swap3A_220 = arith.constant 0 : index
    %swap3A_221 = vector.load %arg2[%swap3A_219, %swap3A_220] : memref<13312x128xf32, #tpu.memory_space<vmem>>, vector<128x128xf32>
    tpu.vector_store %arg2[%swap3A_219, %swap3A_220], %transpose3A_218 {strides = array<i32>} : memref<13312x128xf32, #tpu.memory_space<vmem>>, vector<128x128xf32>,
    %get3A_222 = arith.constant 0 : index
    %get3A_223 = arith.constant 25 : index
    %get3A_224 = arith.constant 0 : index
    %get3A_225 = vector.load %arg1[%get3A_222, %get3A_223, %get3A_224] : memref<128x104x128xf32, #tpu.memory_space<vmem>>, vector<128x1x128xf32>
    %get3A_226 = vector.shape_cast %get3A_225 : vector<128x1x128xf32> to vector<128x128xf32>
    %transpose3A_227 = tpu.transpose %get3A_226, [1, 0] : vector<128x128xf32> -> vector<128x128xf32>
    %swap3A_228 = arith.constant 3200 : index
    %swap3A_229 = arith.constant 0 : index
    %swap3A_230 = vector.load %arg2[%swap3A_228, %swap3A_229] : memref<13312x128xf32, #tpu.memory_space<vmem>>, vector<128x128xf32>
    tpu.vector_store %arg2[%swap3A_228, %swap3A_229], %transpose3A_227 {strides = array<i32>} : memref<13312x128xf32, #tpu.memory_space<vmem>>, vector<128x128xf32>,
    %get3A_231 = arith.constant 0 : index
    %get3A_232 = arith.constant 26 : index
    %get3A_233 = arith.constant 0 : index
    %get3A_234 = vector.load %arg1[%get3A_231, %get3A_232, %get3A_233] : memref<128x104x128xf32, #tpu.memory_space<vmem>>, vector<128x1x128xf32>
    %get3A_235 = vector.shape_cast %get3A_234 : vector<128x1x128xf32> to vector<128x128xf32>
    %transpose3A_236 = tpu.transpose %get3A_235, [1, 0] : vector<128x128xf32> -> vector<128x128xf32>
    %swap3A_237 = arith.constant 3328 : index
    %swap3A_238 = arith.constant 0 : index
    %swap3A_239 = vector.load %arg2[%swap3A_237, %swap3A_238] : memref<13312x128xf32, #tpu.memory_space<vmem>>, vector<128x128xf32>
    tpu.vector_store %arg2[%swap3A_237, %swap3A_238], %transpose3A_236 {strides = array<i32>} : memref<13312x128xf32, #tpu.memory_space<vmem>>, vector<128x128xf32>,
    %get3A_240 = arith.constant 0 : index
    %get3A_241 = arith.constant 27 : index
    %get3A_242 = arith.constant 0 : index
    %get3A_243 = vector.load %arg1[%get3A_240, %get3A_241, %get3A_242] : memref<128x104x128xf32, #tpu.memory_space<vmem>>, vector<128x1x128xf32>
    %get3A_244 = vector.shape_cast %get3A_243 : vector<128x1x128xf32> to vector<128x128xf32>
    %transpose3A_245 = tpu.transpose %get3A_244, [1, 0] : vector<128x128xf32> -> vector<128x128xf32>
    %swap3A_246 = arith.constant 3456 : index
    %swap3A_247 = arith.constant 0 : index
    %swap3A_248 = vector.load %arg2[%swap3A_246, %swap3A_247] : memref<13312x128xf32, #tpu.memory_space<vmem>>, vector<128x128xf32>
    tpu.vector_store %arg2[%swap3A_246, %swap3A_247], %transpose3A_245 {strides = array<i32>} : memref<13312x128xf32, #tpu.memory_space<vmem>>, vector<128x128xf32>,
    %get3A_249 = arith.constant 0 : index
    %get3A_250 = arith.constant 28 : index
    %get3A_251 = arith.constant 0 : index
    %get3A_252 = vector.load %arg1[%get3A_249, %get3A_250, %get3A_251] : memref<128x104x128xf32, #tpu.memory_space<vmem>>, vector<128x1x128xf32>
    %get3A_253 = vector.shape_cast %get3A_252 : vector<128x1x128xf32> to vector<128x128xf32>
    %transpose3A_254 = tpu.transpose %get3A_253, [1, 0] : vector<128x128xf32> -> vector<128x128xf32>
    %swap3A_255 = arith.constant 3584 : index
    %swap3A_256 = arith.constant 0 : index
    %swap3A_257 = vector.load %arg2[%swap3A_255, %swap3A_256] : memref<13312x128xf32, #tpu.memory_space<vmem>>, vector<128x128xf32>
    tpu.vector_store %arg2[%swap3A_255, %swap3A_256], %transpose3A_254 {strides = array<i32>} : memref<13312x128xf32, #tpu.memory_space<vmem>>, vector<128x128xf32>,
    %get3A_258 = arith.constant 0 : index
    %get3A_259 = arith.constant 29 : index
    %get3A_260 = arith.constant 0 : index
    %get3A_261 = vector.load %arg1[%get3A_258, %get3A_259, %get3A_260] : memref<128x104x128xf32, #tpu.memory_space<vmem>>, vector<128x1x128xf32>
    %get3A_262 = vector.shape_cast %get3A_261 : vector<128x1x128xf32> to vector<128x128xf32>
    %transpose3A_263 = tpu.transpose %get3A_262, [1, 0] : vector<128x128xf32> -> vector<128x128xf32>
    %swap3A_264 = arith.constant 3712 : index
    %swap3A_265 = arith.constant 0 : index
    %swap3A_266 = vector.load %arg2[%swap3A_264, %swap3A_265] : memref<13312x128xf32, #tpu.memory_space<vmem>>, vector<128x128xf32>
    tpu.vector_store %arg2[%swap3A_264, %swap3A_265], %transpose3A_263 {strides = array<i32>} : memref<13312x128xf32, #tpu.memory_space<vmem>>, vector<128x128xf32>,
    %get3A_267 = arith.constant 0 : index
    %get3A_268 = arith.constant 30 : index
    %get3A_269 = arith.constant 0 : index
    %get3A_270 = vector.load %arg1[%get3A_267, %get3A_268, %get3A_269] : memref<128x104x128xf32, #tpu.memory_space<vmem>>, vector<128x1x128xf32>
    %get3A_271 = vector.shape_cast %get3A_270 : vector<128x1x128xf32> to vector<128x128xf32>
    %transpose3A_272 = tpu.transpose %get3A_271, [1, 0] : vector<128x128xf32> -> vector<128x128xf32>
    %swap3A_273 = arith.constant 3840 : index
    %swap3A_274 = arith.constant 0 : index
    %swap3A_275 = vector.load %arg2[%swap3A_273, %swap3A_274] : memref<13312x128xf32, #tpu.memory_space<vmem>>, vector<128x128xf32>
    tpu.vector_store %arg2[%swap3A_273, %swap3A_274], %transpose3A_272 {strides = array<i32>} : memref<13312x128xf32, #tpu.memory_space<vmem>>, vector<128x128xf32>,
    %get3A_276 = arith.constant 0 : index
    %get3A_277 = arith.constant 31 : index
    %get3A_278 = arith.constant 0 : index
    %get3A_279 = vector.load %arg1[%get3A_276, %get3A_277, %get3A_278] : memref<128x104x128xf32, #tpu.memory_space<vmem>>, vector<128x1x128xf32>
    %get3A_280 = vector.shape_cast %get3A_279 : vector<128x1x128xf32> to vector<128x128xf32>
    %transpose3A_281 = tpu.transpose %get3A_280, [1, 0] : vector<128x128xf32> -> vector<128x128xf32>
    %swap3A_282 = arith.constant 3968 : index
    %swap3A_283 = arith.constant 0 : index
    %swap3A_284 = vector.load %arg2[%swap3A_282, %swap3A_283] : memref<13312x128xf32, #tpu.memory_space<vmem>>, vector<128x128xf32>
    tpu.vector_store %arg2[%swap3A_282, %swap3A_283], %transpose3A_281 {strides = array<i32>} : memref<13312x128xf32, #tpu.memory_space<vmem>>, vector<128x128xf32>,
    %get3A_285 = arith.constant 0 : index
    %get3A_286 = arith.constant 32 : index
    %get3A_287 = arith.constant 0 : index
    %get3A_288 = vector.load %arg1[%get3A_285, %get3A_286, %get3A_287] : memref<128x104x128xf32, #tpu.memory_space<vmem>>, vector<128x1x128xf32>
    %get3A_289 = vector.shape_cast %get3A_288 : vector<128x1x128xf32> to vector<128x128xf32>
    %transpose3A_290 = tpu.transpose %get3A_289, [1, 0] : vector<128x128xf32> -> vector<128x128xf32>
    %swap3A_291 = arith.constant 4096 : index
    %swap3A_292 = arith.constant 0 : index
    %swap3A_293 = vector.load %arg2[%swap3A_291, %swap3A_292] : memref<13312x128xf32, #tpu.memory_space<vmem>>, vector<128x128xf32>
    tpu.vector_store %arg2[%swap3A_291, %swap3A_292], %transpose3A_290 {strides = array<i32>} : memref<13312x128xf32, #tpu.memory_space<vmem>>, vector<128x128xf32>,
    %get3A_294 = arith.constant 0 : index
    %get3A_295 = arith.constant 33 : index
    %get3A_296 = arith.constant 0 : index
    %get3A_297 = vector.load %arg1[%get3A_294, %get3A_295, %get3A_296] : memref<128x104x128xf32, #tpu.memory_space<vmem>>, vector<128x1x128xf32>
    %get3A_298 = vector.shape_cast %get3A_297 : vector<128x1x128xf32> to vector<128x128xf32>
    %transpose3A_299 = tpu.transpose %get3A_298, [1, 0] : vector<128x128xf32> -> vector<128x128xf32>
    %swap3A_300 = arith.constant 4224 : index
    %swap3A_301 = arith.constant 0 : index
    %swap3A_302 = vector.load %arg2[%swap3A_300, %swap3A_301] : memref<13312x128xf32, #tpu.memory_space<vmem>>, vector<128x128xf32>
    tpu.vector_store %arg2[%swap3A_300, %swap3A_301], %transpose3A_299 {strides = array<i32>} : memref<13312x128xf32, #tpu.memory_space<vmem>>, vector<128x128xf32>,
    %get3A_303 = arith.constant 0 : index
    %get3A_304 = arith.constant 34 : index
    %get3A_305 = arith.constant 0 : index
    %get3A_306 = vector.load %arg1[%get3A_303, %get3A_304, %get3A_305] : memref<128x104x128xf32, #tpu.memory_space<vmem>>, vector<128x1x128xf32>
    %get3A_307 = vector.shape_cast %get3A_306 : vector<128x1x128xf32> to vector<128x128xf32>
    %transpose3A_308 = tpu.transpose %get3A_307, [1, 0] : vector<128x128xf32> -> vector<128x128xf32>
    %swap3A_309 = arith.constant 4352 : index
    %swap3A_310 = arith.constant 0 : index
    %swap3A_311 = vector.load %arg2[%swap3A_309, %swap3A_310] : memref<13312x128xf32, #tpu.memory_space<vmem>>, vector<128x128xf32>
    tpu.vector_store %arg2[%swap3A_309, %swap3A_310], %transpose3A_308 {strides = array<i32>} : memref<13312x128xf32, #tpu.memory_space<vmem>>, vector<128x128xf32>,
    %get3A_312 = arith.constant 0 : index
    %get3A_313 = arith.constant 35 : index
    %get3A_314 = arith.constant 0 : index
    %get3A_315 = vector.load %arg1[%get3A_312, %get3A_313, %get3A_314] : memref<128x104x128xf32, #tpu.memory_space<vmem>>, vector<128x1x128xf32>
    %get3A_316 = vector.shape_cast %get3A_315 : vector<128x1x128xf32> to vector<128x128xf32>
    %transpose3A_317 = tpu.transpose %get3A_316, [1, 0] : vector<128x128xf32> -> vector<128x128xf32>
    %swap3A_318 = arith.constant 4480 : index
    %swap3A_319 = arith.constant 0 : index
    %swap3A_320 = vector.load %arg2[%swap3A_318, %swap3A_319] : memref<13312x128xf32, #tpu.memory_space<vmem>>, vector<128x128xf32>
    tpu.vector_store %arg2[%swap3A_318, %swap3A_319], %transpose3A_317 {strides = array<i32>} : memref<13312x128xf32, #tpu.memory_space<vmem>>, vector<128x128xf32>,
    %get3A_321 = arith.constant 0 : index
    %get3A_322 = arith.constant 36 : index
    %get3A_323 = arith.constant 0 : index
    %get3A_324 = vector.load %arg1[%get3A_321, %get3A_322, %get3A_323] : memref<128x104x128xf32, #tpu.memory_space<vmem>>, vector<128x1x128xf32>
    %get3A_325 = vector.shape_cast %get3A_324 : vector<128x1x128xf32> to vector<128x128xf32>
    %transpose3A_326 = tpu.transpose %get3A_325, [1, 0] : vector<128x128xf32> -> vector<128x128xf32>
    %swap3A_327 = arith.constant 4608 : index
    %swap3A_328 = arith.constant 0 : index
    %swap3A_329 = vector.load %arg2[%swap3A_327, %swap3A_328] : memref<13312x128xf32, #tpu.memory_space<vmem>>, vector<128x128xf32>
    tpu.vector_store %arg2[%swap3A_327, %swap3A_328], %transpose3A_326 {strides = array<i32>} : memref<13312x128xf32, #tpu.memory_space<vmem>>, vector<128x128xf32>,
    %get3A_330 = arith.constant 0 : index
    %get3A_331 = arith.constant 37 : index
    %get3A_332 = arith.constant 0 : index
    %get3A_333 = vector.load %arg1[%get3A_330, %get3A_331, %get3A_332] : memref<128x104x128xf32, #tpu.memory_space<vmem>>, vector<128x1x128xf32>
    %get3A_334 = vector.shape_cast %get3A_333 : vector<128x1x128xf32> to vector<128x128xf32>
    %transpose3A_335 = tpu.transpose %get3A_334, [1, 0] : vector<128x128xf32> -> vector<128x128xf32>
    %swap3A_336 = arith.constant 4736 : index
    %swap3A_337 = arith.constant 0 : index
    %swap3A_338 = vector.load %arg2[%swap3A_336, %swap3A_337] : memref<13312x128xf32, #tpu.memory_space<vmem>>, vector<128x128xf32>
    tpu.vector_store %arg2[%swap3A_336, %swap3A_337], %transpose3A_335 {strides = array<i32>} : memref<13312x128xf32, #tpu.memory_space<vmem>>, vector<128x128xf32>,
    %get3A_339 = arith.constant 0 : index
    %get3A_340 = arith.constant 38 : index
    %get3A_341 = arith.constant 0 : index
    %get3A_342 = vector.load %arg1[%get3A_339, %get3A_340, %get3A_341] : memref<128x104x128xf32, #tpu.memory_space<vmem>>, vector<128x1x128xf32>
    %get3A_343 = vector.shape_cast %get3A_342 : vector<128x1x128xf32> to vector<128x128xf32>
    %transpose3A_344 = tpu.transpose %get3A_343, [1, 0] : vector<128x128xf32> -> vector<128x128xf32>
    %swap3A_345 = arith.constant 4864 : index
    %swap3A_346 = arith.constant 0 : index
    %swap3A_347 = vector.load %arg2[%swap3A_345, %swap3A_346] : memref<13312x128xf32, #tpu.memory_space<vmem>>, vector<128x128xf32>
    tpu.vector_store %arg2[%swap3A_345, %swap3A_346], %transpose3A_344 {strides = array<i32>} : memref<13312x128xf32, #tpu.memory_space<vmem>>, vector<128x128xf32>,
    %get3A_348 = arith.constant 0 : index
    %get3A_349 = arith.constant 39 : index
    %get3A_350 = arith.constant 0 : index
    %get3A_351 = vector.load %arg1[%get3A_348, %get3A_349, %get3A_350] : memref<128x104x128xf32, #tpu.memory_space<vmem>>, vector<128x1x128xf32>
    %get3A_352 = vector.shape_cast %get3A_351 : vector<128x1x128xf32> to vector<128x128xf32>
    %transpose3A_353 = tpu.transpose %get3A_352, [1, 0] : vector<128x128xf32> -> vector<128x128xf32>
    %swap3A_354 = arith.constant 4992 : index
    %swap3A_355 = arith.constant 0 : index
    %swap3A_356 = vector.load %arg2[%swap3A_354, %swap3A_355] : memref<13312x128xf32, #tpu.memory_space<vmem>>, vector<128x128xf32>
    tpu.vector_store %arg2[%swap3A_354, %swap3A_355], %transpose3A_353 {strides = array<i32>} : memref<13312x128xf32, #tpu.memory_space<vmem>>, vector<128x128xf32>,
    %get3A_357 = arith.constant 0 : index
    %get3A_358 = arith.constant 40 : index
    %get3A_359 = arith.constant 0 : index
    %get3A_360 = vector.load %arg1[%get3A_357, %get3A_358, %get3A_359] : memref<128x104x128xf32, #tpu.memory_space<vmem>>, vector<128x1x128xf32>
    %get3A_361 = vector.shape_cast %get3A_360 : vector<128x1x128xf32> to vector<128x128xf32>
    %transpose3A_362 = tpu.transpose %get3A_361, [1, 0] : vector<128x128xf32> -> vector<128x128xf32>
    %swap3A_363 = arith.constant 5120 : index
    %swap3A_364 = arith.constant 0 : index
    %swap3A_365 = vector.load %arg2[%swap3A_363, %swap3A_364] : memref<13312x128xf32, #tpu.memory_space<vmem>>, vector<128x128xf32>
    tpu.vector_store %arg2[%swap3A_363, %swap3A_364], %transpose3A_362 {strides = array<i32>} : memref<13312x128xf32, #tpu.memory_space<vmem>>, vector<128x128xf32>,
    %get3A_366 = arith.constant 0 : index
    %get3A_367 = arith.constant 41 : index
    %get3A_368 = arith.constant 0 : index
    %get3A_369 = vector.load %arg1[%get3A_366, %get3A_367, %get3A_368] : memref<128x104x128xf32, #tpu.memory_space<vmem>>, vector<128x1x128xf32>
    %get3A_370 = vector.shape_cast %get3A_369 : vector<128x1x128xf32> to vector<128x128xf32>
    %transpose3A_371 = tpu.transpose %get3A_370, [1, 0] : vector<128x128xf32> -> vector<128x128xf32>
    %swap3A_372 = arith.constant 5248 : index
    %swap3A_373 = arith.constant 0 : index
    %swap3A_374 = vector.load %arg2[%swap3A_372, %swap3A_373] : memref<13312x128xf32, #tpu.memory_space<vmem>>, vector<128x128xf32>
    tpu.vector_store %arg2[%swap3A_372, %swap3A_373], %transpose3A_371 {strides = array<i32>} : memref<13312x128xf32, #tpu.memory_space<vmem>>, vector<128x128xf32>,
    %get3A_375 = arith.constant 0 : index
    %get3A_376 = arith.constant 42 : index
    %get3A_377 = arith.constant 0 : index
    %get3A_378 = vector.load %arg1[%get3A_375, %get3A_376, %get3A_377] : memref<128x104x128xf32, #tpu.memory_space<vmem>>, vector<128x1x128xf32>
    %get3A_379 = vector.shape_cast %get3A_378 : vector<128x1x128xf32> to vector<128x128xf32>
    %transpose3A_380 = tpu.transpose %get3A_379, [1, 0] : vector<128x128xf32> -> vector<128x128xf32>
    %swap3A_381 = arith.constant 5376 : index
    %swap3A_382 = arith.constant 0 : index
    %swap3A_383 = vector.load %arg2[%swap3A_381, %swap3A_382] : memref<13312x128xf32, #tpu.memory_space<vmem>>, vector<128x128xf32>
    tpu.vector_store %arg2[%swap3A_381, %swap3A_382], %transpose3A_380 {strides = array<i32>} : memref<13312x128xf32, #tpu.memory_space<vmem>>, vector<128x128xf32>,
    %get3A_384 = arith.constant 0 : index
    %get3A_385 = arith.constant 43 : index
    %get3A_386 = arith.constant 0 : index
    %get3A_387 = vector.load %arg1[%get3A_384, %get3A_385, %get3A_386] : memref<128x104x128xf32, #tpu.memory_space<vmem>>, vector<128x1x128xf32>
    %get3A_388 = vector.shape_cast %get3A_387 : vector<128x1x128xf32> to vector<128x128xf32>
    %transpose3A_389 = tpu.transpose %get3A_388, [1, 0] : vector<128x128xf32> -> vector<128x128xf32>
    %swap3A_390 = arith.constant 5504 : index
    %swap3A_391 = arith.constant 0 : index
    %swap3A_392 = vector.load %arg2[%swap3A_390, %swap3A_391] : memref<13312x128xf32, #tpu.memory_space<vmem>>, vector<128x128xf32>
    tpu.vector_store %arg2[%swap3A_390, %swap3A_391], %transpose3A_389 {strides = array<i32>} : memref<13312x128xf32, #tpu.memory_space<vmem>>, vector<128x128xf32>,
    %get3A_393 = arith.constant 0 : index
    %get3A_394 = arith.constant 44 : index
    %get3A_395 = arith.constant 0 : index
    %get3A_396 = vector.load %arg1[%get3A_393, %get3A_394, %get3A_395] : memref<128x104x128xf32, #tpu.memory_space<vmem>>, vector<128x1x128xf32>
    %get3A_397 = vector.shape_cast %get3A_396 : vector<128x1x128xf32> to vector<128x128xf32>
    %transpose3A_398 = tpu.transpose %get3A_397, [1, 0] : vector<128x128xf32> -> vector<128x128xf32>
    %swap3A_399 = arith.constant 5632 : index
    %swap3A_400 = arith.constant 0 : index
    %swap3A_401 = vector.load %arg2[%swap3A_399, %swap3A_400] : memref<13312x128xf32, #tpu.memory_space<vmem>>, vector<128x128xf32>
    tpu.vector_store %arg2[%swap3A_399, %swap3A_400], %transpose3A_398 {strides = array<i32>} : memref<13312x128xf32, #tpu.memory_space<vmem>>, vector<128x128xf32>,
    %get3A_402 = arith.constant 0 : index
    %get3A_403 = arith.constant 45 : index
    %get3A_404 = arith.constant 0 : index
    %get3A_405 = vector.load %arg1[%get3A_402, %get3A_403, %get3A_404] : memref<128x104x128xf32, #tpu.memory_space<vmem>>, vector<128x1x128xf32>
    %get3A_406 = vector.shape_cast %get3A_405 : vector<128x1x128xf32> to vector<128x128xf32>
    %transpose3A_407 = tpu.transpose %get3A_406, [1, 0] : vector<128x128xf32> -> vector<128x128xf32>
    %swap3A_408 = arith.constant 5760 : index
    %swap3A_409 = arith.constant 0 : index
    %swap3A_410 = vector.load %arg2[%swap3A_408, %swap3A_409] : memref<13312x128xf32, #tpu.memory_space<vmem>>, vector<128x128xf32>
    tpu.vector_store %arg2[%swap3A_408, %swap3A_409], %transpose3A_407 {strides = array<i32>} : memref<13312x128xf32, #tpu.memory_space<vmem>>, vector<128x128xf32>,
    %get3A_411 = arith.constant 0 : index
    %get3A_412 = arith.constant 46 : index
    %get3A_413 = arith.constant 0 : index
    %get3A_414 = vector.load %arg1[%get3A_411, %get3A_412, %get3A_413] : memref<128x104x128xf32, #tpu.memory_space<vmem>>, vector<128x1x128xf32>
    %get3A_415 = vector.shape_cast %get3A_414 : vector<128x1x128xf32> to vector<128x128xf32>
    %transpose3A_416 = tpu.transpose %get3A_415, [1, 0] : vector<128x128xf32> -> vector<128x128xf32>
    %swap3A_417 = arith.constant 5888 : index
    %swap3A_418 = arith.constant 0 : index
    %swap3A_419 = vector.load %arg2[%swap3A_417, %swap3A_418] : memref<13312x128xf32, #tpu.memory_space<vmem>>, vector<128x128xf32>
    tpu.vector_store %arg2[%swap3A_417, %swap3A_418], %transpose3A_416 {strides = array<i32>} : memref<13312x128xf32, #tpu.memory_space<vmem>>, vector<128x128xf32>,
    %get3A_420 = arith.constant 0 : index
    %get3A_421 = arith.constant 47 : index
    %get3A_422 = arith.constant 0 : index
    %get3A_423 = vector.load %arg1[%get3A_420, %get3A_421, %get3A_422] : memref<128x104x128xf32, #tpu.memory_space<vmem>>, vector<128x1x128xf32>
    %get3A_424 = vector.shape_cast %get3A_423 : vector<128x1x128xf32> to vector<128x128xf32>
    %transpose3A_425 = tpu.transpose %get3A_424, [1, 0] : vector<128x128xf32> -> vector<128x128xf32>
    %swap3A_426 = arith.constant 6016 : index
    %swap3A_427 = arith.constant 0 : index
    %swap3A_428 = vector.load %arg2[%swap3A_426, %swap3A_427] : memref<13312x128xf32, #tpu.memory_space<vmem>>, vector<128x128xf32>
    tpu.vector_store %arg2[%swap3A_426, %swap3A_427], %transpose3A_425 {strides = array<i32>} : memref<13312x128xf32, #tpu.memory_space<vmem>>, vector<128x128xf32>,
    %get3A_429 = arith.constant 0 : index
    %get3A_430 = arith.constant 48 : index
    %get3A_431 = arith.constant 0 : index
    %get3A_432 = vector.load %arg1[%get3A_429, %get3A_430, %get3A_431] : memref<128x104x128xf32, #tpu.memory_space<vmem>>, vector<128x1x128xf32>
    %get3A_433 = vector.shape_cast %get3A_432 : vector<128x1x128xf32> to vector<128x128xf32>
    %transpose3A_434 = tpu.transpose %get3A_433, [1, 0] : vector<128x128xf32> -> vector<128x128xf32>
    %swap3A_435 = arith.constant 6144 : index
    %swap3A_436 = arith.constant 0 : index
    %swap3A_437 = vector.load %arg2[%swap3A_435, %swap3A_436] : memref<13312x128xf32, #tpu.memory_space<vmem>>, vector<128x128xf32>
    tpu.vector_store %arg2[%swap3A_435, %swap3A_436], %transpose3A_434 {strides = array<i32>} : memref<13312x128xf32, #tpu.memory_space<vmem>>, vector<128x128xf32>,
    %get3A_438 = arith.constant 0 : index
    %get3A_439 = arith.constant 49 : index
    %get3A_440 = arith.constant 0 : index
    %get3A_441 = vector.load %arg1[%get3A_438, %get3A_439, %get3A_440] : memref<128x104x128xf32, #tpu.memory_space<vmem>>, vector<128x1x128xf32>
    %get3A_442 = vector.shape_cast %get3A_441 : vector<128x1x128xf32> to vector<128x128xf32>
    %transpose3A_443 = tpu.transpose %get3A_442, [1, 0] : vector<128x128xf32> -> vector<128x128xf32>
    %swap3A_444 = arith.constant 6272 : index
    %swap3A_445 = arith.constant 0 : index
    %swap3A_446 = vector.load %arg2[%swap3A_444, %swap3A_445] : memref<13312x128xf32, #tpu.memory_space<vmem>>, vector<128x128xf32>
    tpu.vector_store %arg2[%swap3A_444, %swap3A_445], %transpose3A_443 {strides = array<i32>} : memref<13312x128xf32, #tpu.memory_space<vmem>>, vector<128x128xf32>,
    %get3A_447 = arith.constant 0 : index
    %get3A_448 = arith.constant 50 : index
    %get3A_449 = arith.constant 0 : index
    %get3A_450 = vector.load %arg1[%get3A_447, %get3A_448, %get3A_449] : memref<128x104x128xf32, #tpu.memory_space<vmem>>, vector<128x1x128xf32>
    %get3A_451 = vector.shape_cast %get3A_450 : vector<128x1x128xf32> to vector<128x128xf32>
    %transpose3A_452 = tpu.transpose %get3A_451, [1, 0] : vector<128x128xf32> -> vector<128x128xf32>
    %swap3A_453 = arith.constant 6400 : index
    %swap3A_454 = arith.constant 0 : index
    %swap3A_455 = vector.load %arg2[%swap3A_453, %swap3A_454] : memref<13312x128xf32, #tpu.memory_space<vmem>>, vector<128x128xf32>
    tpu.vector_store %arg2[%swap3A_453, %swap3A_454], %transpose3A_452 {strides = array<i32>} : memref<13312x128xf32, #tpu.memory_space<vmem>>, vector<128x128xf32>,
    %get3A_456 = arith.constant 0 : index
    %get3A_457 = arith.constant 51 : index
    %get3A_458 = arith.constant 0 : index
    %get3A_459 = vector.load %arg1[%get3A_456, %get3A_457, %get3A_458] : memref<128x104x128xf32, #tpu.memory_space<vmem>>, vector<128x1x128xf32>
    %get3A_460 = vector.shape_cast %get3A_459 : vector<128x1x128xf32> to vector<128x128xf32>
    %transpose3A_461 = tpu.transpose %get3A_460, [1, 0] : vector<128x128xf32> -> vector<128x128xf32>
    %swap3A_462 = arith.constant 6528 : index
    %swap3A_463 = arith.constant 0 : index
    %swap3A_464 = vector.load %arg2[%swap3A_462, %swap3A_463] : memref<13312x128xf32, #tpu.memory_space<vmem>>, vector<128x128xf32>
    tpu.vector_store %arg2[%swap3A_462, %swap3A_463], %transpose3A_461 {strides = array<i32>} : memref<13312x128xf32, #tpu.memory_space<vmem>>, vector<128x128xf32>,
    %get3A_465 = arith.constant 0 : index
    %get3A_466 = arith.constant 52 : index
    %get3A_467 = arith.constant 0 : index
    %get3A_468 = vector.load %arg1[%get3A_465, %get3A_466, %get3A_467] : memref<128x104x128xf32, #tpu.memory_space<vmem>>, vector<128x1x128xf32>
    %get3A_469 = vector.shape_cast %get3A_468 : vector<128x1x128xf32> to vector<128x128xf32>
    %transpose3A_470 = tpu.transpose %get3A_469, [1, 0] : vector<128x128xf32> -> vector<128x128xf32>
    %swap3A_471 = arith.constant 6656 : index
    %swap3A_472 = arith.constant 0 : index
    %swap3A_473 = vector.load %arg2[%swap3A_471, %swap3A_472] : memref<13312x128xf32, #tpu.memory_space<vmem>>, vector<128x128xf32>
    tpu.vector_store %arg2[%swap3A_471, %swap3A_472], %transpose3A_470 {strides = array<i32>} : memref<13312x128xf32, #tpu.memory_space<vmem>>, vector<128x128xf32>,
    %get3A_474 = arith.constant 0 : index
    %get3A_475 = arith.constant 53 : index
    %get3A_476 = arith.constant 0 : index
    %get3A_477 = vector.load %arg1[%get3A_474, %get3A_475, %get3A_476] : memref<128x104x128xf32, #tpu.memory_space<vmem>>, vector<128x1x128xf32>
    %get3A_478 = vector.shape_cast %get3A_477 : vector<128x1x128xf32> to vector<128x128xf32>
    %transpose3A_479 = tpu.transpose %get3A_478, [1, 0] : vector<128x128xf32> -> vector<128x128xf32>
    %swap3A_480 = arith.constant 6784 : index
    %swap3A_481 = arith.constant 0 : index
    %swap3A_482 = vector.load %arg2[%swap3A_480, %swap3A_481] : memref<13312x128xf32, #tpu.memory_space<vmem>>, vector<128x128xf32>
    tpu.vector_store %arg2[%swap3A_480, %swap3A_481], %transpose3A_479 {strides = array<i32>} : memref<13312x128xf32, #tpu.memory_space<vmem>>, vector<128x128xf32>,
    %get3A_483 = arith.constant 0 : index
    %get3A_484 = arith.constant 54 : index
    %get3A_485 = arith.constant 0 : index
    %get3A_486 = vector.load %arg1[%get3A_483, %get3A_484, %get3A_485] : memref<128x104x128xf32, #tpu.memory_space<vmem>>, vector<128x1x128xf32>
    %get3A_487 = vector.shape_cast %get3A_486 : vector<128x1x128xf32> to vector<128x128xf32>
    %transpose3A_488 = tpu.transpose %get3A_487, [1, 0] : vector<128x128xf32> -> vector<128x128xf32>
    %swap3A_489 = arith.constant 6912 : index
    %swap3A_490 = arith.constant 0 : index
    %swap3A_491 = vector.load %arg2[%swap3A_489, %swap3A_490] : memref<13312x128xf32, #tpu.memory_space<vmem>>, vector<128x128xf32>
    tpu.vector_store %arg2[%swap3A_489, %swap3A_490], %transpose3A_488 {strides = array<i32>} : memref<13312x128xf32, #tpu.memory_space<vmem>>, vector<128x128xf32>,
    %get3A_492 = arith.constant 0 : index
    %get3A_493 = arith.constant 55 : index
    %get3A_494 = arith.constant 0 : index
    %get3A_495 = vector.load %arg1[%get3A_492, %get3A_493, %get3A_494] : memref<128x104x128xf32, #tpu.memory_space<vmem>>, vector<128x1x128xf32>
    %get3A_496 = vector.shape_cast %get3A_495 : vector<128x1x128xf32> to vector<128x128xf32>
    %transpose3A_497 = tpu.transpose %get3A_496, [1, 0] : vector<128x128xf32> -> vector<128x128xf32>
    %swap3A_498 = arith.constant 7040 : index
    %swap3A_499 = arith.constant 0 : index
    %swap3A_500 = vector.load %arg2[%swap3A_498, %swap3A_499] : memref<13312x128xf32, #tpu.memory_space<vmem>>, vector<128x128xf32>
    tpu.vector_store %arg2[%swap3A_498, %swap3A_499], %transpose3A_497 {strides = array<i32>} : memref<13312x128xf32, #tpu.memory_space<vmem>>, vector<128x128xf32>,
    %get3A_501 = arith.constant 0 : index
    %get3A_502 = arith.constant 56 : index
    %get3A_503 = arith.constant 0 : index
    %get3A_504 = vector.load %arg1[%get3A_501, %get3A_502, %get3A_503] : memref<128x104x128xf32, #tpu.memory_space<vmem>>, vector<128x1x128xf32>
    %get3A_505 = vector.shape_cast %get3A_504 : vector<128x1x128xf32> to vector<128x128xf32>
    %transpose3A_506 = tpu.transpose %get3A_505, [1, 0] : vector<128x128xf32> -> vector<128x128xf32>
    %swap3A_507 = arith.constant 7168 : index
    %swap3A_508 = arith.constant 0 : index
    %swap3A_509 = vector.load %arg2[%swap3A_507, %swap3A_508] : memref<13312x128xf32, #tpu.memory_space<vmem>>, vector<128x128xf32>
    tpu.vector_store %arg2[%swap3A_507, %swap3A_508], %transpose3A_506 {strides = array<i32>} : memref<13312x128xf32, #tpu.memory_space<vmem>>, vector<128x128xf32>,
    %get3A_510 = arith.constant 0 : index
    %get3A_511 = arith.constant 57 : index
    %get3A_512 = arith.constant 0 : index
    %get3A_513 = vector.load %arg1[%get3A_510, %get3A_511, %get3A_512] : memref<128x104x128xf32, #tpu.memory_space<vmem>>, vector<128x1x128xf32>
    %get3A_514 = vector.shape_cast %get3A_513 : vector<128x1x128xf32> to vector<128x128xf32>
    %transpose3A_515 = tpu.transpose %get3A_514, [1, 0] : vector<128x128xf32> -> vector<128x128xf32>
    %swap3A_516 = arith.constant 7296 : index
    %swap3A_517 = arith.constant 0 : index
    %swap3A_518 = vector.load %arg2[%swap3A_516, %swap3A_517] : memref<13312x128xf32, #tpu.memory_space<vmem>>, vector<128x128xf32>
    tpu.vector_store %arg2[%swap3A_516, %swap3A_517], %transpose3A_515 {strides = array<i32>} : memref<13312x128xf32, #tpu.memory_space<vmem>>, vector<128x128xf32>,
    %get3A_519 = arith.constant 0 : index
    %get3A_520 = arith.constant 58 : index
    %get3A_521 = arith.constant 0 : index
    %get3A_522 = vector.load %arg1[%get3A_519, %get3A_520, %get3A_521] : memref<128x104x128xf32, #tpu.memory_space<vmem>>, vector<128x1x128xf32>
    %get3A_523 = vector.shape_cast %get3A_522 : vector<128x1x128xf32> to vector<128x128xf32>
    %transpose3A_524 = tpu.transpose %get3A_523, [1, 0] : vector<128x128xf32> -> vector<128x128xf32>
    %swap3A_525 = arith.constant 7424 : index
    %swap3A_526 = arith.constant 0 : index
    %swap3A_527 = vector.load %arg2[%swap3A_525, %swap3A_526] : memref<13312x128xf32, #tpu.memory_space<vmem>>, vector<128x128xf32>
    tpu.vector_store %arg2[%swap3A_525, %swap3A_526], %transpose3A_524 {strides = array<i32>} : memref<13312x128xf32, #tpu.memory_space<vmem>>, vector<128x128xf32>,
    %get3A_528 = arith.constant 0 : index
    %get3A_529 = arith.constant 59 : index
    %get3A_530 = arith.constant 0 : index
    %get3A_531 = vector.load %arg1[%get3A_528, %get3A_529, %get3A_530] : memref<128x104x128xf32, #tpu.memory_space<vmem>>, vector<128x1x128xf32>
    %get3A_532 = vector.shape_cast %get3A_531 : vector<128x1x128xf32> to vector<128x128xf32>
    %transpose3A_533 = tpu.transpose %get3A_532, [1, 0] : vector<128x128xf32> -> vector<128x128xf32>
    %swap3A_534 = arith.constant 7552 : index
    %swap3A_535 = arith.constant 0 : index
    %swap3A_536 = vector.load %arg2[%swap3A_534, %swap3A_535] : memref<13312x128xf32, #tpu.memory_space<vmem>>, vector<128x128xf32>
    tpu.vector_store %arg2[%swap3A_534, %swap3A_535], %transpose3A_533 {strides = array<i32>} : memref<13312x128xf32, #tpu.memory_space<vmem>>, vector<128x128xf32>,
    %get3A_537 = arith.constant 0 : index
    %get3A_538 = arith.constant 60 : index
    %get3A_539 = arith.constant 0 : index
    %get3A_540 = vector.load %arg1[%get3A_537, %get3A_538, %get3A_539] : memref<128x104x128xf32, #tpu.memory_space<vmem>>, vector<128x1x128xf32>
    %get3A_541 = vector.shape_cast %get3A_540 : vector<128x1x128xf32> to vector<128x128xf32>
    %transpose3A_542 = tpu.transpose %get3A_541, [1, 0] : vector<128x128xf32> -> vector<128x128xf32>
    %swap3A_543 = arith.constant 7680 : index
    %swap3A_544 = arith.constant 0 : index
    %swap3A_545 = vector.load %arg2[%swap3A_543, %swap3A_544] : memref<13312x128xf32, #tpu.memory_space<vmem>>, vector<128x128xf32>
    tpu.vector_store %arg2[%swap3A_543, %swap3A_544], %transpose3A_542 {strides = array<i32>} : memref<13312x128xf32, #tpu.memory_space<vmem>>, vector<128x128xf32>,
    %get3A_546 = arith.constant 0 : index
    %get3A_547 = arith.constant 61 : index
    %get3A_548 = arith.constant 0 : index
    %get3A_549 = vector.load %arg1[%get3A_546, %get3A_547, %get3A_548] : memref<128x104x128xf32, #tpu.memory_space<vmem>>, vector<128x1x128xf32>
    %get3A_550 = vector.shape_cast %get3A_549 : vector<128x1x128xf32> to vector<128x128xf32>
    %transpose3A_551 = tpu.transpose %get3A_550, [1, 0] : vector<128x128xf32> -> vector<128x128xf32>
    %swap3A_552 = arith.constant 7808 : index
    %swap3A_553 = arith.constant 0 : index
    %swap3A_554 = vector.load %arg2[%swap3A_552, %swap3A_553] : memref<13312x128xf32, #tpu.memory_space<vmem>>, vector<128x128xf32>
    tpu.vector_store %arg2[%swap3A_552, %swap3A_553], %transpose3A_551 {strides = array<i32>} : memref<13312x128xf32, #tpu.memory_space<vmem>>, vector<128x128xf32>,
    %get3A_555 = arith.constant 0 : index
    %get3A_556 = arith.constant 62 : index
    %get3A_557 = arith.constant 0 : index
    %get3A_558 = vector.load %arg1[%get3A_555, %get3A_556, %get3A_557] : memref<128x104x128xf32, #tpu.memory_space<vmem>>, vector<128x1x128xf32>
    %get3A_559 = vector.shape_cast %get3A_558 : vector<128x1x128xf32> to vector<128x128xf32>
    %transpose3A_560 = tpu.transpose %get3A_559, [1, 0] : vector<128x128xf32> -> vector<128x128xf32>
    %swap3A_561 = arith.constant 7936 : index
    %swap3A_562 = arith.constant 0 : index
    %swap3A_563 = vector.load %arg2[%swap3A_561, %swap3A_562] : memref<13312x128xf32, #tpu.memory_space<vmem>>, vector<128x128xf32>
    tpu.vector_store %arg2[%swap3A_561, %swap3A_562], %transpose3A_560 {strides = array<i32>} : memref<13312x128xf32, #tpu.memory_space<vmem>>, vector<128x128xf32>,
    %get3A_564 = arith.constant 0 : index
    %get3A_565 = arith.constant 63 : index
    %get3A_566 = arith.constant 0 : index
    %get3A_567 = vector.load %arg1[%get3A_564, %get3A_565, %get3A_566] : memref<128x104x128xf32, #tpu.memory_space<vmem>>, vector<128x1x128xf32>
    %get3A_568 = vector.shape_cast %get3A_567 : vector<128x1x128xf32> to vector<128x128xf32>
    %transpose3A_569 = tpu.transpose %get3A_568, [1, 0] : vector<128x128xf32> -> vector<128x128xf32>
    %swap3A_570 = arith.constant 8064 : index
    %swap3A_571 = arith.constant 0 : index
    %swap3A_572 = vector.load %arg2[%swap3A_570, %swap3A_571] : memref<13312x128xf32, #tpu.memory_space<vmem>>, vector<128x128xf32>
    tpu.vector_store %arg2[%swap3A_570, %swap3A_571], %transpose3A_569 {strides = array<i32>} : memref<13312x128xf32, #tpu.memory_space<vmem>>, vector<128x128xf32>,
    %get3A_573 = arith.constant 0 : index
    %get3A_574 = arith.constant 64 : index
    %get3A_575 = arith.constant 0 : index
    %get3A_576 = vector.load %arg1[%get3A_573, %get3A_574, %get3A_575] : memref<128x104x128xf32, #tpu.memory_space<vmem>>, vector<128x1x128xf32>
    %get3A_577 = vector.shape_cast %get3A_576 : vector<128x1x128xf32> to vector<128x128xf32>
    %transpose3A_578 = tpu.transpose %get3A_577, [1, 0] : vector<128x128xf32> -> vector<128x128xf32>
    %swap3A_579 = arith.constant 8192 : index
    %swap3A_580 = arith.constant 0 : index
    %swap3A_581 = vector.load %arg2[%swap3A_579, %swap3A_580] : memref<13312x128xf32, #tpu.memory_space<vmem>>, vector<128x128xf32>
    tpu.vector_store %arg2[%swap3A_579, %swap3A_580], %transpose3A_578 {strides = array<i32>} : memref<13312x128xf32, #tpu.memory_space<vmem>>, vector<128x128xf32>,
    %get3A_582 = arith.constant 0 : index
    %get3A_583 = arith.constant 65 : index
    %get3A_584 = arith.constant 0 : index
    %get3A_585 = vector.load %arg1[%get3A_582, %get3A_583, %get3A_584] : memref<128x104x128xf32, #tpu.memory_space<vmem>>, vector<128x1x128xf32>
    %get3A_586 = vector.shape_cast %get3A_585 : vector<128x1x128xf32> to vector<128x128xf32>
    %transpose3A_587 = tpu.transpose %get3A_586, [1, 0] : vector<128x128xf32> -> vector<128x128xf32>
    %swap3A_588 = arith.constant 8320 : index
    %swap3A_589 = arith.constant 0 : index
    %swap3A_590 = vector.load %arg2[%swap3A_588, %swap3A_589] : memref<13312x128xf32, #tpu.memory_space<vmem>>, vector<128x128xf32>
    tpu.vector_store %arg2[%swap3A_588, %swap3A_589], %transpose3A_587 {strides = array<i32>} : memref<13312x128xf32, #tpu.memory_space<vmem>>, vector<128x128xf32>,
    %get3A_591 = arith.constant 0 : index
    %get3A_592 = arith.constant 66 : index
    %get3A_593 = arith.constant 0 : index
    %get3A_594 = vector.load %arg1[%get3A_591, %get3A_592, %get3A_593] : memref<128x104x128xf32, #tpu.memory_space<vmem>>, vector<128x1x128xf32>
    %get3A_595 = vector.shape_cast %get3A_594 : vector<128x1x128xf32> to vector<128x128xf32>
    %transpose3A_596 = tpu.transpose %get3A_595, [1, 0] : vector<128x128xf32> -> vector<128x128xf32>
    %swap3A_597 = arith.constant 8448 : index
    %swap3A_598 = arith.constant 0 : index
    %swap3A_599 = vector.load %arg2[%swap3A_597, %swap3A_598] : memref<13312x128xf32, #tpu.memory_space<vmem>>, vector<128x128xf32>
    tpu.vector_store %arg2[%swap3A_597, %swap3A_598], %transpose3A_596 {strides = array<i32>} : memref<13312x128xf32, #tpu.memory_space<vmem>>, vector<128x128xf32>,
    %get3A_600 = arith.constant 0 : index
    %get3A_601 = arith.constant 67 : index
    %get3A_602 = arith.constant 0 : index
    %get3A_603 = vector.load %arg1[%get3A_600, %get3A_601, %get3A_602] : memref<128x104x128xf32, #tpu.memory_space<vmem>>, vector<128x1x128xf32>
    %get3A_604 = vector.shape_cast %get3A_603 : vector<128x1x128xf32> to vector<128x128xf32>
    %transpose3A_605 = tpu.transpose %get3A_604, [1, 0] : vector<128x128xf32> -> vector<128x128xf32>
    %swap3A_606 = arith.constant 8576 : index
    %swap3A_607 = arith.constant 0 : index
    %swap3A_608 = vector.load %arg2[%swap3A_606, %swap3A_607] : memref<13312x128xf32, #tpu.memory_space<vmem>>, vector<128x128xf32>
    tpu.vector_store %arg2[%swap3A_606, %swap3A_607], %transpose3A_605 {strides = array<i32>} : memref<13312x128xf32, #tpu.memory_space<vmem>>, vector<128x128xf32>,
    %get3A_609 = arith.constant 0 : index
    %get3A_610 = arith.constant 68 : index
    %get3A_611 = arith.constant 0 : index
    %get3A_612 = vector.load %arg1[%get3A_609, %get3A_610, %get3A_611] : memref<128x104x128xf32, #tpu.memory_space<vmem>>, vector<128x1x128xf32>
    %get3A_613 = vector.shape_cast %get3A_612 : vector<128x1x128xf32> to vector<128x128xf32>
    %transpose3A_614 = tpu.transpose %get3A_613, [1, 0] : vector<128x128xf32> -> vector<128x128xf32>
    %swap3A_615 = arith.constant 8704 : index
    %swap3A_616 = arith.constant 0 : index
    %swap3A_617 = vector.load %arg2[%swap3A_615, %swap3A_616] : memref<13312x128xf32, #tpu.memory_space<vmem>>, vector<128x128xf32>
    tpu.vector_store %arg2[%swap3A_615, %swap3A_616], %transpose3A_614 {strides = array<i32>} : memref<13312x128xf32, #tpu.memory_space<vmem>>, vector<128x128xf32>,
    %get3A_618 = arith.constant 0 : index
    %get3A_619 = arith.constant 69 : index
    %get3A_620 = arith.constant 0 : index
    %get3A_621 = vector.load %arg1[%get3A_618, %get3A_619, %get3A_620] : memref<128x104x128xf32, #tpu.memory_space<vmem>>, vector<128x1x128xf32>
    %get3A_622 = vector.shape_cast %get3A_621 : vector<128x1x128xf32> to vector<128x128xf32>
    %transpose3A_623 = tpu.transpose %get3A_622, [1, 0] : vector<128x128xf32> -> vector<128x128xf32>
    %swap3A_624 = arith.constant 8832 : index
    %swap3A_625 = arith.constant 0 : index
    %swap3A_626 = vector.load %arg2[%swap3A_624, %swap3A_625] : memref<13312x128xf32, #tpu.memory_space<vmem>>, vector<128x128xf32>
    tpu.vector_store %arg2[%swap3A_624, %swap3A_625], %transpose3A_623 {strides = array<i32>} : memref<13312x128xf32, #tpu.memory_space<vmem>>, vector<128x128xf32>,
    %get3A_627 = arith.constant 0 : index
    %get3A_628 = arith.constant 70 : index
    %get3A_629 = arith.constant 0 : index
    %get3A_630 = vector.load %arg1[%get3A_627, %get3A_628, %get3A_629] : memref<128x104x128xf32, #tpu.memory_space<vmem>>, vector<128x1x128xf32>
    %get3A_631 = vector.shape_cast %get3A_630 : vector<128x1x128xf32> to vector<128x128xf32>
    %transpose3A_632 = tpu.transpose %get3A_631, [1, 0] : vector<128x128xf32> -> vector<128x128xf32>
    %swap3A_633 = arith.constant 8960 : index
    %swap3A_634 = arith.constant 0 : index
    %swap3A_635 = vector.load %arg2[%swap3A_633, %swap3A_634] : memref<13312x128xf32, #tpu.memory_space<vmem>>, vector<128x128xf32>
    tpu.vector_store %arg2[%swap3A_633, %swap3A_634], %transpose3A_632 {strides = array<i32>} : memref<13312x128xf32, #tpu.memory_space<vmem>>, vector<128x128xf32>,
    %get3A_636 = arith.constant 0 : index
    %get3A_637 = arith.constant 71 : index
    %get3A_638 = arith.constant 0 : index
    %get3A_639 = vector.load %arg1[%get3A_636, %get3A_637, %get3A_638] : memref<128x104x128xf32, #tpu.memory_space<vmem>>, vector<128x1x128xf32>
    %get3A_640 = vector.shape_cast %get3A_639 : vector<128x1x128xf32> to vector<128x128xf32>
    %transpose3A_641 = tpu.transpose %get3A_640, [1, 0] : vector<128x128xf32> -> vector<128x128xf32>
    %swap3A_642 = arith.constant 9088 : index
    %swap3A_643 = arith.constant 0 : index
    %swap3A_644 = vector.load %arg2[%swap3A_642, %swap3A_643] : memref<13312x128xf32, #tpu.memory_space<vmem>>, vector<128x128xf32>
    tpu.vector_store %arg2[%swap3A_642, %swap3A_643], %transpose3A_641 {strides = array<i32>} : memref<13312x128xf32, #tpu.memory_space<vmem>>, vector<128x128xf32>,
    %get3A_645 = arith.constant 0 : index
    %get3A_646 = arith.constant 72 : index
    %get3A_647 = arith.constant 0 : index
    %get3A_648 = vector.load %arg1[%get3A_645, %get3A_646, %get3A_647] : memref<128x104x128xf32, #tpu.memory_space<vmem>>, vector<128x1x128xf32>
    %get3A_649 = vector.shape_cast %get3A_648 : vector<128x1x128xf32> to vector<128x128xf32>
    %transpose3A_650 = tpu.transpose %get3A_649, [1, 0] : vector<128x128xf32> -> vector<128x128xf32>
    %swap3A_651 = arith.constant 9216 : index
    %swap3A_652 = arith.constant 0 : index
    %swap3A_653 = vector.load %arg2[%swap3A_651, %swap3A_652] : memref<13312x128xf32, #tpu.memory_space<vmem>>, vector<128x128xf32>
    tpu.vector_store %arg2[%swap3A_651, %swap3A_652], %transpose3A_650 {strides = array<i32>} : memref<13312x128xf32, #tpu.memory_space<vmem>>, vector<128x128xf32>,
    %get3A_654 = arith.constant 0 : index
    %get3A_655 = arith.constant 73 : index
    %get3A_656 = arith.constant 0 : index
    %get3A_657 = vector.load %arg1[%get3A_654, %get3A_655, %get3A_656] : memref<128x104x128xf32, #tpu.memory_space<vmem>>, vector<128x1x128xf32>
    %get3A_658 = vector.shape_cast %get3A_657 : vector<128x1x128xf32> to vector<128x128xf32>
    %transpose3A_659 = tpu.transpose %get3A_658, [1, 0] : vector<128x128xf32> -> vector<128x128xf32>
    %swap3A_660 = arith.constant 9344 : index
    %swap3A_661 = arith.constant 0 : index
    %swap3A_662 = vector.load %arg2[%swap3A_660, %swap3A_661] : memref<13312x128xf32, #tpu.memory_space<vmem>>, vector<128x128xf32>
    tpu.vector_store %arg2[%swap3A_660, %swap3A_661], %transpose3A_659 {strides = array<i32>} : memref<13312x128xf32, #tpu.memory_space<vmem>>, vector<128x128xf32>,
    %get3A_663 = arith.constant 0 : index
    %get3A_664 = arith.constant 74 : index
    %get3A_665 = arith.constant 0 : index
    %get3A_666 = vector.load %arg1[%get3A_663, %get3A_664, %get3A_665] : memref<128x104x128xf32, #tpu.memory_space<vmem>>, vector<128x1x128xf32>
    %get3A_667 = vector.shape_cast %get3A_666 : vector<128x1x128xf32> to vector<128x128xf32>
    %transpose3A_668 = tpu.transpose %get3A_667, [1, 0] : vector<128x128xf32> -> vector<128x128xf32>
    %swap3A_669 = arith.constant 9472 : index
    %swap3A_670 = arith.constant 0 : index
    %swap3A_671 = vector.load %arg2[%swap3A_669, %swap3A_670] : memref<13312x128xf32, #tpu.memory_space<vmem>>, vector<128x128xf32>
    tpu.vector_store %arg2[%swap3A_669, %swap3A_670], %transpose3A_668 {strides = array<i32>} : memref<13312x128xf32, #tpu.memory_space<vmem>>, vector<128x128xf32>,
    %get3A_672 = arith.constant 0 : index
    %get3A_673 = arith.constant 75 : index
    %get3A_674 = arith.constant 0 : index
    %get3A_675 = vector.load %arg1[%get3A_672, %get3A_673, %get3A_674] : memref<128x104x128xf32, #tpu.memory_space<vmem>>, vector<128x1x128xf32>
    %get3A_676 = vector.shape_cast %get3A_675 : vector<128x1x128xf32> to vector<128x128xf32>
    %transpose3A_677 = tpu.transpose %get3A_676, [1, 0] : vector<128x128xf32> -> vector<128x128xf32>
    %swap3A_678 = arith.constant 9600 : index
    %swap3A_679 = arith.constant 0 : index
    %swap3A_680 = vector.load %arg2[%swap3A_678, %swap3A_679] : memref<13312x128xf32, #tpu.memory_space<vmem>>, vector<128x128xf32>
    tpu.vector_store %arg2[%swap3A_678, %swap3A_679], %transpose3A_677 {strides = array<i32>} : memref<13312x128xf32, #tpu.memory_space<vmem>>, vector<128x128xf32>,
    %get3A_681 = arith.constant 0 : index
    %get3A_682 = arith.constant 76 : index
    %get3A_683 = arith.constant 0 : index
    %get3A_684 = vector.load %arg1[%get3A_681, %get3A_682, %get3A_683] : memref<128x104x128xf32, #tpu.memory_space<vmem>>, vector<128x1x128xf32>
    %get3A_685 = vector.shape_cast %get3A_684 : vector<128x1x128xf32> to vector<128x128xf32>
    %transpose3A_686 = tpu.transpose %get3A_685, [1, 0] : vector<128x128xf32> -> vector<128x128xf32>
    %swap3A_687 = arith.constant 9728 : index
    %swap3A_688 = arith.constant 0 : index
    %swap3A_689 = vector.load %arg2[%swap3A_687, %swap3A_688] : memref<13312x128xf32, #tpu.memory_space<vmem>>, vector<128x128xf32>
    tpu.vector_store %arg2[%swap3A_687, %swap3A_688], %transpose3A_686 {strides = array<i32>} : memref<13312x128xf32, #tpu.memory_space<vmem>>, vector<128x128xf32>,
    %get3A_690 = arith.constant 0 : index
    %get3A_691 = arith.constant 77 : index
    %get3A_692 = arith.constant 0 : index
    %get3A_693 = vector.load %arg1[%get3A_690, %get3A_691, %get3A_692] : memref<128x104x128xf32, #tpu.memory_space<vmem>>, vector<128x1x128xf32>
    %get3A_694 = vector.shape_cast %get3A_693 : vector<128x1x128xf32> to vector<128x128xf32>
    %transpose3A_695 = tpu.transpose %get3A_694, [1, 0] : vector<128x128xf32> -> vector<128x128xf32>
    %swap3A_696 = arith.constant 9856 : index
    %swap3A_697 = arith.constant 0 : index
    %swap3A_698 = vector.load %arg2[%swap3A_696, %swap3A_697] : memref<13312x128xf32, #tpu.memory_space<vmem>>, vector<128x128xf32>
    tpu.vector_store %arg2[%swap3A_696, %swap3A_697], %transpose3A_695 {strides = array<i32>} : memref<13312x128xf32, #tpu.memory_space<vmem>>, vector<128x128xf32>,
    %get3A_699 = arith.constant 0 : index
    %get3A_700 = arith.constant 78 : index
    %get3A_701 = arith.constant 0 : index
    %get3A_702 = vector.load %arg1[%get3A_699, %get3A_700, %get3A_701] : memref<128x104x128xf32, #tpu.memory_space<vmem>>, vector<128x1x128xf32>
    %get3A_703 = vector.shape_cast %get3A_702 : vector<128x1x128xf32> to vector<128x128xf32>
    %transpose3A_704 = tpu.transpose %get3A_703, [1, 0] : vector<128x128xf32> -> vector<128x128xf32>
    %swap3A_705 = arith.constant 9984 : index
    %swap3A_706 = arith.constant 0 : index
    %swap3A_707 = vector.load %arg2[%swap3A_705, %swap3A_706] : memref<13312x128xf32, #tpu.memory_space<vmem>>, vector<128x128xf32>
    tpu.vector_store %arg2[%swap3A_705, %swap3A_706], %transpose3A_704 {strides = array<i32>} : memref<13312x128xf32, #tpu.memory_space<vmem>>, vector<128x128xf32>,
    %get3A_708 = arith.constant 0 : index
    %get3A_709 = arith.constant 79 : index
    %get3A_710 = arith.constant 0 : index
    %get3A_711 = vector.load %arg1[%get3A_708, %get3A_709, %get3A_710] : memref<128x104x128xf32, #tpu.memory_space<vmem>>, vector<128x1x128xf32>
    %get3A_712 = vector.shape_cast %get3A_711 : vector<128x1x128xf32> to vector<128x128xf32>
    %transpose3A_713 = tpu.transpose %get3A_712, [1, 0] : vector<128x128xf32> -> vector<128x128xf32>
    %swap3A_714 = arith.constant 10112 : index
    %swap3A_715 = arith.constant 0 : index
    %swap3A_716 = vector.load %arg2[%swap3A_714, %swap3A_715] : memref<13312x128xf32, #tpu.memory_space<vmem>>, vector<128x128xf32>
    tpu.vector_store %arg2[%swap3A_714, %swap3A_715], %transpose3A_713 {strides = array<i32>} : memref<13312x128xf32, #tpu.memory_space<vmem>>, vector<128x128xf32>,
    %get3A_717 = arith.constant 0 : index
    %get3A_718 = arith.constant 80 : index
    %get3A_719 = arith.constant 0 : index
    %get3A_720 = vector.load %arg1[%get3A_717, %get3A_718, %get3A_719] : memref<128x104x128xf32, #tpu.memory_space<vmem>>, vector<128x1x128xf32>
    %get3A_721 = vector.shape_cast %get3A_720 : vector<128x1x128xf32> to vector<128x128xf32>
    %transpose3A_722 = tpu.transpose %get3A_721, [1, 0] : vector<128x128xf32> -> vector<128x128xf32>
    %swap3A_723 = arith.constant 10240 : index
    %swap3A_724 = arith.constant 0 : index
    %swap3A_725 = vector.load %arg2[%swap3A_723, %swap3A_724] : memref<13312x128xf32, #tpu.memory_space<vmem>>, vector<128x128xf32>
    tpu.vector_store %arg2[%swap3A_723, %swap3A_724], %transpose3A_722 {strides = array<i32>} : memref<13312x128xf32, #tpu.memory_space<vmem>>, vector<128x128xf32>,
    %get3A_726 = arith.constant 0 : index
    %get3A_727 = arith.constant 81 : index
    %get3A_728 = arith.constant 0 : index
    %get3A_729 = vector.load %arg1[%get3A_726, %get3A_727, %get3A_728] : memref<128x104x128xf32, #tpu.memory_space<vmem>>, vector<128x1x128xf32>
    %get3A_730 = vector.shape_cast %get3A_729 : vector<128x1x128xf32> to vector<128x128xf32>
    %transpose3A_731 = tpu.transpose %get3A_730, [1, 0] : vector<128x128xf32> -> vector<128x128xf32>
    %swap3A_732 = arith.constant 10368 : index
    %swap3A_733 = arith.constant 0 : index
    %swap3A_734 = vector.load %arg2[%swap3A_732, %swap3A_733] : memref<13312x128xf32, #tpu.memory_space<vmem>>, vector<128x128xf32>
    tpu.vector_store %arg2[%swap3A_732, %swap3A_733], %transpose3A_731 {strides = array<i32>} : memref<13312x128xf32, #tpu.memory_space<vmem>>, vector<128x128xf32>,
    %get3A_735 = arith.constant 0 : index
    %get3A_736 = arith.constant 82 : index
    %get3A_737 = arith.constant 0 : index
    %get3A_738 = vector.load %arg1[%get3A_735, %get3A_736, %get3A_737] : memref<128x104x128xf32, #tpu.memory_space<vmem>>, vector<128x1x128xf32>
    %get3A_739 = vector.shape_cast %get3A_738 : vector<128x1x128xf32> to vector<128x128xf32>
    %transpose3A_740 = tpu.transpose %get3A_739, [1, 0] : vector<128x128xf32> -> vector<128x128xf32>
    %swap3A_741 = arith.constant 10496 : index
    %swap3A_742 = arith.constant 0 : index
    %swap3A_743 = vector.load %arg2[%swap3A_741, %swap3A_742] : memref<13312x128xf32, #tpu.memory_space<vmem>>, vector<128x128xf32>
    tpu.vector_store %arg2[%swap3A_741, %swap3A_742], %transpose3A_740 {strides = array<i32>} : memref<13312x128xf32, #tpu.memory_space<vmem>>, vector<128x128xf32>,
    %get3A_744 = arith.constant 0 : index
    %get3A_745 = arith.constant 83 : index
    %get3A_746 = arith.constant 0 : index
    %get3A_747 = vector.load %arg1[%get3A_744, %get3A_745, %get3A_746] : memref<128x104x128xf32, #tpu.memory_space<vmem>>, vector<128x1x128xf32>
    %get3A_748 = vector.shape_cast %get3A_747 : vector<128x1x128xf32> to vector<128x128xf32>
    %transpose3A_749 = tpu.transpose %get3A_748, [1, 0] : vector<128x128xf32> -> vector<128x128xf32>
    %swap3A_750 = arith.constant 10624 : index
    %swap3A_751 = arith.constant 0 : index
    %swap3A_752 = vector.load %arg2[%swap3A_750, %swap3A_751] : memref<13312x128xf32, #tpu.memory_space<vmem>>, vector<128x128xf32>
    tpu.vector_store %arg2[%swap3A_750, %swap3A_751], %transpose3A_749 {strides = array<i32>} : memref<13312x128xf32, #tpu.memory_space<vmem>>, vector<128x128xf32>,
    %get3A_753 = arith.constant 0 : index
    %get3A_754 = arith.constant 84 : index
    %get3A_755 = arith.constant 0 : index
    %get3A_756 = vector.load %arg1[%get3A_753, %get3A_754, %get3A_755] : memref<128x104x128xf32, #tpu.memory_space<vmem>>, vector<128x1x128xf32>
    %get3A_757 = vector.shape_cast %get3A_756 : vector<128x1x128xf32> to vector<128x128xf32>
    %transpose3A_758 = tpu.transpose %get3A_757, [1, 0] : vector<128x128xf32> -> vector<128x128xf32>
    %swap3A_759 = arith.constant 10752 : index
    %swap3A_760 = arith.constant 0 : index
    %swap3A_761 = vector.load %arg2[%swap3A_759, %swap3A_760] : memref<13312x128xf32, #tpu.memory_space<vmem>>, vector<128x128xf32>
    tpu.vector_store %arg2[%swap3A_759, %swap3A_760], %transpose3A_758 {strides = array<i32>} : memref<13312x128xf32, #tpu.memory_space<vmem>>, vector<128x128xf32>,
    %get3A_762 = arith.constant 0 : index
    %get3A_763 = arith.constant 85 : index
    %get3A_764 = arith.constant 0 : index
    %get3A_765 = vector.load %arg1[%get3A_762, %get3A_763, %get3A_764] : memref<128x104x128xf32, #tpu.memory_space<vmem>>, vector<128x1x128xf32>
    %get3A_766 = vector.shape_cast %get3A_765 : vector<128x1x128xf32> to vector<128x128xf32>
    %transpose3A_767 = tpu.transpose %get3A_766, [1, 0] : vector<128x128xf32> -> vector<128x128xf32>
    %swap3A_768 = arith.constant 10880 : index
    %swap3A_769 = arith.constant 0 : index
    %swap3A_770 = vector.load %arg2[%swap3A_768, %swap3A_769] : memref<13312x128xf32, #tpu.memory_space<vmem>>, vector<128x128xf32>
    tpu.vector_store %arg2[%swap3A_768, %swap3A_769], %transpose3A_767 {strides = array<i32>} : memref<13312x128xf32, #tpu.memory_space<vmem>>, vector<128x128xf32>,
    %get3A_771 = arith.constant 0 : index
    %get3A_772 = arith.constant 86 : index
    %get3A_773 = arith.constant 0 : index
    %get3A_774 = vector.load %arg1[%get3A_771, %get3A_772, %get3A_773] : memref<128x104x128xf32, #tpu.memory_space<vmem>>, vector<128x1x128xf32>
    %get3A_775 = vector.shape_cast %get3A_774 : vector<128x1x128xf32> to vector<128x128xf32>
    %transpose3A_776 = tpu.transpose %get3A_775, [1, 0] : vector<128x128xf32> -> vector<128x128xf32>
    %swap3A_777 = arith.constant 11008 : index
    %swap3A_778 = arith.constant 0 : index
    %swap3A_779 = vector.load %arg2[%swap3A_777, %swap3A_778] : memref<13312x128xf32, #tpu.memory_space<vmem>>, vector<128x128xf32>
    tpu.vector_store %arg2[%swap3A_777, %swap3A_778], %transpose3A_776 {strides = array<i32>} : memref<13312x128xf32, #tpu.memory_space<vmem>>, vector<128x128xf32>,
    %get3A_780 = arith.constant 0 : index
    %get3A_781 = arith.constant 87 : index
    %get3A_782 = arith.constant 0 : index
    %get3A_783 = vector.load %arg1[%get3A_780, %get3A_781, %get3A_782] : memref<128x104x128xf32, #tpu.memory_space<vmem>>, vector<128x1x128xf32>
    %get3A_784 = vector.shape_cast %get3A_783 : vector<128x1x128xf32> to vector<128x128xf32>
    %transpose3A_785 = tpu.transpose %get3A_784, [1, 0] : vector<128x128xf32> -> vector<128x128xf32>
    %swap3A_786 = arith.constant 11136 : index
    %swap3A_787 = arith.constant 0 : index
    %swap3A_788 = vector.load %arg2[%swap3A_786, %swap3A_787] : memref<13312x128xf32, #tpu.memory_space<vmem>>, vector<128x128xf32>
    tpu.vector_store %arg2[%swap3A_786, %swap3A_787], %transpose3A_785 {strides = array<i32>} : memref<13312x128xf32, #tpu.memory_space<vmem>>, vector<128x128xf32>,
    %get3A_789 = arith.constant 0 : index
    %get3A_790 = arith.constant 88 : index
    %get3A_791 = arith.constant 0 : index
    %get3A_792 = vector.load %arg1[%get3A_789, %get3A_790, %get3A_791] : memref<128x104x128xf32, #tpu.memory_space<vmem>>, vector<128x1x128xf32>
    %get3A_793 = vector.shape_cast %get3A_792 : vector<128x1x128xf32> to vector<128x128xf32>
    %transpose3A_794 = tpu.transpose %get3A_793, [1, 0] : vector<128x128xf32> -> vector<128x128xf32>
    %swap3A_795 = arith.constant 11264 : index
    %swap3A_796 = arith.constant 0 : index
    %swap3A_797 = vector.load %arg2[%swap3A_795, %swap3A_796] : memref<13312x128xf32, #tpu.memory_space<vmem>>, vector<128x128xf32>
    tpu.vector_store %arg2[%swap3A_795, %swap3A_796], %transpose3A_794 {strides = array<i32>} : memref<13312x128xf32, #tpu.memory_space<vmem>>, vector<128x128xf32>,
    %get3A_798 = arith.constant 0 : index
    %get3A_799 = arith.constant 89 : index
    %get3A_800 = arith.constant 0 : index
    %get3A_801 = vector.load %arg1[%get3A_798, %get3A_799, %get3A_800] : memref<128x104x128xf32, #tpu.memory_space<vmem>>, vector<128x1x128xf32>
    %get3A_802 = vector.shape_cast %get3A_801 : vector<128x1x128xf32> to vector<128x128xf32>
    %transpose3A_803 = tpu.transpose %get3A_802, [1, 0] : vector<128x128xf32> -> vector<128x128xf32>
    %swap3A_804 = arith.constant 11392 : index
    %swap3A_805 = arith.constant 0 : index
    %swap3A_806 = vector.load %arg2[%swap3A_804, %swap3A_805] : memref<13312x128xf32, #tpu.memory_space<vmem>>, vector<128x128xf32>
    tpu.vector_store %arg2[%swap3A_804, %swap3A_805], %transpose3A_803 {strides = array<i32>} : memref<13312x128xf32, #tpu.memory_space<vmem>>, vector<128x128xf32>,
    %get3A_807 = arith.constant 0 : index
    %get3A_808 = arith.constant 90 : index
    %get3A_809 = arith.constant 0 : index
    %get3A_810 = vector.load %arg1[%get3A_807, %get3A_808, %get3A_809] : memref<128x104x128xf32, #tpu.memory_space<vmem>>, vector<128x1x128xf32>
    %get3A_811 = vector.shape_cast %get3A_810 : vector<128x1x128xf32> to vector<128x128xf32>
    %transpose3A_812 = tpu.transpose %get3A_811, [1, 0] : vector<128x128xf32> -> vector<128x128xf32>
    %swap3A_813 = arith.constant 11520 : index
    %swap3A_814 = arith.constant 0 : index
    %swap3A_815 = vector.load %arg2[%swap3A_813, %swap3A_814] : memref<13312x128xf32, #tpu.memory_space<vmem>>, vector<128x128xf32>
    tpu.vector_store %arg2[%swap3A_813, %swap3A_814], %transpose3A_812 {strides = array<i32>} : memref<13312x128xf32, #tpu.memory_space<vmem>>, vector<128x128xf32>,
    %get3A_816 = arith.constant 0 : index
    %get3A_817 = arith.constant 91 : index
    %get3A_818 = arith.constant 0 : index
    %get3A_819 = vector.load %arg1[%get3A_816, %get3A_817, %get3A_818] : memref<128x104x128xf32, #tpu.memory_space<vmem>>, vector<128x1x128xf32>
    %get3A_820 = vector.shape_cast %get3A_819 : vector<128x1x128xf32> to vector<128x128xf32>
    %transpose3A_821 = tpu.transpose %get3A_820, [1, 0] : vector<128x128xf32> -> vector<128x128xf32>
    %swap3A_822 = arith.constant 11648 : index
    %swap3A_823 = arith.constant 0 : index
    %swap3A_824 = vector.load %arg2[%swap3A_822, %swap3A_823] : memref<13312x128xf32, #tpu.memory_space<vmem>>, vector<128x128xf32>
    tpu.vector_store %arg2[%swap3A_822, %swap3A_823], %transpose3A_821 {strides = array<i32>} : memref<13312x128xf32, #tpu.memory_space<vmem>>, vector<128x128xf32>,
    %get3A_825 = arith.constant 0 : index
    %get3A_826 = arith.constant 92 : index
    %get3A_827 = arith.constant 0 : index
    %get3A_828 = vector.load %arg1[%get3A_825, %get3A_826, %get3A_827] : memref<128x104x128xf32, #tpu.memory_space<vmem>>, vector<128x1x128xf32>
    %get3A_829 = vector.shape_cast %get3A_828 : vector<128x1x128xf32> to vector<128x128xf32>
    %transpose3A_830 = tpu.transpose %get3A_829, [1, 0] : vector<128x128xf32> -> vector<128x128xf32>
    %swap3A_831 = arith.constant 11776 : index
    %swap3A_832 = arith.constant 0 : index
    %swap3A_833 = vector.load %arg2[%swap3A_831, %swap3A_832] : memref<13312x128xf32, #tpu.memory_space<vmem>>, vector<128x128xf32>
    tpu.vector_store %arg2[%swap3A_831, %swap3A_832], %transpose3A_830 {strides = array<i32>} : memref<13312x128xf32, #tpu.memory_space<vmem>>, vector<128x128xf32>,
    %get3A_834 = arith.constant 0 : index
    %get3A_835 = arith.constant 93 : index
    %get3A_836 = arith.constant 0 : index
    %get3A_837 = vector.load %arg1[%get3A_834, %get3A_835, %get3A_836] : memref<128x104x128xf32, #tpu.memory_space<vmem>>, vector<128x1x128xf32>
    %get3A_838 = vector.shape_cast %get3A_837 : vector<128x1x128xf32> to vector<128x128xf32>
    %transpose3A_839 = tpu.transpose %get3A_838, [1, 0] : vector<128x128xf32> -> vector<128x128xf32>
    %swap3A_840 = arith.constant 11904 : index
    %swap3A_841 = arith.constant 0 : index
    %swap3A_842 = vector.load %arg2[%swap3A_840, %swap3A_841] : memref<13312x128xf32, #tpu.memory_space<vmem>>, vector<128x128xf32>
    tpu.vector_store %arg2[%swap3A_840, %swap3A_841], %transpose3A_839 {strides = array<i32>} : memref<13312x128xf32, #tpu.memory_space<vmem>>, vector<128x128xf32>,
    %get3A_843 = arith.constant 0 : index
    %get3A_844 = arith.constant 94 : index
    %get3A_845 = arith.constant 0 : index
    %get3A_846 = vector.load %arg1[%get3A_843, %get3A_844, %get3A_845] : memref<128x104x128xf32, #tpu.memory_space<vmem>>, vector<128x1x128xf32>
    %get3A_847 = vector.shape_cast %get3A_846 : vector<128x1x128xf32> to vector<128x128xf32>
    %transpose3A_848 = tpu.transpose %get3A_847, [1, 0] : vector<128x128xf32> -> vector<128x128xf32>
    %swap3A_849 = arith.constant 12032 : index
    %swap3A_850 = arith.constant 0 : index
    %swap3A_851 = vector.load %arg2[%swap3A_849, %swap3A_850] : memref<13312x128xf32, #tpu.memory_space<vmem>>, vector<128x128xf32>
    tpu.vector_store %arg2[%swap3A_849, %swap3A_850], %transpose3A_848 {strides = array<i32>} : memref<13312x128xf32, #tpu.memory_space<vmem>>, vector<128x128xf32>,
    %get3A_852 = arith.constant 0 : index
    %get3A_853 = arith.constant 95 : index
    %get3A_854 = arith.constant 0 : index
    %get3A_855 = vector.load %arg1[%get3A_852, %get3A_853, %get3A_854] : memref<128x104x128xf32, #tpu.memory_space<vmem>>, vector<128x1x128xf32>
    %get3A_856 = vector.shape_cast %get3A_855 : vector<128x1x128xf32> to vector<128x128xf32>
    %transpose3A_857 = tpu.transpose %get3A_856, [1, 0] : vector<128x128xf32> -> vector<128x128xf32>
    %swap3A_858 = arith.constant 12160 : index
    %swap3A_859 = arith.constant 0 : index
    %swap3A_860 = vector.load %arg2[%swap3A_858, %swap3A_859] : memref<13312x128xf32, #tpu.memory_space<vmem>>, vector<128x128xf32>
    tpu.vector_store %arg2[%swap3A_858, %swap3A_859], %transpose3A_857 {strides = array<i32>} : memref<13312x128xf32, #tpu.memory_space<vmem>>, vector<128x128xf32>,
    %get3A_861 = arith.constant 0 : index
    %get3A_862 = arith.constant 96 : index
    %get3A_863 = arith.constant 0 : index
    %get3A_864 = vector.load %arg1[%get3A_861, %get3A_862, %get3A_863] : memref<128x104x128xf32, #tpu.memory_space<vmem>>, vector<128x1x128xf32>
    %get3A_865 = vector.shape_cast %get3A_864 : vector<128x1x128xf32> to vector<128x128xf32>
    %transpose3A_866 = tpu.transpose %get3A_865, [1, 0] : vector<128x128xf32> -> vector<128x128xf32>
    %swap3A_867 = arith.constant 12288 : index
    %swap3A_868 = arith.constant 0 : index
    %swap3A_869 = vector.load %arg2[%swap3A_867, %swap3A_868] : memref<13312x128xf32, #tpu.memory_space<vmem>>, vector<128x128xf32>
    tpu.vector_store %arg2[%swap3A_867, %swap3A_868], %transpose3A_866 {strides = array<i32>} : memref<13312x128xf32, #tpu.memory_space<vmem>>, vector<128x128xf32>,
    %get3A_870 = arith.constant 0 : index
    %get3A_871 = arith.constant 97 : index
    %get3A_872 = arith.constant 0 : index
    %get3A_873 = vector.load %arg1[%get3A_870, %get3A_871, %get3A_872] : memref<128x104x128xf32, #tpu.memory_space<vmem>>, vector<128x1x128xf32>
    %get3A_874 = vector.shape_cast %get3A_873 : vector<128x1x128xf32> to vector<128x128xf32>
    %transpose3A_875 = tpu.transpose %get3A_874, [1, 0] : vector<128x128xf32> -> vector<128x128xf32>
    %swap3A_876 = arith.constant 12416 : index
    %swap3A_877 = arith.constant 0 : index
    %swap3A_878 = vector.load %arg2[%swap3A_876, %swap3A_877] : memref<13312x128xf32, #tpu.memory_space<vmem>>, vector<128x128xf32>
    tpu.vector_store %arg2[%swap3A_876, %swap3A_877], %transpose3A_875 {strides = array<i32>} : memref<13312x128xf32, #tpu.memory_space<vmem>>, vector<128x128xf32>,
    %get3A_879 = arith.constant 0 : index
    %get3A_880 = arith.constant 98 : index
    %get3A_881 = arith.constant 0 : index
    %get3A_882 = vector.load %arg1[%get3A_879, %get3A_880, %get3A_881] : memref<128x104x128xf32, #tpu.memory_space<vmem>>, vector<128x1x128xf32>
    %get3A_883 = vector.shape_cast %get3A_882 : vector<128x1x128xf32> to vector<128x128xf32>
    %transpose3A_884 = tpu.transpose %get3A_883, [1, 0] : vector<128x128xf32> -> vector<128x128xf32>
    %swap3A_885 = arith.constant 12544 : index
    %swap3A_886 = arith.constant 0 : index
    %swap3A_887 = vector.load %arg2[%swap3A_885, %swap3A_886] : memref<13312x128xf32, #tpu.memory_space<vmem>>, vector<128x128xf32>
    tpu.vector_store %arg2[%swap3A_885, %swap3A_886], %transpose3A_884 {strides = array<i32>} : memref<13312x128xf32, #tpu.memory_space<vmem>>, vector<128x128xf32>,
    %get3A_888 = arith.constant 0 : index
    %get3A_889 = arith.constant 99 : index
    %get3A_890 = arith.constant 0 : index
    %get3A_891 = vector.load %arg1[%get3A_888, %get3A_889, %get3A_890] : memref<128x104x128xf32, #tpu.memory_space<vmem>>, vector<128x1x128xf32>
    %get3A_892 = vector.shape_cast %get3A_891 : vector<128x1x128xf32> to vector<128x128xf32>
    %transpose3A_893 = tpu.transpose %get3A_892, [1, 0] : vector<128x128xf32> -> vector<128x128xf32>
    %swap3A_894 = arith.constant 12672 : index
    %swap3A_895 = arith.constant 0 : index
    %swap3A_896 = vector.load %arg2[%swap3A_894, %swap3A_895] : memref<13312x128xf32, #tpu.memory_space<vmem>>, vector<128x128xf32>
    tpu.vector_store %arg2[%swap3A_894, %swap3A_895], %transpose3A_893 {strides = array<i32>} : memref<13312x128xf32, #tpu.memory_space<vmem>>, vector<128x128xf32>,
    return
  }
  func.func @transform_0(%arg0: i32) -> (i32, i32, i32) {
    %c0_i32 = arith.constant 0 : i32
    %c0_i32_0 = arith.constant 0 : i32
    %c0_i32_1 = arith.constant 0 : i32
    return %arg0, %c0_i32, %c0_i32_0 : i32, i32, i32
  }
  func.func @transform_1(%arg0: i32) -> (i32, i32) {
    %c0_i32 = arith.constant 0 : i32
    %c0_i32_0 = arith.constant 0 : i32
    return %c0_i32, %arg0 : i32, i32
  }
}

</mosaic_0001>

<sc_bundles>
// kernel: kernel.4.cloned.1.call-start
scs
__scs_entry_jumppad:
0x0: {  	(pc) =	sbr.rel $0x88, $3  }
0x1: {  	(tag) =	ssettag $0x0;
	lr =	simm.s32 $0x1  }
0x2: {  	[smem:$0x3F9E] =	sst lr;
	_ =	strace $0xD0000000  }
0x3: {  	_ = 	snop  }
0x4: {  	_ = 	snop  }
0x5: {  	_ = 	snop  }
0x6: {  	_ = 	snop  }
0x7: {  	_ = 	snop  }
__scs_overlays_trampoline_lowered:
0x8: {  	[smem:$0x3FAD] =	sst s0  }
0x9: {  	[smem:$0x3FAE] =	sst s1  }
0xa: {  	[smem:$0x3FAF] =	sst s2  }
0xb: {  	[smem:$0x3FB0] =	sst s3  }
0xc: {  	[smem:$0x3FB1] =	sst s4  }
0xd: {  	[smem:$0x3FB2] =	sst s5  }
0xe: {  	[smem:$0x3FB3] =	sst s6  }
0xf: {  	[smem:$0x3FB4] =	sst s7  }
0x10: {  	[smem:$0x3FB5] =	sst s8  }
0x11: {  	[smem:$0x3FB6] =	sst s9;
	s0 =	simm.s32 @!p0 $0x0  }
0x12: {  	s1 =	sld [smem:$0x3F9C];
	s0 =	simm.s32 @p0 $0x1  }
0x13: {  	[smem:$0x3FB7] =	sst s0;
	s0 =	simm.s32 @!p1 $0x0  }
0x14: {  	s2 =	sld [smem:$0x3F9B];
	s0 =	simm.s32 @p1 $0x1  }
0x15: {  	[smem:$0x3FB8] =	sst s0;
	s0 =	simm.s32 @!p2 $0x0  }
0x16: {  	s3 =	sld [smem:$0x3FDB];
	s0 =	simm.s32 @p2 $0x1  }
0x17: {  	s4 =	simm.s32 $0x1BF5;
	[smem:$0x3FBA] =	sst s0  }
0x18: {  	s0 =	sld [smem:$0x3F9D];
	_ =	swait.ge [sflag:s4], $0x0  }
0x19: {  	s7 =	sld [smem:$0x3F9E]  }
0x1a: {  	s8 =	sadd.s32 $0xFFFFE003, lr  }
0x1b: {  	s9 =	sadd.s32 $0xFFFFFEF7, lr;
	s5 =	simm.s32 $0xFFFFFFFF;
	p2 =	slt.u32 s8, $0xFFFFF086  }
0x1c: {  	p1 =	slt.u32 s9, $0xF7A;
	s5 =	simm.s32 @!p2 $0x0  }
0x1d: {  	s5 =	simm.s32 @p1 $0x1;
	p0 =	seq.s32 s7, s2  }
0x1e: {  	s7 =	smul.u32 @!p0 $0xF7A, s2;
	p2 =	seq.s32 @!p0 s5, $0x0  }
0x1f: {  	s9 =	smul.u32 $0xF7A, s1;
	s8 =	simm.s32 @!p0 $0x1BF5;
	p2 =	por !p2, p0  }
0x20: {  	[sflag:s8] =	ssyncset.s32 @!p0 $0xFFFFF086;
	s6 =	sadd.s32 @!p0 s3, s7;
	s7 =	simm.s32 @!p0 $0x108  }
0x21: {  	s3 =	sadd.s32 s3, s9;
	s6 =	sadd.s32 @!p0 $0x88, s6;
	s7 =	simm.s32 @p2 $0x1082  }
0x22: {  	[simem:s7], [sflag:s8] =	dma.local @!p0 [hbm:s6], $0xF7A  }
0x23: {  	s9 =	sor.u32 $0xD0000000, s2;
	s6 =	simm.s32 $0x108;
	_ =	swait.ge @!p0 [sflag:s8], $0x0  }
0x24: {  	s3 =	sadd.s32 $0x88, s3;
	s6 =	simm.s32 @!p1 $0x1082;
	[sflag:s4] =	ssyncset.s32 $0xFFFFF086  }
0x25: {  	[simem:s6], [sflag:s4] =	dma.local [hbm:s3], $0xF7A  }
0x26: {  	[smem:$0x3F9E] =	sst s1;
	(tag) =	ssettag s2;
	_ =	strace s9  }
0x27: {  	s1 =	sld [smem:$0x3FAE]  }
0x28: {  	s2 =	sld [smem:$0x3FAF]  }
0x29: {  	s4 =	sld [smem:$0x3FB1]  }
0x2a: {  	p0 =	seq.s32 s5, $0x0;
	s5 =	sld [smem:$0x3FB2]  }
0x2b: {  	s6 =	sld [smem:$0x3FB3]  }
0x2c: {  	s7 =	sld [smem:$0x3FB4]  }
0x2d: {  	s3 =	simm.s32 $0x108;
	s8 =	sld [smem:$0x3FB5]  }
0x2e: {  	s3 =	simm.s32 @!p0 $0x1082;
	s9 =	sld [smem:$0x3FB6]  }
0x2f: {  	lr =	sadd.s32 s0, s3;
	s0 =	sld [smem:$0x3FAD]  }
0x30: {  	s3 =	sld [smem:$0x3FB0]  }
0x31: {  	[smem:$0x3FB9] =	sst s10  }
0x32: {  	s10 =	sld [smem:$0x3FB7];
	_ =	sdelay $0x3  }
0x33: {  	p0 =	seq.s32 s10, $0x1;
	s10 =	sld [smem:$0x3FB9];
	_ =	sdelay $0x3  }
0x34: {  	[smem:$0x3FB9] =	sst s10  }
0x35: {  	s10 =	sld [smem:$0x3FB8];
	_ =	sdelay $0x3  }
0x36: {  	p1 =	seq.s32 s10, $0x1;
	s10 =	sld [smem:$0x3FB9];
	_ =	sdelay $0x3  }
0x37: {  	[smem:$0x3FB9] =	sst s10  }
0x38: {  	s10 =	sld [smem:$0x3FBA]  }
0x39: {  	_ = 	snop;
	(pc) =	sbr.ind lr, $3  }
0x3a: {  	_ = 	snop  }
0x3b: {  	_ = 	snop  }
0x3c: {  	p2 =	seq.s32 s10, $0x1;
	s10 =	sld [smem:$0x3FB9]  }
0x3d: {  	_ =	shalt  }
0x3e: {  	_ =	shalt  }
0x3f: {  	_ =	shalt  }
0x40: {  	_ =	shalt  }
0x41: {  	_ =	shalt  }
0x42: {  	_ =	shalt  }
0x43: {  	_ =	shalt  }
0x44: {  	_ =	shalt  }
0x45: {  	_ =	shalt  }
0x46: {  	_ =	shalt  }
0x47: {  	_ =	shalt  }
0x48: {  	_ =	shalt  }
0x49: {  	_ =	shalt  }
0x4a: {  	_ =	shalt  }
0x4b: {  	_ =	shalt  }
0x4c: {  	_ =	shalt  }
0x4d: {  	_ =	shalt  }
0x4e: {  	_ =	shalt  }
0x4f: {  	_ =	shalt  }
0x50: {  	_ =	shalt  }
0x51: {  	_ =	shalt  }
0x52: {  	_ =	shalt  }
0x53: {  	_ =	shalt  }
0x54: {  	_ =	shalt  }
0x55: {  	_ =	shalt  }
0x56: {  	_ =	shalt  }
0x57: {  	_ =	shalt  }
0x58: {  	_ =	shalt  }
0x59: {  	_ =	shalt  }
0x5a: {  	_ =	shalt  }
0x5b: {  	_ =	shalt  }
0x5c: {  	_ =	shalt  }
0x5d: {  	_ =	shalt  }
0x5e: {  	_ =	shalt  }
0x5f: {  	_ =	shalt  }
0x60: {  	_ =	shalt  }
0x61: {  	_ =	shalt  }
0x62: {  	_ =	shalt  }
0x63: {  	_ =	shalt  }
0x64: {  	_ =	shalt  }
0x65: {  	_ =	shalt  }
0x66: {  	_ =	shalt  }
0x67: {  	_ =	shalt  }
0x68: {  	_ =	shalt  }
0x69: {  	_ =	shalt  }
0x6a: {  	_ =	shalt  }
0x6b: {  	_ =	shalt  }
0x6c: {  	_ =	shalt  }
0x6d: {  	_ =	shalt  }
0x6e: {  	_ =	shalt  }
0x6f: {  	_ =	shalt  }
0x70: {  	_ =	shalt  }
0x71: {  	_ =	shalt  }
0x72: {  	_ =	shalt  }
0x73: {  	_ =	shalt  }
0x74: {  	_ =	shalt  }
0x75: {  	_ =	shalt  }
0x76: {  	_ =	shalt  }
0x77: {  	_ =	shalt  }
0x78: {  	_ =	shalt  }
0x79: {  	_ =	shalt  }
0x7a: {  	_ =	shalt  }
0x7b: {  	_ =	shalt  }
0x7c: {  	_ =	shalt  }
0x7d: {  	_ =	shalt  }
0x7e: {  	_ =	shalt  }
0x7f: {  	_ =	shalt  }
0x80: {  	_ =	shalt  }
0x81: {  	_ =	shalt  }
0x82: {  	_ =	shalt  }
0x83: {  	_ =	shalt  }
0x84: {  	_ =	shalt  }
0x85: {  	_ =	shalt  }
0x86: {  	_ =	shalt  }
0x87: {  	_ =	shalt  }
.Lfunc_end0:
.L_simem_size_0:
called_computation_lowered:
.L_overlay_start_0:
0x88: {  	s2 =	sld [smem:$0x3FD9]  }
0x89: {  	s3 =	sld [smem:$0x3FFE];
	_ =	sdelay $0x1  }
0x8a: {  	s1 =	srdreg.scid  }
0x8b: {  	s0 =	sand.u32 $0x1, s1  }
0x8c: {  	s16 =	sshll.u32 s0, $0xA;
	s2 =	sadd.s32 s3, s2  }
0x8d: {  	s2 =	sadd.s32 s2, s16  }
0x8e: {  	[smem:$0x3FC5] =	sst s2  }
0x8f: {  	_ = 	snop  }
0x90: {  	(tm) =	ssettm $0x1  }
0x91: {  	s17 =	sld [smem:$0x3FFB];
	_ =	sdelay $0x3  }
0x92: {  	_ =	strace s17  }
0x93: {  	s2 =	sld [smem:$0x3FFC];
	_ =	sdelay $0x3  }
0x94: {  	_ =	strace s2  }
0x95: {  	s2 =	sld [smem:$0x3FFD];
	_ =	sdelay $0x3  }
0x96: {  	_ =	strace s2  }
0x97: {  	_ =	strace $0x8FFFFFFF  }
0x98: {  	s18 =	sld [smem:$0x3FDB];
	_ =	sdelay $0x1  }
0x99: {  	s19 =	simm.s32 $_scs_section_size  }
0x9a: {  	s4 =	simm.s32 $_size__tile_overlayer_lowered;
	s5 =	simm.s32 $_tile_overlayer_lowered  }
0x9b: {  	s22 =	simm.s32 $0x1BFF;
	s21 =	sshll.u32 s5, $0x1;
	s2 =	sadd.s32 s19, s18  }
0x9c: {  	s6 =	simm.s32 $0x0;
	s20 =	sshll.u32 s4, $0x1;
	s4 =	sadd.s32 s21, s2  }
0x9d: {  	[timem:s6], [sflag:s22] =	dma.local [hbm:s4], s20  }
0x9e: {  	_ =	swait.ge [sflag:s22], s20  }
0x9f: {  	s3 =	ssub.s32 $0x0, s20;
	[sflag:s22] =	ssyncset.done $0x0  }
0xa0: {  	[sflag:s22] =	ssyncadd.s32 s3;
	_ =	sdelay $0x1  }
0xa1: {  	s23 =	simm.s32 $0x1B8B  }
0xa2: {  	_ =	swait.ge [sflag:s23], $0x1  }
0xa3: {  	[sflag:s23] =	ssyncset.done $0x0  }
0xa4: {  	s25 =	simm.s32 $0x1B8E;
	s24 =	sld [smem:$0x3FFE];
	[sflag:s23] =	ssyncadd.s32 $0xFFFFFFFF  }
0xa5: {  	s26 =	simm.s32 $execute0_lowered;
	[smem:$0x3FD2] =	sst s25  }
0xa6: {  	s4 =	sshll.u32 s26, $0x1;
	_ =	strace $0x80000046;
	[dreg:$0x1] =	wrdreg $0xFFFFFFFF  }
0xa7: {  	s28 =	simm.s32 $_size_execute0_lowered;
	s2 =	sadd.s32 s2, s4;
	[dreg:$0x0] =	wrdreg $0x0  }
0xa8: {  	s4 =	sshll.u32 s28, $0x1;
	[dreg:$0x2] =	wrdreg s2  }
0xa9: {  	[dreg:$0x3] =	wrdreg s4  }
0xaa: {  	[dreg:$0x4] =	wrdreg $0xC0  }
0xab: {  	_ =	task [dreg:s6], $0x5FFFF  }
0xac: {  	[dreg:$0x1] =	wrdreg $0xFFFFFFFF  }
0xad: {  	[dreg:$0x0] =	wrdreg $0x60  }
0xae: {  	[dreg:$0x2] =	wrdreg s24  }
0xaf: {  	[dreg:$0x3] =	wrdreg $0x9  }
0xb0: {  	_ =	task.clear_ibuf [dreg:s6], $0x4FFFF;
	_ =	strace $0x90000046  }
0xb1: {  	s29 =	simm.s32 $0x9;
	_ =	strace $0x80000048  }
0xb2: {  	_ =	swait.ge [sflag:s29], $0x1  }
0xb3: {  	[sflag:s29] =	ssyncadd.s32 $0xFFFFFFFF  }
0xb4: {  	_ =	strace $0x90000048  }
0xb5: {  	_ =	sfence  }
0xb6: {  	s30 =	sld [smem:$0x0];
	_ =	sdelay $0x2  }
0xb7: {  	s31 =	sshll.u32 s1, $0xD;
	s1 =	sshrl.u32 s1, $0x2  }
0xb8: {  	s3 =	sand.u32 $0x4000, s31;
	s1 =	sadd.s32 s1, s30  }
0xb9: {  	s0 =	sor.u32 s3, s0;
	s1 =	sshll.u32 s1, $0x11  }
0xba: {  	s0 =	sor.u32 s1, s0  }
0xbb: {  	s0 =	sadd.s32 $0x8F2B, s0  }
0xbc: {  	[sflag:s0] =	ssyncadd.remote.s32 $0x1  }
0xbd: {  	_ =	sfence.sel $0xFFFF  }
0xbe: {  	[dreg:$0x0] =	wrdreg $0xFFFFFFFF;
	(pc) =	sbr.abs _section_cstart, $3  }
0xbf: {  	[dreg:$0x1] =	wrdreg $0xFFFFFFFF  }
0xc0: {  	_ =	task.clear_ibuf [dreg:s6], $0x2FFFF;
	_ =	strace $0x9FFFFFFF  }
0xc1: {  	(tm) =	ssettm $0x7FFFFFFF  }
tec
execute0_lowered:
.L_overlay_start_1:
0x0: {  	(tag) =	ssettag $0x1  }
0x1: {  	s0 =	srdreg.scid  }
0x2: {  	s2 =	stileid.u32;
	s1 =	rddreg [dreg:$0x0]  }
0x3: {  	s14 =	simm.s32 $0x5;
	s16 =	simm.s32 $0x64;
	s17 =	simm.s32 $0x4C00  }
0x4: {  	s19 =	simm.s32 $0x6500;
	s21 =	simm.s32 $0x7E00;
	s23 =	simm.s32 $0x9700  }
0x5: {  	s24 =	simm.s32 $0x1;
	s28 =	simm.s32 $0xB000;
	s29 =	simm.s32 $0x2  }
0x6: {  	s15 =	simm.s32 $0x4;
	s18 =	simm.s32 $0x0;
	s0 =	sand.u32 $0x1, s0  }
0x7: {  	s3 =	sshll.u32 s2, $0x6;
	s2 =	simm.s32 $0x0;
	s4 =	sshll.u32 s0, $0x5  }
0x8: {  	s5 =	sadd.s32 $0x400, s1;
	s0 =	ssub.s32 $0x2, s0;
	s3 =	sor.u32 s4, s3  }
0x9: {  	s6 =	sadd.s32 $0xCAA00, s1;
	s9 =	sshrl.u32 s0, $0x1;
	s4 =	smul.u32 $0x1A, s3  }
0xa: {  	[smem:$0x7FF] =	sst s2;
	s8 =	smul.u32 $0x680, s3;
	s0 =	ssub.s32 s0, s9  }
0xb: {  	_ =	strace $0x80000047;
	s10 =	smul.u32 $0x3400, s3;
	s13 =	smax.u32 s0, $0x1  }
0xc: {  	s0 =	simm.s32 $0x3;
	s7 =	sadd.s32 s4, s1;
	s4 =	sadd.s32 $0x7400, s1  }
0xd: {  	s8 =	sadd.s32 s6, s8;
	s31 =	sshrl.u32 s10, $0x3;
	s10 =	sor.u32 $0x1, s3  }
0xe: {  	s7 =	sadd.s32 $0xC00, s7;
	s9 =	sadd.s32 $0x680, s8;
	s1 =	sadd.s32 s6, s31  }
0xf: {  	s11 =	sadd.s32 $0xC300, s1;
	s12 =	sadd.s32 $0xC980, s1;
	s1 =	simm.s32 $0xE200  }
.LBB2_1:
0x10: {  	[tilespmem:s2], [sflag:$0x5] =	stream.linear.gather [hbm4b:s7+s2], $0x1A00, $0x38;
	[tilespmem:$0x11400] =	vst v63  }
0x11: {  	_ =	swait.ge [sflag:s14], $0x1A00  }
0x12: {  	[sflag:s14] =	ssyncset.done $0x0  }
0x13: {  	s20 =	simm.s32 $0x1A00;
	[sflag:s14] =	ssyncadd.s32 $0xFFFFE600  }
0x14: {  	[tilespmem:s20], [sflag:$0x5] =	stream.linear.gather [hbm4b:s5+s2], $0x3200, $0x38;
	[tilespmem:$0x11400] =	vst v63  }
0x15: {  	_ =	swait.ge [sflag:s14], $0x3200  }
0x16: {  	[sflag:s14] =	ssyncset.done $0x0  }
0x17: {  	[sflag:s14] =	ssyncadd.s32 $0xFFFFCE00  }
0x18: {  	[tilespmem:s17], [sflag:$0x1] =	stream.indirect.gather [hbm4b:s4+s16], $0x40, s2, s16, $0xb8;
	[tilespmem:$0x11400] =	vst v63  }
0x19: {  	s26 =	simm.s32 $0x68  }
0x1a: {  	[tilespmem:s19], [sflag:$0x1] =	stream.indirect.gather [hbm4b:s4+s16], $0x40, s26, s16, $0xb8;
	[tilespmem:$0x11400] =	vst v63  }
0x1b: {  	s30 =	simm.s32 $0xD0  }
0x1c: {  	[tilespmem:s21], [sflag:$0x2] =	stream.indirect.gather [hbm4b:s4+s16], $0x40, s30, s16, $0xb8;
	[tilespmem:$0x11400] =	vst v63  }
0x1d: {  	s31 =	simm.s32 $0x138  }
0x1e: {  	[tilespmem:s23], [sflag:$0x2] =	stream.indirect.gather [hbm4b:s4+s16], $0x40, s31, s16, $0xb8;
	[tilespmem:$0x11400] =	vst v63  }
0x1f: {  	_ =	swait.ge [sflag:s24], $0x1900  }
0x20: {  	[sflag:s24] =	ssyncset.done $0x0  }
0x21: {  	[sflag:s24] =	ssyncadd.s32 $0xFFFFE700  }
0x22: {  	_ =	swait.ge [sflag:s24], $0x1900  }
0x23: {  	[sflag:s24] =	ssyncset.done $0x0  }
0x24: {  	s20 =	simm.s32 $0x0;
	[sflag:s24] =	ssyncadd.s32 $0xFFFFE700  }
0x25: {  	v0 =	vld [tilespmem:s20+$0x4C70]  }
0x26: {  	v1 =	vld [tilespmem:s20+$0x1A70]  }
0x27: {  	v2 =	vld [tilespmem:s20+$0x4C00]  }
0x28: {  	v3 =	vld [tilespmem:s20+$0x1A00]  }
0x29: {  	v4 =	vld [tilespmem:s20+$0x4C40]  }
0x2a: {  	v5 =	vld [tilespmem:s20+$0x1A40]  }
0x2b: {  	v6 =	vld [tilespmem:s20+$0x4C10]  }
0x2c: {  	v7 =	vld [tilespmem:s20+$0x4C50]  }
0x2d: {  	v0 =	vadd.f32 v1, v0;
	v1 =	vld [tilespmem:s20+$0x1A10]  }
0x2e: {  	v8 =	vld [tilespmem:s20+$0x1A50]  }
0x2f: {  	v9 =	vld [tilespmem:s20+$0x1A20];
	v2 =	vadd.f32 v3, v2  }
0x30: {  	[tilespmem:s20+$0xB070] =	vst v0;
	v0 =	vadd.f32 v5, v4;
	v5 =	vld [tilespmem:s20+$0x4C20]  }
0x31: {  	v3 =	vld [tilespmem:s20+$0x1A60];
	[tilespmem:s20+$0xB000] =	vst v2  }
0x32: {  	v2 =	vld [tilespmem:s20+$0x4C60];
	[tilespmem:s20+$0xB040] =	vst v0;
	v0 =	vadd.f32 v1, v6  }
0x33: {  	v4 =	vld [tilespmem:s20+$0x1A30];
	v6 =	vadd.f32 v8, v7  }
0x34: {  	s22 =	simm.s32 $0x80;
	[tilespmem:s20+$0xB010] =	vst v0;
	v0 =	vld [tilespmem:s20+$0x4C30]  }
0x35: {  	s25 =	simm.s32 $0x400;
	v5 =	vadd.f32 v9, v5;
	v1 =	vld [tilespmem:s22+$0x4C70];
	[tilespmem:s20+$0xB050] =	vst v6  }
.LBB2_2:
0x36: {  	p0 =	sne.s32 s25, $0xC600;
	v6 =	vld [tilespmem:s22+$0x1A70]  }
0x37: {  	v7 =	vld [tilespmem:s22+$0x4C00];
	[tilespmem:s20+$0xB020] =	vst v5;
	v2 =	vadd.f32 v3, v2  }
0x38: {  	v3 =	vld [tilespmem:s22+$0x1A00]  }
0x39: {  	v5 =	vld [tilespmem:s22+$0x4C40];
	[tilespmem:s20+$0xB060] =	vst v2;
	v0 =	vadd.f32 v4, v0  }
0x3a: {  	v2 =	vld [tilespmem:s22+$0x1A40]  }
0x3b: {  	v4 =	vld [tilespmem:s22+$0x4C10];
	v1 =	vadd.f32 v6, v1;
	[tilespmem:s20+$0xB030] =	vst v0;
	s20 =	smov.u32 s22  }
0x3c: {  	v0 =	vld [tilespmem:s20+$0x1A10]  }
0x3d: {  	v3 =	vadd.f32 v3, v7;
	v6 =	vld [tilespmem:s20+$0x4C50];
	[tilespmem:s20+$0xB070] =	vst v1  }
0x3e: {  	v1 =	vld [tilespmem:s20+$0x1A50]  }
0x3f: {  	[tilespmem:s20+$0xB000] =	vst v3;
	v2 =	vadd.f32 v2, v5;
	v5 =	vld [tilespmem:s20+$0x4C20]  }
0x40: {  	v7 =	vld [tilespmem:s20+$0x1A20]  }
.Ltmp0:
0x41: {  	[tilespmem:s20+$0xB040] =	vst v2;
	v0 =	vadd.f32 v0, v4;
	v2 =	vld [tilespmem:s20+$0x4C60];
	(pc) =	sbr.rel @p0 .LBB2_2-.Ltmp0, $4  }
0x42: {  	v3 =	vld [tilespmem:s20+$0x1A60]  }
0x43: {  	[tilespmem:s20+$0xB010] =	vst v0;
	v6 =	vadd.f32 v1, v6;
	v0 =	vld [tilespmem:s20+$0x4C30]  }
0x44: {  	s22 =	sshra.s32 s25, $0x2;
	v4 =	vld [tilespmem:s20+$0x1A30]  }
0x45: {  	s25 =	sadd.s32 $0x200, s25;
	v1 =	vld [tilespmem:s22+$0x4C70];
	[tilespmem:s20+$0xB050] =	vst v6;
	v5 =	vadd.f32 v7, v5  }
0x46: {  	v6 =	vld [tilespmem:s22+$0x1A70]  }
0x47: {  	v7 =	vld [tilespmem:s22+$0x4C00];
	[tilespmem:s20+$0xB020] =	vst v5;
	v2 =	vadd.f32 v3, v2  }
0x48: {  	v3 =	vld [tilespmem:s22+$0x1A00]  }
0x49: {  	v5 =	vld [tilespmem:s22+$0x4C40];
	[tilespmem:s20+$0xB060] =	vst v2;
	v0 =	vadd.f32 v4, v0  }
0x4a: {  	v2 =	vld [tilespmem:s22+$0x1A40]  }
0x4b: {  	v4 =	vld [tilespmem:s22+$0x4C10];
	[tilespmem:s20+$0xB030] =	vst v0  }
0x4c: {  	v0 =	vadd.f32 v6, v1;
	v1 =	vld [tilespmem:s22+$0x1A10]  }
0x4d: {  	v6 =	vld [tilespmem:s22+$0x4C50]  }
0x4e: {  	v3 =	vadd.f32 v3, v7;
	[tilespmem:s22+$0xB070] =	vst v0;
	v0 =	vld [tilespmem:s22+$0x1A50]  }
0x4f: {  	v7 =	vld [tilespmem:s22+$0x1A30]  }
0x50: {  	[tilespmem:s22+$0xB000] =	vst v3;
	v2 =	vadd.f32 v2, v5;
	v3 =	vld [tilespmem:s22+$0x4C20]  }
0x51: {  	v5 =	vld [tilespmem:s22+$0x1A20]  }
0x52: {  	[tilespmem:s22+$0xB040] =	vst v2;
	v1 =	vadd.f32 v1, v4;
	v2 =	vld [tilespmem:s22+$0x4C60]  }
0x53: {  	v4 =	vld [tilespmem:s22+$0x1A60]  }
0x54: {  	[tilespmem:s22+$0xB010] =	vst v1;
	v1 =	vld [tilespmem:s22+$0x4C30];
	_ =	sdelay $0x1  }
0x55: {  	v0 =	vadd.f32 v0, v6  }
0x56: {  	v3 =	vadd.f32 v5, v3  }
0x57: {  	[tilespmem:s22+$0xB050] =	vst v0;
	v0 =	vadd.f32 v4, v2  }
0x58: {  	[tilespmem:s22+$0xB020] =	vst v3;
	v1 =	vadd.f32 v7, v1  }
0x59: {  	[tilespmem:s22+$0xB060] =	vst v0  }
0x5a: {  	s26 =	simm.s32 $0x1A0;
	[tilespmem:s22+$0xB030] =	vst v1  }
0x5b: {  	[tilespmem:s17], [sflag:$0x1] =	stream.indirect.gather [hbm4b:s4+s16], $0x40, s26, s16, $0xb8;
	[tilespmem:$0x11400] =	vst v63  }
0x5c: {  	s30 =	simm.s32 $0x208  }
0x5d: {  	[tilespmem:s19], [sflag:$0x1] =	stream.indirect.gather [hbm4b:s4+s16], $0x40, s30, s16, $0xb8;
	[tilespmem:$0x11400] =	vst v63  }
0x5e: {  	s31 =	simm.s32 $0x0  }
0x5f: {  	[hbm4b:s8+s31] =	stream.linear.scatter [tilespmem:s28], [sflag:$0x3], $0x3200, $0x38;
	[tilespmem:$0x11400] =	vst v63  }
0x60: {  	_ =	swait.ge [sflag:s29], $0x1900  }
0x61: {  	[sflag:s29] =	ssyncset.done $0x0  }
0x62: {  	[sflag:s29] =	ssyncadd.s32 $0xFFFFE700  }
0x63: {  	_ =	swait.ge [sflag:s29], $0x1900  }
0x64: {  	[sflag:s29] =	ssyncset.done $0x0  }
0x65: {  	s20 =	simm.s32 $0x0;
	[sflag:s29] =	ssyncadd.s32 $0xFFFFE700  }
0x66: {  	v0 =	vld [tilespmem:s20+$0x7E70]  }
0x67: {  	v1 =	vld [tilespmem:s20+$0x1A70]  }
0x68: {  	v2 =	vld [tilespmem:s20+$0x7E00]  }
0x69: {  	v3 =	vld [tilespmem:s20+$0x1A00]  }
0x6a: {  	v4 =	vld [tilespmem:s20+$0x7E40]  }
0x6b: {  	v5 =	vld [tilespmem:s20+$0x1A40]  }
0x6c: {  	v6 =	vld [tilespmem:s20+$0x7E10]  }
0x6d: {  	v7 =	vld [tilespmem:s20+$0x7E50]  }
0x6e: {  	v0 =	vadd.f32 v1, v0;
	v1 =	vld [tilespmem:s20+$0x1A10]  }
0x6f: {  	v8 =	vld [tilespmem:s20+$0x1A50]  }
0x70: {  	v9 =	vld [tilespmem:s20+$0x1A20];
	v2 =	vadd.f32 v3, v2  }
0x71: {  	[tilespmem:s20+$0xE270] =	vst v0;
	v0 =	vadd.f32 v5, v4;
	v5 =	vld [tilespmem:s20+$0x7E20]  }
0x72: {  	v3 =	vld [tilespmem:s20+$0x1A60];
	[tilespmem:s20+$0xE200] =	vst v2  }
0x73: {  	v2 =	vld [tilespmem:s20+$0x7E60];
	[tilespmem:s20+$0xE240] =	vst v0;
	v0 =	vadd.f32 v1, v6  }
0x74: {  	v4 =	vld [tilespmem:s20+$0x1A30];
	v6 =	vadd.f32 v8, v7  }
0x75: {  	s22 =	simm.s32 $0x80;
	[tilespmem:s20+$0xE210] =	vst v0;
	v0 =	vld [tilespmem:s20+$0x7E30]  }
0x76: {  	s25 =	simm.s32 $0x400;
	v5 =	vadd.f32 v9, v5;
	v1 =	vld [tilespmem:s22+$0x7E70];
	[tilespmem:s20+$0xE250] =	vst v6  }
.LBB2_4:
0x77: {  	p0 =	sne.s32 s25, $0xC600;
	v6 =	vld [tilespmem:s22+$0x1A70]  }
0x78: {  	v7 =	vld [tilespmem:s22+$0x7E00];
	[tilespmem:s20+$0xE220] =	vst v5;
	v2 =	vadd.f32 v3, v2  }
0x79: {  	v3 =	vld [tilespmem:s22+$0x1A00]  }
0x7a: {  	v5 =	vld [tilespmem:s22+$0x7E40];
	[tilespmem:s20+$0xE260] =	vst v2;
	v0 =	vadd.f32 v4, v0  }
0x7b: {  	v2 =	vld [tilespmem:s22+$0x1A40]  }
0x7c: {  	v4 =	vld [tilespmem:s22+$0x7E10];
	v1 =	vadd.f32 v6, v1;
	[tilespmem:s20+$0xE230] =	vst v0;
	s20 =	smov.u32 s22  }
0x7d: {  	v0 =	vld [tilespmem:s20+$0x1A10]  }
0x7e: {  	v3 =	vadd.f32 v3, v7;
	v6 =	vld [tilespmem:s20+$0x7E50];
	[tilespmem:s20+$0xE270] =	vst v1  }
0x7f: {  	v1 =	vld [tilespmem:s20+$0x1A50]  }
0x80: {  	[tilespmem:s20+$0xE200] =	vst v3;
	v2 =	vadd.f32 v2, v5;
	v5 =	vld [tilespmem:s20+$0x7E20]  }
0x81: {  	v7 =	vld [tilespmem:s20+$0x1A20]  }
.Ltmp1:
0x82: {  	[tilespmem:s20+$0xE240] =	vst v2;
	v0 =	vadd.f32 v0, v4;
	v2 =	vld [tilespmem:s20+$0x7E60];
	(pc) =	sbr.rel @p0 .LBB2_4-.Ltmp1, $4  }
0x83: {  	v3 =	vld [tilespmem:s20+$0x1A60]  }
0x84: {  	[tilespmem:s20+$0xE210] =	vst v0;
	v6 =	vadd.f32 v1, v6;
	v0 =	vld [tilespmem:s20+$0x7E30]  }
0x85: {  	s22 =	sshra.s32 s25, $0x2;
	v4 =	vld [tilespmem:s20+$0x1A30]  }
0x86: {  	s25 =	sadd.s32 $0x200, s25;
	v1 =	vld [tilespmem:s22+$0x7E70];
	[tilespmem:s20+$0xE250] =	vst v6;
	v5 =	vadd.f32 v7, v5  }
0x87: {  	v6 =	vld [tilespmem:s22+$0x1A70]  }
0x88: {  	v7 =	vld [tilespmem:s22+$0x7E00];
	[tilespmem:s20+$0xE220] =	vst v5;
	v2 =	vadd.f32 v3, v2  }
0x89: {  	v51 =	vld [tilespmem:s22+$0x1A00]  }
0x8a: {  	v5 =	vld [tilespmem:s22+$0x7E40];
	[tilespmem:s20+$0xE260] =	vst v2;
	v0 =	vadd.f32 v4, v0  }
0x8b: {  	v2 =	vld [tilespmem:s22+$0x1A40]  }
0x8c: {  	v52 =	vld [tilespmem:s22+$0x7E10];
	[tilespmem:s20+$0xE230] =	vst v0  }
0x8d: {  	v54 =	vld [tilespmem:s22+$0x1A10]  }
0x8e: {  	v55 =	vld [tilespmem:s22+$0x7E50]  }
0x8f: {  	v56 =	vld [tilespmem:s22+$0x1A50]  }
0x90: {  	v57 =	vld [tilespmem:s22+$0x7E20]  }
0x91: {  	v58 =	vld [tilespmem:s22+$0x1A20]  }
0x92: {  	v59 =	vld [tilespmem:s22+$0x7E60]  }
0x93: {  	v53 =	vadd.f32 v6, v1;
	v60 =	vld [tilespmem:s22+$0x1A60]  }
0x94: {  	v61 =	vld [tilespmem:s22+$0x7E30];
	v3 =	vadd.f32 v51, v7  }
0x95: {  	v62 =	vld [tilespmem:s22+$0x1A30];
	[tilespmem:s22+$0xE270] =	vst v53;
	v2 =	vadd.f32 v2, v5  }
0x96: {  	[tilespmem:s22+$0xE200] =	vst v3;
	v1 =	vadd.f32 v54, v52  }
0x97: {  	[tilespmem:s22+$0xE240] =	vst v2;
	v0 =	vadd.f32 v56, v55  }
0x98: {  	v3 =	vadd.f32 v58, v57;
	[tilespmem:s22+$0xE210] =	vst v1  }
0x99: {  	v63 =	vadd.f32 v60, v59;
	[tilespmem:s22+$0xE250] =	vst v0  }
0x9a: {  	[tilespmem:s22+$0xE220] =	vst v3;
	v1 =	vadd.f32 v62, v61  }
0x9b: {  	[tilespmem:s22+$0xE260] =	vst v63  }
0x9c: {  	s30 =	simm.s32 $0x270;
	[tilespmem:s22+$0xE230] =	vst v1  }
0x9d: {  	[tilespmem:s21], [sflag:$0x2] =	stream.indirect.gather [hbm4b:s4+s16], $0x40, s30, s16, $0xb8;
	[tilespmem:$0x11400] =	vst v63  }
0x9e: {  	s31 =	simm.s32 $0x2D8  }
0x9f: {  	[tilespmem:s23], [sflag:$0x2] =	stream.indirect.gather [hbm4b:s4+s16], $0x40, s31, s16, $0xb8;
	[tilespmem:$0x11400] =	vst v63  }
0xa0: {  	s20 =	simm.s32 $0x0  }
0xa1: {  	[hbm4b:s9+s20] =	stream.linear.scatter [tilespmem:s1], [sflag:$0x4], $0x3200, $0x38;
	[tilespmem:$0x11400] =	vst v63  }
.LBB2_6:
0xa2: {  	_ =	swait.ge [sflag:s24], $0x1900  }
0xa3: {  	[sflag:s24] =	ssyncset.done $0x0  }
0xa4: {  	[sflag:s24] =	ssyncadd.s32 $0xFFFFE700  }
0xa5: {  	_ =	swait.ge [sflag:s24], $0x1900  }
0xa6: {  	[sflag:s24] =	ssyncset.done $0x0  }
0xa7: {  	[sflag:s24] =	ssyncadd.s32 $0xFFFFE700  }
0xa8: {  	_ =	swait.ge [sflag:s0], $0x3200  }
0xa9: {  	[sflag:s0] =	ssyncset.done $0x0  }
0xaa: {  	s22 =	simm.s32 $0x0;
	[sflag:s0] =	ssyncadd.s32 $0xFFFFCE00  }
0xab: {  	v0 =	vld [tilespmem:s22+$0x4C70]  }
0xac: {  	v1 =	vld [tilespmem:s22+$0x1A70]  }
0xad: {  	v2 =	vld [tilespmem:s22+$0x4C00]  }
0xae: {  	v3 =	vld [tilespmem:s22+$0x1A00]  }
0xaf: {  	v4 =	vld [tilespmem:s22+$0x4C40]  }
0xb0: {  	v5 =	vld [tilespmem:s22+$0x1A40]  }
0xb1: {  	v6 =	vld [tilespmem:s22+$0x4C10]  }
0xb2: {  	v7 =	vld [tilespmem:s22+$0x4C50]  }
0xb3: {  	v0 =	vadd.f32 v1, v0;
	v1 =	vld [tilespmem:s22+$0x1A10]  }
0xb4: {  	v8 =	vld [tilespmem:s22+$0x1A50]  }
0xb5: {  	v9 =	vld [tilespmem:s22+$0x1A20];
	v2 =	vadd.f32 v3, v2  }
0xb6: {  	[tilespmem:s22+$0xB070] =	vst v0;
	v0 =	vadd.f32 v5, v4;
	v5 =	vld [tilespmem:s22+$0x4C20]  }
0xb7: {  	v3 =	vld [tilespmem:s22+$0x1A60];
	[tilespmem:s22+$0xB000] =	vst v2  }
0xb8: {  	v2 =	vld [tilespmem:s22+$0x4C60];
	[tilespmem:s22+$0xB040] =	vst v0;
	v0 =	vadd.f32 v1, v6  }
0xb9: {  	v4 =	vld [tilespmem:s22+$0x1A30];
	v6 =	vadd.f32 v8, v7  }
0xba: {  	s25 =	simm.s32 $0x80;
	[tilespmem:s22+$0xB010] =	vst v0;
	v0 =	vld [tilespmem:s22+$0x4C30]  }
0xbb: {  	s26 =	simm.s32 $0x400;
	v5 =	vadd.f32 v9, v5;
	v1 =	vld [tilespmem:s25+$0x4C70];
	[tilespmem:s22+$0xB050] =	vst v6  }
.LBB2_7:
0xbc: {  	p0 =	sne.s32 s26, $0xC600;
	v6 =	vld [tilespmem:s25+$0x1A70]  }
0xbd: {  	v7 =	vld [tilespmem:s25+$0x4C00];
	[tilespmem:s22+$0xB020] =	vst v5;
	v2 =	vadd.f32 v3, v2  }
0xbe: {  	v3 =	vld [tilespmem:s25+$0x1A00]  }
0xbf: {  	v5 =	vld [tilespmem:s25+$0x4C40];
	[tilespmem:s22+$0xB060] =	vst v2;
	v0 =	vadd.f32 v4, v0  }
0xc0: {  	v2 =	vld [tilespmem:s25+$0x1A40]  }
0xc1: {  	v4 =	vld [tilespmem:s25+$0x4C10];
	v1 =	vadd.f32 v6, v1;
	[tilespmem:s22+$0xB030] =	vst v0;
	s22 =	smov.u32 s25  }
0xc2: {  	v0 =	vld [tilespmem:s22+$0x1A10]  }
0xc3: {  	v3 =	vadd.f32 v3, v7;
	v6 =	vld [tilespmem:s22+$0x4C50];
	[tilespmem:s22+$0xB070] =	vst v1  }
0xc4: {  	v1 =	vld [tilespmem:s22+$0x1A50]  }
0xc5: {  	[tilespmem:s22+$0xB000] =	vst v3;
	v2 =	vadd.f32 v2, v5;
	v5 =	vld [tilespmem:s22+$0x4C20]  }
0xc6: {  	v7 =	vld [tilespmem:s22+$0x1A20]  }
.Ltmp2:
0xc7: {  	[tilespmem:s22+$0xB040] =	vst v2;
	v0 =	vadd.f32 v0, v4;
	v2 =	vld [tilespmem:s22+$0x4C60];
	(pc) =	sbr.rel @p0 .LBB2_7-.Ltmp2, $4  }
0xc8: {  	v3 =	vld [tilespmem:s22+$0x1A60]  }
0xc9: {  	[tilespmem:s22+$0xB010] =	vst v0;
	v6 =	vadd.f32 v1, v6;
	v0 =	vld [tilespmem:s22+$0x4C30]  }
0xca: {  	s25 =	sshra.s32 s26, $0x2;
	v4 =	vld [tilespmem:s22+$0x1A30]  }
0xcb: {  	s26 =	sadd.s32 $0x200, s26;
	v1 =	vld [tilespmem:s25+$0x4C70];
	[tilespmem:s22+$0xB050] =	vst v6;
	v5 =	vadd.f32 v7, v5  }
0xcc: {  	v6 =	vld [tilespmem:s25+$0x1A70]  }
0xcd: {  	v7 =	vld [tilespmem:s25+$0x4C00];
	[tilespmem:s22+$0xB020] =	vst v5;
	v2 =	vadd.f32 v3, v2  }
0xce: {  	v3 =	vld [tilespmem:s25+$0x1A00]  }
0xcf: {  	v5 =	vld [tilespmem:s25+$0x4C40];
	[tilespmem:s22+$0xB060] =	vst v2;
	v0 =	vadd.f32 v4, v0  }
0xd0: {  	v2 =	vld [tilespmem:s25+$0x1A40]  }
0xd1: {  	v4 =	vld [tilespmem:s25+$0x4C10];
	[tilespmem:s22+$0xB030] =	vst v0  }
0xd2: {  	v0 =	vadd.f32 v6, v1;
	v1 =	vld [tilespmem:s25+$0x1A10]  }
0xd3: {  	v6 =	vld [tilespmem:s25+$0x4C50]  }
0xd4: {  	v3 =	vadd.f32 v3, v7;
	[tilespmem:s25+$0xB070] =	vst v0;
	v0 =	vld [tilespmem:s25+$0x1A50]  }
0xd5: {  	v7 =	vld [tilespmem:s25+$0x1A30]  }
0xd6: {  	[tilespmem:s25+$0xB000] =	vst v3;
	v2 =	vadd.f32 v2, v5;
	v3 =	vld [tilespmem:s25+$0x4C20]  }
0xd7: {  	v5 =	vld [tilespmem:s25+$0x1A20]  }
0xd8: {  	[tilespmem:s25+$0xB040] =	vst v2;
	v1 =	vadd.f32 v1, v4;
	v2 =	vld [tilespmem:s25+$0x4C60]  }
0xd9: {  	v4 =	vld [tilespmem:s25+$0x1A60]  }
0xda: {  	[tilespmem:s25+$0xB010] =	vst v1;
	v1 =	vld [tilespmem:s25+$0x4C30];
	_ =	sdelay $0x1  }
0xdb: {  	v0 =	vadd.f32 v0, v6  }
0xdc: {  	s20 =	sadd.s32 $0x1, s20;
	v3 =	vadd.f32 v5, v3  }
0xdd: {  	s26 =	smul.u32 $0x680, s20;
	[tilespmem:s25+$0xB050] =	vst v0;
	v0 =	vadd.f32 v4, v2  }
0xde: {  	[tilespmem:s25+$0xB020] =	vst v3;
	v1 =	vadd.f32 v7, v1  }
0xdf: {  	s22 =	sshra.s32 s26, $0x2;
	[tilespmem:s25+$0xB060] =	vst v0  }
0xe0: {  	s26 =	sadd.s32 $0x1A0, s22;
	[tilespmem:s25+$0xB030] =	vst v1;
	s25 =	sshll.u32 s20, $0x1  }
0xe1: {  	[tilespmem:s17], [sflag:$0x1] =	stream.indirect.gather [hbm4b:s4+s16], $0x40, s26, s16, $0xb8;
	[tilespmem:$0x11400] =	vst v63  }
0xe2: {  	s26 =	sadd.s32 s3, s25  }
0xe3: {  	s30 =	sadd.s32 $0x208, s22;
	s26 =	smul.u32 $0x680, s26  }
0xe4: {  	[tilespmem:s19], [sflag:$0x1] =	stream.indirect.gather [hbm4b:s4+s16], $0x40, s30, s16, $0xb8;
	[tilespmem:$0x11400] =	vst v63  }
0xe5: {  	s30 =	simm.s32 $0x0;
	s26 =	sadd.s32 s6, s26  }
0xe6: {  	[hbm4b:s26+s30] =	stream.linear.scatter [tilespmem:s28], [sflag:$0x3], $0x3200, $0x38;
	[tilespmem:$0x11400] =	vst v63  }
0xe7: {  	_ =	swait.ge [sflag:s29], $0x1900  }
0xe8: {  	[sflag:s29] =	ssyncset.done $0x0  }
0xe9: {  	[sflag:s29] =	ssyncadd.s32 $0xFFFFE700  }
0xea: {  	_ =	swait.ge [sflag:s29], $0x1900  }
0xeb: {  	[sflag:s29] =	ssyncset.done $0x0  }
0xec: {  	[sflag:s29] =	ssyncadd.s32 $0xFFFFE700  }
0xed: {  	_ =	swait.ge [sflag:s15], $0x3200  }
0xee: {  	[sflag:s15] =	ssyncset.done $0x0  }
0xef: {  	s26 =	simm.s32 $0x0;
	[sflag:s15] =	ssyncadd.s32 $0xFFFFCE00  }
0xf0: {  	v0 =	vld [tilespmem:s26+$0x7E70]  }
0xf1: {  	v1 =	vld [tilespmem:s26+$0x1A70]  }
0xf2: {  	v2 =	vld [tilespmem:s26+$0x7E00]  }
0xf3: {  	v3 =	vld [tilespmem:s26+$0x1A00]  }
0xf4: {  	v4 =	vld [tilespmem:s26+$0x7E40]  }
0xf5: {  	v5 =	vld [tilespmem:s26+$0x1A40]  }
0xf6: {  	v6 =	vld [tilespmem:s26+$0x7E10]  }
0xf7: {  	v7 =	vld [tilespmem:s26+$0x7E50]  }
0xf8: {  	v0 =	vadd.f32 v1, v0;
	v1 =	vld [tilespmem:s26+$0x1A10]  }
0xf9: {  	v8 =	vld [tilespmem:s26+$0x1A50]  }
0xfa: {  	v9 =	vld [tilespmem:s26+$0x1A20];
	v2 =	vadd.f32 v3, v2  }
0xfb: {  	[tilespmem:s26+$0xE270] =	vst v0;
	v0 =	vadd.f32 v5, v4;
	v5 =	vld [tilespmem:s26+$0x7E20]  }
0xfc: {  	v3 =	vld [tilespmem:s26+$0x1A60];
	[tilespmem:s26+$0xE200] =	vst v2  }
0xfd: {  	v2 =	vld [tilespmem:s26+$0x7E60];
	[tilespmem:s26+$0xE240] =	vst v0;
	v0 =	vadd.f32 v1, v6  }
0xfe: {  	v4 =	vld [tilespmem:s26+$0x1A30];
	v6 =	vadd.f32 v8, v7  }
0xff: {  	s30 =	simm.s32 $0x80;
	[tilespmem:s26+$0xE210] =	vst v0;
	v0 =	vld [tilespmem:s26+$0x7E30]  }
0x100: {  	s31 =	simm.s32 $0x400;
	v5 =	vadd.f32 v9, v5;
	v1 =	vld [tilespmem:s30+$0x7E70];
	[tilespmem:s26+$0xE250] =	vst v6  }
.LBB2_9:
0x101: {  	p0 =	sne.s32 s31, $0xC600;
	v6 =	vld [tilespmem:s30+$0x1A70]  }
0x102: {  	v7 =	vld [tilespmem:s30+$0x7E00];
	[tilespmem:s26+$0xE220] =	vst v5;
	v2 =	vadd.f32 v3, v2  }
0x103: {  	v3 =	vld [tilespmem:s30+$0x1A00]  }
0x104: {  	v5 =	vld [tilespmem:s30+$0x7E40];
	[tilespmem:s26+$0xE260] =	vst v2;
	v0 =	vadd.f32 v4, v0  }
0x105: {  	v2 =	vld [tilespmem:s30+$0x1A40]  }
0x106: {  	v4 =	vld [tilespmem:s30+$0x7E10];
	v1 =	vadd.f32 v6, v1;
	[tilespmem:s26+$0xE230] =	vst v0;
	s26 =	smov.u32 s30  }
0x107: {  	v0 =	vld [tilespmem:s26+$0x1A10]  }
0x108: {  	v3 =	vadd.f32 v3, v7;
	v6 =	vld [tilespmem:s26+$0x7E50];
	[tilespmem:s26+$0xE270] =	vst v1  }
0x109: {  	v1 =	vld [tilespmem:s26+$0x1A50]  }
0x10a: {  	[tilespmem:s26+$0xE200] =	vst v3;
	v2 =	vadd.f32 v2, v5;
	v5 =	vld [tilespmem:s26+$0x7E20]  }
0x10b: {  	v7 =	vld [tilespmem:s26+$0x1A20]  }
.Ltmp3:
0x10c: {  	[tilespmem:s26+$0xE240] =	vst v2;
	v0 =	vadd.f32 v0, v4;
	v2 =	vld [tilespmem:s26+$0x7E60];
	(pc) =	sbr.rel @p0 .LBB2_9-.Ltmp3, $4  }
0x10d: {  	v3 =	vld [tilespmem:s26+$0x1A60]  }
0x10e: {  	[tilespmem:s26+$0xE210] =	vst v0;
	v6 =	vadd.f32 v1, v6;
	v0 =	vld [tilespmem:s26+$0x7E30]  }
0x10f: {  	s30 =	sshra.s32 s31, $0x2;
	v4 =	vld [tilespmem:s26+$0x1A30]  }
0x110: {  	s31 =	sadd.s32 $0x200, s31;
	v1 =	vld [tilespmem:s30+$0x7E70];
	[tilespmem:s26+$0xE250] =	vst v6;
	v5 =	vadd.f32 v7, v5  }
0x111: {  	v6 =	vld [tilespmem:s30+$0x1A70]  }
0x112: {  	v7 =	vld [tilespmem:s30+$0x7E00];
	[tilespmem:s26+$0xE220] =	vst v5;
	v2 =	vadd.f32 v3, v2  }
0x113: {  	v51 =	vld [tilespmem:s30+$0x1A00]  }
0x114: {  	v5 =	vld [tilespmem:s30+$0x7E40];
	[tilespmem:s26+$0xE260] =	vst v2;
	v0 =	vadd.f32 v4, v0  }
0x115: {  	v2 =	vld [tilespmem:s30+$0x1A40]  }
0x116: {  	v52 =	vld [tilespmem:s30+$0x7E10];
	[tilespmem:s26+$0xE230] =	vst v0  }
0x117: {  	v54 =	vld [tilespmem:s30+$0x1A10]  }
0x118: {  	v55 =	vld [tilespmem:s30+$0x7E50]  }
0x119: {  	v56 =	vld [tilespmem:s30+$0x1A50]  }
0x11a: {  	v57 =	vld [tilespmem:s30+$0x7E20]  }
0x11b: {  	v58 =	vld [tilespmem:s30+$0x1A20]  }
0x11c: {  	v59 =	vld [tilespmem:s30+$0x7E60]  }
0x11d: {  	v53 =	vadd.f32 v6, v1;
	v60 =	vld [tilespmem:s30+$0x1A60]  }
0x11e: {  	v61 =	vld [tilespmem:s30+$0x7E30];
	v3 =	vadd.f32 v51, v7  }
0x11f: {  	v62 =	vld [tilespmem:s30+$0x1A30];
	[tilespmem:s30+$0xE270] =	vst v53;
	v2 =	vadd.f32 v2, v5  }
0x120: {  	[tilespmem:s30+$0xE200] =	vst v3;
	v1 =	vadd.f32 v54, v52  }
0x121: {  	[tilespmem:s30+$0xE240] =	vst v2;
	v0 =	vadd.f32 v56, v55  }
0x122: {  	v3 =	vadd.f32 v58, v57;
	[tilespmem:s30+$0xE210] =	vst v1  }
0x123: {  	v63 =	vadd.f32 v60, v59;
	[tilespmem:s30+$0xE250] =	vst v0  }
0x124: {  	[tilespmem:s30+$0xE220] =	vst v3;
	v1 =	vadd.f32 v62, v61  }
0x125: {  	[tilespmem:s30+$0xE260] =	vst v63  }
0x126: {  	s31 =	sadd.s32 $0x270, s22;
	p0 =	sne.s32 s20, $0xE;
	[tilespmem:s30+$0xE230] =	vst v1  }
0x127: {  	[tilespmem:s21], [sflag:$0x2] =	stream.indirect.gather [hbm4b:s4+s16], $0x40, s31, s16, $0xb8;
	[tilespmem:$0x11400] =	vst v63  }
.Ltmp4:
0x128: {  	s25 =	sadd.s32 s25, s10;
	(pc) =	sbr.rel @p0 .LBB2_6-.Ltmp4, $4  }
0x129: {  	s25 =	smul.u32 $0x680, s25;
	s30 =	sadd.s32 $0x2D8, s22  }
0x12a: {  	[tilespmem:s23], [sflag:$0x2] =	stream.indirect.gather [hbm4b:s4+s16], $0x40, s30, s16, $0xb8;
	[tilespmem:$0x11400] =	vst v63  }
0x12b: {  	s31 =	sadd.s32 s6, s25  }
0x12c: {  	[hbm4b:s31+s2] =	stream.linear.scatter [tilespmem:s1], [sflag:$0x4], $0x3200, $0x38;
	[tilespmem:$0x11400] =	vst v63  }
0x12d: {  	_ =	swait.ge [sflag:s24], $0x1900  }
0x12e: {  	[sflag:s24] =	ssyncset.done $0x0  }
0x12f: {  	[sflag:s24] =	ssyncadd.s32 $0xFFFFE700  }
0x130: {  	_ =	swait.ge [sflag:s24], $0x1900  }
0x131: {  	[sflag:s24] =	ssyncset.done $0x0  }
0x132: {  	[sflag:s24] =	ssyncadd.s32 $0xFFFFE700  }
0x133: {  	_ =	swait.ge [sflag:s0], $0x3200  }
0x134: {  	[sflag:s0] =	ssyncset.done $0x0  }
0x135: {  	s20 =	simm.s32 $0x0;
	[sflag:s0] =	ssyncadd.s32 $0xFFFFCE00  }
0x136: {  	v0 =	vld [tilespmem:s20+$0x4C70]  }
0x137: {  	v1 =	vld [tilespmem:s20+$0x1A70]  }
0x138: {  	v2 =	vld [tilespmem:s20+$0x4C00]  }
0x139: {  	v3 =	vld [tilespmem:s20+$0x1A00]  }
0x13a: {  	v4 =	vld [tilespmem:s20+$0x4C40]  }
0x13b: {  	v5 =	vld [tilespmem:s20+$0x1A40]  }
0x13c: {  	v6 =	vld [tilespmem:s20+$0x4C10]  }
0x13d: {  	v7 =	vld [tilespmem:s20+$0x4C50]  }
0x13e: {  	v0 =	vadd.f32 v1, v0;
	v1 =	vld [tilespmem:s20+$0x1A10]  }
0x13f: {  	v8 =	vld [tilespmem:s20+$0x1A50]  }
0x140: {  	v9 =	vld [tilespmem:s20+$0x1A20];
	v2 =	vadd.f32 v3, v2  }
0x141: {  	[tilespmem:s20+$0xB070] =	vst v0;
	v0 =	vadd.f32 v5, v4;
	v5 =	vld [tilespmem:s20+$0x4C20]  }
0x142: {  	v3 =	vld [tilespmem:s20+$0x1A60];
	[tilespmem:s20+$0xB000] =	vst v2  }
0x143: {  	v2 =	vld [tilespmem:s20+$0x4C60];
	[tilespmem:s20+$0xB040] =	vst v0;
	v0 =	vadd.f32 v1, v6  }
0x144: {  	v4 =	vld [tilespmem:s20+$0x1A30];
	v6 =	vadd.f32 v8, v7  }
0x145: {  	s22 =	simm.s32 $0x80;
	[tilespmem:s20+$0xB010] =	vst v0;
	v0 =	vld [tilespmem:s20+$0x4C30]  }
0x146: {  	s25 =	simm.s32 $0x400;
	v5 =	vadd.f32 v9, v5;
	v1 =	vld [tilespmem:s22+$0x4C70];
	[tilespmem:s20+$0xB050] =	vst v6  }
.LBB2_12:
0x147: {  	p0 =	sne.s32 s25, $0xC600;
	v6 =	vld [tilespmem:s22+$0x1A70]  }
0x148: {  	v7 =	vld [tilespmem:s22+$0x4C00];
	[tilespmem:s20+$0xB020] =	vst v5;
	v2 =	vadd.f32 v3, v2  }
0x149: {  	v3 =	vld [tilespmem:s22+$0x1A00]  }
0x14a: {  	v5 =	vld [tilespmem:s22+$0x4C40];
	[tilespmem:s20+$0xB060] =	vst v2;
	v0 =	vadd.f32 v4, v0  }
0x14b: {  	v2 =	vld [tilespmem:s22+$0x1A40]  }
0x14c: {  	v4 =	vld [tilespmem:s22+$0x4C10];
	v1 =	vadd.f32 v6, v1;
	[tilespmem:s20+$0xB030] =	vst v0;
	s20 =	smov.u32 s22  }
0x14d: {  	v0 =	vld [tilespmem:s20+$0x1A10]  }
0x14e: {  	v3 =	vadd.f32 v3, v7;
	v6 =	vld [tilespmem:s20+$0x4C50];
	[tilespmem:s20+$0xB070] =	vst v1  }
0x14f: {  	v1 =	vld [tilespmem:s20+$0x1A50]  }
0x150: {  	[tilespmem:s20+$0xB000] =	vst v3;
	v2 =	vadd.f32 v2, v5;
	v5 =	vld [tilespmem:s20+$0x4C20]  }
0x151: {  	v7 =	vld [tilespmem:s20+$0x1A20]  }
.Ltmp5:
0x152: {  	[tilespmem:s20+$0xB040] =	vst v2;
	v0 =	vadd.f32 v0, v4;
	v2 =	vld [tilespmem:s20+$0x4C60];
	(pc) =	sbr.rel @p0 .LBB2_12-.Ltmp5, $4  }
0x153: {  	v3 =	vld [tilespmem:s20+$0x1A60]  }
0x154: {  	[tilespmem:s20+$0xB010] =	vst v0;
	v6 =	vadd.f32 v1, v6;
	v0 =	vld [tilespmem:s20+$0x4C30]  }
0x155: {  	s22 =	sshra.s32 s25, $0x2;
	v4 =	vld [tilespmem:s20+$0x1A30]  }
0x156: {  	s25 =	sadd.s32 $0x200, s25;
	v1 =	vld [tilespmem:s22+$0x4C70];
	[tilespmem:s20+$0xB050] =	vst v6;
	v5 =	vadd.f32 v7, v5  }
0x157: {  	v6 =	vld [tilespmem:s22+$0x1A70]  }
0x158: {  	v7 =	vld [tilespmem:s22+$0x4C00];
	[tilespmem:s20+$0xB020] =	vst v5;
	v2 =	vadd.f32 v3, v2  }
0x159: {  	v3 =	vld [tilespmem:s22+$0x1A00]  }
0x15a: {  	v5 =	vld [tilespmem:s22+$0x4C40];
	[tilespmem:s20+$0xB060] =	vst v2;
	v0 =	vadd.f32 v4, v0  }
0x15b: {  	v2 =	vld [tilespmem:s22+$0x1A40]  }
0x15c: {  	v4 =	vld [tilespmem:s22+$0x4C10];
	[tilespmem:s20+$0xB030] =	vst v0  }
0x15d: {  	v0 =	vadd.f32 v6, v1;
	v1 =	vld [tilespmem:s22+$0x1A10]  }
0x15e: {  	v6 =	vld [tilespmem:s22+$0x4C50]  }
0x15f: {  	v3 =	vadd.f32 v3, v7;
	[tilespmem:s22+$0xB070] =	vst v0;
	v0 =	vld [tilespmem:s22+$0x1A50]  }
0x160: {  	v7 =	vld [tilespmem:s22+$0x1A30]  }
0x161: {  	[tilespmem:s22+$0xB000] =	vst v3;
	v2 =	vadd.f32 v2, v5;
	v3 =	vld [tilespmem:s22+$0x4C20]  }
0x162: {  	v5 =	vld [tilespmem:s22+$0x1A20]  }
0x163: {  	[tilespmem:s22+$0xB040] =	vst v2;
	v1 =	vadd.f32 v1, v4;
	v2 =	vld [tilespmem:s22+$0x4C60]  }
0x164: {  	v4 =	vld [tilespmem:s22+$0x1A60]  }
0x165: {  	[tilespmem:s22+$0xB010] =	vst v1;
	v1 =	vld [tilespmem:s22+$0x4C30];
	_ =	sdelay $0x1  }
0x166: {  	v0 =	vadd.f32 v0, v6  }
0x167: {  	v3 =	vadd.f32 v5, v3  }
0x168: {  	[tilespmem:s22+$0xB050] =	vst v0;
	v0 =	vadd.f32 v4, v2  }
0x169: {  	[tilespmem:s22+$0xB020] =	vst v3;
	v1 =	vadd.f32 v7, v1  }
0x16a: {  	[tilespmem:s22+$0xB060] =	vst v0  }
0x16b: {  	s31 =	simm.s32 $0x0;
	[tilespmem:s22+$0xB030] =	vst v1  }
0x16c: {  	[hbm4b:s11+s31] =	stream.linear.scatter [tilespmem:s28], [sflag:$0x3], $0x3200, $0x38;
	[tilespmem:$0x11400] =	vst v63  }
0x16d: {  	_ =	swait.ge [sflag:s29], $0x1900  }
0x16e: {  	[sflag:s29] =	ssyncset.done $0x0  }
0x16f: {  	[sflag:s29] =	ssyncadd.s32 $0xFFFFE700  }
0x170: {  	_ =	swait.ge [sflag:s29], $0x1900  }
0x171: {  	[sflag:s29] =	ssyncset.done $0x0  }
0x172: {  	[sflag:s29] =	ssyncadd.s32 $0xFFFFE700  }
0x173: {  	_ =	swait.ge [sflag:s15], $0x3200  }
0x174: {  	[sflag:s15] =	ssyncset.done $0x0  }
0x175: {  	s20 =	simm.s32 $0x0;
	[sflag:s15] =	ssyncadd.s32 $0xFFFFCE00  }
0x176: {  	v0 =	vld [tilespmem:s20+$0x7E70]  }
0x177: {  	v1 =	vld [tilespmem:s20+$0x1A70]  }
0x178: {  	v2 =	vld [tilespmem:s20+$0x7E00]  }
0x179: {  	v3 =	vld [tilespmem:s20+$0x1A00]  }
0x17a: {  	v4 =	vld [tilespmem:s20+$0x7E40]  }
0x17b: {  	v5 =	vld [tilespmem:s20+$0x1A40]  }
0x17c: {  	v6 =	vld [tilespmem:s20+$0x7E10]  }
0x17d: {  	v7 =	vld [tilespmem:s20+$0x7E50]  }
0x17e: {  	v0 =	vadd.f32 v1, v0;
	v1 =	vld [tilespmem:s20+$0x1A10]  }
0x17f: {  	v8 =	vld [tilespmem:s20+$0x1A50]  }
0x180: {  	v9 =	vld [tilespmem:s20+$0x1A20];
	v2 =	vadd.f32 v3, v2  }
0x181: {  	[tilespmem:s20+$0xE270] =	vst v0;
	v0 =	vadd.f32 v5, v4;
	v5 =	vld [tilespmem:s20+$0x7E20]  }
0x182: {  	v3 =	vld [tilespmem:s20+$0x1A60];
	[tilespmem:s20+$0xE200] =	vst v2  }
0x183: {  	v2 =	vld [tilespmem:s20+$0x7E60];
	[tilespmem:s20+$0xE240] =	vst v0;
	v0 =	vadd.f32 v1, v6  }
0x184: {  	v4 =	vld [tilespmem:s20+$0x1A30];
	v6 =	vadd.f32 v8, v7  }
0x185: {  	s22 =	simm.s32 $0x80;
	[tilespmem:s20+$0xE210] =	vst v0;
	v0 =	vld [tilespmem:s20+$0x7E30]  }
0x186: {  	s25 =	simm.s32 $0x400;
	v5 =	vadd.f32 v9, v5;
	v1 =	vld [tilespmem:s22+$0x7E70];
	[tilespmem:s20+$0xE250] =	vst v6  }
.LBB2_14:
0x187: {  	p0 =	sne.s32 s25, $0xC600;
	v6 =	vld [tilespmem:s22+$0x1A70]  }
0x188: {  	v7 =	vld [tilespmem:s22+$0x7E00];
	[tilespmem:s20+$0xE220] =	vst v5;
	v2 =	vadd.f32 v3, v2  }
0x189: {  	v3 =	vld [tilespmem:s22+$0x1A00]  }
0x18a: {  	v5 =	vld [tilespmem:s22+$0x7E40];
	[tilespmem:s20+$0xE260] =	vst v2;
	v0 =	vadd.f32 v4, v0  }
0x18b: {  	v2 =	vld [tilespmem:s22+$0x1A40]  }
0x18c: {  	v4 =	vld [tilespmem:s22+$0x7E10];
	v1 =	vadd.f32 v6, v1;
	[tilespmem:s20+$0xE230] =	vst v0;
	s20 =	smov.u32 s22  }
0x18d: {  	v0 =	vld [tilespmem:s20+$0x1A10]  }
0x18e: {  	v3 =	vadd.f32 v3, v7;
	v6 =	vld [tilespmem:s20+$0x7E50];
	[tilespmem:s20+$0xE270] =	vst v1  }
0x18f: {  	v1 =	vld [tilespmem:s20+$0x1A50]  }
0x190: {  	[tilespmem:s20+$0xE200] =	vst v3;
	v2 =	vadd.f32 v2, v5;
	v5 =	vld [tilespmem:s20+$0x7E20]  }
0x191: {  	v7 =	vld [tilespmem:s20+$0x1A20]  }
.Ltmp6:
0x192: {  	[tilespmem:s20+$0xE240] =	vst v2;
	v0 =	vadd.f32 v0, v4;
	v2 =	vld [tilespmem:s20+$0x7E60];
	(pc) =	sbr.rel @p0 .LBB2_14-.Ltmp6, $4  }
0x193: {  	v3 =	vld [tilespmem:s20+$0x1A60]  }
0x194: {  	[tilespmem:s20+$0xE210] =	vst v0;
	v6 =	vadd.f32 v1, v6;
	v0 =	vld [tilespmem:s20+$0x7E30]  }
0x195: {  	s22 =	sshra.s32 s25, $0x2;
	v4 =	vld [tilespmem:s20+$0x1A30]  }
0x196: {  	s25 =	sadd.s32 $0x200, s25;
	v1 =	vld [tilespmem:s22+$0x7E70];
	[tilespmem:s20+$0xE250] =	vst v6;
	v5 =	vadd.f32 v7, v5  }
0x197: {  	v6 =	vld [tilespmem:s22+$0x1A70]  }
0x198: {  	v7 =	vld [tilespmem:s22+$0x7E00];
	[tilespmem:s20+$0xE220] =	vst v5;
	v2 =	vadd.f32 v3, v2  }
0x199: {  	v51 =	vld [tilespmem:s22+$0x1A00]  }
0x19a: {  	v5 =	vld [tilespmem:s22+$0x7E40];
	[tilespmem:s20+$0xE260] =	vst v2;
	v0 =	vadd.f32 v4, v0  }
0x19b: {  	v2 =	vld [tilespmem:s22+$0x1A40]  }
0x19c: {  	v52 =	vld [tilespmem:s22+$0x7E10];
	[tilespmem:s20+$0xE230] =	vst v0  }
0x19d: {  	v54 =	vld [tilespmem:s22+$0x1A10]  }
0x19e: {  	v55 =	vld [tilespmem:s22+$0x7E50]  }
0x19f: {  	v56 =	vld [tilespmem:s22+$0x1A50]  }
0x1a0: {  	v57 =	vld [tilespmem:s22+$0x7E20]  }
0x1a1: {  	v58 =	vld [tilespmem:s22+$0x1A20]  }
0x1a2: {  	v59 =	vld [tilespmem:s22+$0x7E60]  }
0x1a3: {  	v53 =	vadd.f32 v6, v1;
	v60 =	vld [tilespmem:s22+$0x1A60]  }
0x1a4: {  	v61 =	vld [tilespmem:s22+$0x7E30];
	v3 =	vadd.f32 v51, v7  }
0x1a5: {  	v62 =	vld [tilespmem:s22+$0x1A30];
	[tilespmem:s22+$0xE270] =	vst v53;
	v2 =	vadd.f32 v2, v5  }
0x1a6: {  	[tilespmem:s22+$0xE200] =	vst v3;
	v1 =	vadd.f32 v54, v52  }
0x1a7: {  	[tilespmem:s22+$0xE240] =	vst v2;
	v0 =	vadd.f32 v56, v55  }
0x1a8: {  	v3 =	vadd.f32 v58, v57;
	[tilespmem:s22+$0xE210] =	vst v1  }
0x1a9: {  	v63 =	vadd.f32 v60, v59;
	[tilespmem:s22+$0xE250] =	vst v0  }
0x1aa: {  	[tilespmem:s22+$0xE220] =	vst v3;
	v1 =	vadd.f32 v62, v61  }
0x1ab: {  	[tilespmem:s22+$0xE260] =	vst v63  }
0x1ac: {  	s18 =	sadd.s32 $0x1, s18;
	[tilespmem:s22+$0xE230] =	vst v1  }
0x1ad: {  	[hbm4b:s12+s2] =	stream.linear.scatter [tilespmem:s1], [sflag:$0x4], $0x3200, $0x38;
	[tilespmem:$0x11400] =	vst v63  }
0x1ae: {  	p0 =	sne.s32 s18, s13;
	_ =	swait.ge [sflag:s0], $0x3200  }
.Ltmp7:
0x1af: {  	[sflag:s0] =	ssyncset.done $0x0;
	(pc) =	sbr.rel @p0 .LBB2_1-.Ltmp7, $4  }
0x1b0: {  	[sflag:s0] =	ssyncadd.s32 $0xFFFFCE00  }
0x1b1: {  	_ =	swait.ge [sflag:s15], $0x3200  }
0x1b2: {  	[sflag:s15] =	ssyncset.done $0x0  }
0x1b3: {  	[sflag:s15] =	ssyncadd.s32 $0xFFFFCE00  }
0x1b4: {  	_ =	sfence.sel $0x180000  }
0x1b5: {  	[bflag:$0x0] =	sbarrier.arrive $0xFFFF  }
0x1b6: {  	_ =	strace $0x90000047  }
0x1b7: {  	s0 =	stileid.u32;
	[bflag:$0x2] =	sbarrier.arrive $0xFFFF  }
0x1b8: {  	p0 =	sne.s32 s0, $0x0;
	s0 =	rddreg [dreg:$0x1]  }
0x1b9: {  	s0 =	sadd.s32 @!p0 $0x100000, s0  }
0x1ba: {  	[sflag:s0] =	ssyncadd.tile.s32 @!p0 $0x1;
	_ =	shalt  }
.Lfunc_end2:
_tile_overlayer_lowered:
.L_overlay_start_2:
0x1bb: {  	(tag) =	ssettag $0x2  }
0x1bc: {  	s0 =	rddreg [dreg:$0x0];
	s2 =	stileid.u32  }
0x1bd: {  	s1 =	rddreg [dreg:$0x1];
	p0 =	sne.s32 s2, $0x0  }
0x1be: {  	s3 =	rddreg [dreg:$0x2];
	[bflag:$0x3] =	sbarrier.arrive $0xFFFF;
	s2 =	simm.s32 @!p0 $0x1C05  }
0x1bf: {  	[timem:s3], [sflag:s2] =	dma.local @!p0 [hbm:s0], s1  }
0x1c0: {  	s0 =	simm.s32 @!p0 $0x5  }
0x1c1: {  	_ =	swait.ge @!p0 [sflag:s0], s1  }
0x1c2: {  	s1 =	ssub.s32 @!p0 $0x0, s1;
	[sflag:s0] =	ssyncset.done @!p0 $0x0  }
0x1c3: {  	[sflag:s0] =	ssyncadd.s32 @!p0 s1  }
0x1c4: {  	[bflag:$0x3] =	sbarrier.arrive $0xFFFF  }
0x1c5: {  	_ =	shalt  }

</sc_bundles>
